<compile_context>
chip_gen: v7x
topology: tpu7x:2x2x1
jax: 0.10.2.dev20260603
libtpu: 0.0.44.dev20260713+nightly
codegen_flags: <defaults>
</compile_context>

<pallas_src>
import jax
import jax.numpy as jnp
from jax import lax
from jax.experimental import pallas as pl
from jax.experimental.pallas import tpu as pltpu
from jax.experimental.pallas import tpu_sc as plsc

N = 10000
NPAD = 10240
E = 320000
D_IN = 128
D_H = 256
D_OUT = 128
BATCH = 8192
IDS = 3 * BATCH

NC, NS = 2, 16
NW = NC * NS
C = 128
NCH = 80
EPW = NCH * C
EPAD = NW * EPW
RPT = NPAD // NS
RC = 80
IPW = IDS // NW
GC = 128

_mesh = plsc.VectorSubcoreMesh(
    core_axis_name="c", subcore_axis_name="s", num_cores=NC, num_subcores=NS)


def _make_edge_agg():
  scratch = [
      pltpu.VMEM((C,), jnp.int32),
      pltpu.VMEM((C,), jnp.int32),
      pltpu.VMEM((C,), jnp.int32),
      pltpu.VMEM((C,), jnp.int32),
      pltpu.VMEM((C, 128), jnp.float32),
      pltpu.VMEM((C, 128), jnp.float32),
      pltpu.VMEM_SHARED((NPAD, 128), jnp.float32),
      pltpu.SemaphoreType.DMA,
      pltpu.SemaphoreType.DMA,
      pltpu.SemaphoreType.DMA,
      pltpu.SemaphoreType.DMA,
  ]

  def body(x_hbm, src_hbm, dst_hbm, agg_out, src_v0, src_v1, dst_v0, dst_v1,
           rows0, rows1, acc_sh, sg0, sg1, ss0, ss1):
    src_v = (src_v0, src_v1)
    dst_v = (dst_v0, dst_v1)
    rows = (rows0, rows1)
    sg = (sg0, sg1)
    ss = (ss0, ss1)
    cid = lax.axis_index("c")
    sid = lax.axis_index("s")
    wid = sid * NC + cid
    z16 = jnp.zeros((16,), jnp.float32)

    def zrow(i, carry):
      for k in range(8):
        rows0[i, pl.ds(k * 16, 16)] = z16
      return carry
    lax.fori_loop(0, C, zrow, 0)
    row0 = sid * RPT
    for j in range(RPT // C):
      pltpu.async_copy(rows0, acc_sh.at[pl.ds(row0 + j * C, C)], ss0)
    for j in range(RPT // C):
      pltpu.make_async_copy(rows0, acc_sh.at[pl.ds(row0 + j * C, C)],
                            ss0).wait()
    plsc.subcore_barrier()

    ebase = wid * EPW

    def ld_src(i, b):
      pltpu.sync_copy(src_hbm.at[pl.ds(ebase + i * C, C)], src_v[b])

    def ld_dst(i, b):
      pltpu.sync_copy(dst_hbm.at[pl.ds(ebase + i * C, C)], dst_v[b])

    def g_start(b):
      pltpu.async_copy(x_hbm.at[src_v[b]], rows[b], sg[b])

    def g_wait(b):
      pltpu.make_async_copy(x_hbm.at[src_v[b]], rows[b], sg[b]).wait()

    def s_start(b):
      pltpu.async_copy(rows[b], acc_sh.at[dst_v[b]], ss[b], add=True)

    def s_wait(b):
      pltpu.make_async_copy(rows[b], acc_sh.at[dst_v[b]], ss[b]).wait()

    T = NCH // 2
    ld_src(0, 0)
    g_start(0)

    def super_chunk(t, carry):
      i0 = 2 * t
      ld_dst(i0, 0)
      ld_src(i0 + 1, 1)

      @pl.when(t > 0)
      def _():
        s_wait(1)
      g_start(1)
      ld_dst(i0 + 1, 1)
      g_wait(0)
      s_start(0)
      g_wait(1)
      s_start(1)
      s_wait(0)

      @pl.when(t + 1 < T)
      def _():
        ld_src(i0 + 2, 0)
        g_start(0)
      return carry
    lax.fori_loop(0, T, super_chunk, 0)
    s_wait(1)
    plsc.subcore_barrier()

    obase = cid * NPAD + row0
    NR = RPT // C
    for j in range(NR):
      b = j % 2
      if j >= 2:
        pltpu.make_async_copy(
            rows[b], agg_out.at[pl.ds(obase + (j - 2) * C, C)], sg[b]).wait()
      pltpu.sync_copy(acc_sh.at[pl.ds(row0 + j * C, C)], rows[b])
      pltpu.async_copy(rows[b], agg_out.at[pl.ds(obase + j * C, C)], sg[b])
    for j in range(max(NR - 2, 0), NR):
      b = j % 2
      pltpu.make_async_copy(
          rows[b], agg_out.at[pl.ds(obase + j * C, C)], sg[b]).wait()

  return pl.kernel(
      body,
      out_type=jax.ShapeDtypeStruct((NC * NPAD, 128), jnp.float32),
      mesh=_mesh,
      scratch_types=scratch,
      compiler_params=pltpu.CompilerParams(use_tc_tiling_on_sc=False),
  )


def _deg_body(dst_hbm, deg_out, dst_all, ones_v, degst, deg_sh, sem):
  cid = lax.axis_index("c")
  sid = lax.axis_index("s")
  wid = sid * NC + cid
  z16 = jnp.zeros((16,), jnp.float32)
  row0 = sid * RPT

  pltpu.sync_copy(dst_hbm.at[wid], dst_all)

  def onesrow(i, carry):
    ones_v[i] = jnp.full((16,), 1.0, jnp.float32)
    return carry
  lax.fori_loop(0, C, onesrow, 0)

  def zdrow(i, carry):
    degst[i] = z16
    return carry
  lax.fori_loop(0, RPT, zdrow, 0)
  pltpu.sync_copy(degst, deg_sh.at[pl.ds(row0, RPT)])
  plsc.subcore_barrier()

  DGB = 8
  def chunk(t, carry):
    for k in range(DGB):
      pltpu.async_copy(ones_v, deg_sh.at[dst_all.at[t * DGB + k]], sem,
                       add=True)
    for k in range(DGB):
      pltpu.make_async_copy(ones_v, deg_sh.at[dst_all.at[t * DGB + k]],
                            sem).wait()
    return carry
  lax.fori_loop(0, NCH // DGB, chunk, 0)
  plsc.subcore_barrier()

  obase = cid * NPAD + row0
  pltpu.sync_copy(deg_sh.at[pl.ds(row0, RPT)], degst)
  pltpu.sync_copy(degst, deg_out.at[pl.ds(obase, RPT)])


_deg_count = pl.kernel(
    _deg_body,
    out_type=jax.ShapeDtypeStruct((NC * NPAD, 16), jnp.float32),
    mesh=_mesh,
    scratch_types=[
        pltpu.VMEM((NCH, C), jnp.int32),
        pltpu.VMEM((C, 16), jnp.float32),
        pltpu.VMEM((RPT, 16), jnp.float32),
        pltpu.VMEM_SHARED((NPAD, 16), jnp.float32),
        pltpu.SemaphoreType.DMA,
    ],
    compiler_params=pltpu.CompilerParams(use_tc_tiling_on_sc=False),
)

_edge_agg = _make_edge_agg()


def _gather_body(h_hbm, ids_hbm, out_hbm, idx_all, rowsa, rowsb,
                 sga, sgb, soa, sob):
  wid = lax.axis_index("s") * NC + lax.axis_index("c")
  base = wid * IPW
  rows = (rowsa, rowsb)
  sg = (sga, sgb)
  so = (soa, sob)
  NJ = IPW // GC
  pltpu.sync_copy(ids_hbm.at[pl.ds(base, IPW)], idx_all)

  def g_start(j, b):
    pltpu.async_copy(h_hbm.at[idx_all.at[pl.ds(j * GC, GC)]], rows[b], sg[b])

  def g_wait(j, b):
    pltpu.make_async_copy(h_hbm.at[idx_all.at[pl.ds(j * GC, GC)]], rows[b],
                          sg[b]).wait()

  def o_start(j, b):
    pltpu.async_copy(rows[b], out_hbm.at[pl.ds(base + j * GC, GC)], so[b])

  def o_wait(j, b):
    pltpu.make_async_copy(rows[b], out_hbm.at[pl.ds(base + j * GC, GC)],
                          so[b]).wait()

  g_start(0, 0)
  for j in range(NJ):
    b = j % 2
    g_wait(j, b)
    if j >= 2:
      o_wait(j - 2, b)
    o_start(j, b)
    if j + 1 < NJ:
      g_start(j + 1, b ^ 1)
  for j in range(max(NJ - 2, 0), NJ):
    o_wait(j, j % 2)


_gather_rows = pl.kernel(
    _gather_body,
    out_type=jax.ShapeDtypeStruct((IDS, 128), jnp.float32),
    mesh=_mesh,
    scratch_types=[
        pltpu.VMEM((IPW,), jnp.int32),
        pltpu.VMEM((GC, 128), jnp.float32),
        pltpu.VMEM((GC, 128), jnp.float32),
        pltpu.SemaphoreType.DMA,
        pltpu.SemaphoreType.DMA,
        pltpu.SemaphoreType.DMA,
        pltpu.SemaphoreType.DMA,
    ],
    compiler_params=pltpu.CompilerParams(use_tc_tiling_on_sc=False),
)


RB = 1280


def _layer_kernel(aggp, degp, nf, wn0, wr0, b0, wn1, wr1, b1, y_ref, xr_ref):
  agg = aggp[0] + aggp[1]
  deg = degp[0, :, 0:1] + degp[1, :, 0:1]
  rd = 1.0 / jnp.maximum(deg, 1.0)
  mean0 = agg * rd
  h = jnp.dot(mean0, wn0[...], preferred_element_type=jnp.float32)
  h = h + jnp.dot(nf[...], wr0[...], preferred_element_type=jnp.float32)
  h = jnp.maximum(h + b0[...], 0.0)
  y_ref[...] = jnp.dot(h, wn1[...], preferred_element_type=jnp.float32)
  xr_ref[...] = jnp.dot(h, wr1[...], preferred_element_type=jnp.float32) + b1[...]


def _layer_call(aggp, degp, nf, wn0, wr0, b0, wn1, wr1, b1):
  return pl.pallas_call(
      _layer_kernel,
      grid=(NPAD // RB,),
      in_specs=[
          pl.BlockSpec((NC, RB, 128), lambda i: (0, i, 0)),
          pl.BlockSpec((NC, RB, 16), lambda i: (0, i, 0)),
          pl.BlockSpec((RB, 128), lambda i: (i, 0)),
          pl.BlockSpec((D_IN, D_H), lambda i: (0, 0)),
          pl.BlockSpec((D_IN, D_H), lambda i: (0, 0)),
          pl.BlockSpec((1, D_H), lambda i: (0, 0)),
          pl.BlockSpec((D_H, D_OUT), lambda i: (0, 0)),
          pl.BlockSpec((D_H, D_OUT), lambda i: (0, 0)),
          pl.BlockSpec((1, D_OUT), lambda i: (0, 0)),
      ],
      out_specs=[
          pl.BlockSpec((RB, 128), lambda i: (i, 0)),
          pl.BlockSpec((RB, 128), lambda i: (i, 0)),
      ],
      out_shape=[
          jax.ShapeDtypeStruct((NPAD, 128), jnp.float32),
          jax.ShapeDtypeStruct((NPAD, 128), jnp.float32),
      ],
  )(aggp, degp, nf, wn0, wr0, b0, wn1, wr1, b1)


def _h1_kernel(aggp, degp, xr, out_ref):
  agg = aggp[0] + aggp[1]
  deg = degp[0, :, 0:1] + degp[1, :, 0:1]
  out_ref[...] = agg * (1.0 / jnp.maximum(deg, 1.0)) + xr[...]


def _h1_call(aggp, degp, xr):
  return pl.pallas_call(
      _h1_kernel,
      grid=(NPAD // RB,),
      in_specs=[
          pl.BlockSpec((NC, RB, 128), lambda i: (0, i, 0)),
          pl.BlockSpec((NC, RB, 16), lambda i: (0, i, 0)),
          pl.BlockSpec((RB, 128), lambda i: (i, 0)),
      ],
      out_specs=pl.BlockSpec((RB, 128), lambda i: (i, 0)),
      out_shape=jax.ShapeDtypeStruct((NPAD, 128), jnp.float32),
  )(aggp, degp, xr)


def _score_kernel(f, wp, pos_ref, neg_ref):
  s = f[0:BATCH]
  p = f[BATCH:2 * BATCH]
  n = f[2 * BATCH:3 * BATCH]
  w = wp[...]
  pos_ref[...] = jnp.sum(s * p * w, axis=1, keepdims=True)
  neg_ref[...] = jnp.sum(s * n * w, axis=1, keepdims=True)


def _score_call(feats, wp):
  return pl.pallas_call(
      _score_kernel,
      out_shape=[
          jax.ShapeDtypeStruct((BATCH, 1), jnp.float32),
          jax.ShapeDtypeStruct((BATCH, 1), jnp.float32),
      ],
  )(feats, wp)


def kernel(src_ids, pos_dst_ids, neg_dst_ids, node_feat, edge_index,
           Wn0, Wr0, b0, Wn1, Wr1, b1, w_pred):
  f32 = jnp.float32
  nf_pad = jnp.concatenate(
      [node_feat.astype(f32), jnp.zeros((NPAD - N, D_IN), f32)], axis=0)
  pad = N + (jnp.arange(EPAD - E, dtype=jnp.int32) % (NPAD - N))
  src = jnp.concatenate([edge_index[0].astype(jnp.int32), pad])
  dst = jnp.concatenate([edge_index[1].astype(jnp.int32), pad])
  dst3 = dst.reshape(NW, NCH, C)
  ids = jnp.concatenate([src_ids, pos_dst_ids, neg_dst_ids]).astype(jnp.int32)

  degpf = _deg_count(dst3)
  degp = degpf.reshape(NC, NPAD, 16)
  aggp0 = _edge_agg(nf_pad, src, dst).reshape(NC, NPAD, 128)

  y, xr = _layer_call(aggp0, degp, nf_pad, Wn0, Wr0,
                      b0.reshape(1, -1), Wn1, Wr1, b1.reshape(1, -1))

  aggp1 = _edge_agg(y, src, dst).reshape(NC, NPAD, 128)
  h1 = _h1_call(aggp1, degp, xr)

  feats = _gather_rows(h1, ids)
  pos, neg = _score_call(feats, w_pred.reshape(1, -1))
  return (pos.reshape(-1), neg.reshape(-1))

# --- scband reference (transcript-rebuilt; emitter-appended) ---
"""Pipeline reference for scband-edge-prediction-gnnmodel-82884278878891 (READ-ONLY COPY).

The authoritative reference and input builder live on the scoring server;
editing this copy changes nothing except your own understanding.
"""

import jax, jax.numpy as jnp
import numpy as np

N_NODES = 10000
N_EDGES = 320000
B = 8192
D_IN = 128
D_H = 256
D_OUT = 128


def sage_layer(x, src, dst, Wn, Wr, b):
    # SAGEConv with mean aggregation: W_neigh @ mean(x_src over in-edges) + W_root @ x + b
    msg = jnp.take(x, src, axis=0)
    agg = jax.ops.segment_sum(msg, dst, num_segments=N_NODES)
    deg = jax.ops.segment_sum(jnp.ones((src.shape[0],), dtype=x.dtype), dst, num_segments=N_NODES)
    mean = agg / jnp.maximum(deg, 1.0)[:, None]
    return mean @ Wn + x @ Wr + b


def setup_inputs(seed: int = 0) -> dict:
    key = jax.random.key(seed)
    ks = jax.random.split(key, 12)
    return {
        "src_ids": jax.random.randint(ks[0], (B,), 0, N_NODES),
        "pos_dst_ids": jax.random.randint(ks[1], (B,), 0, N_NODES),
        "neg_dst_ids": jax.random.randint(ks[2], (B,), 0, N_NODES),
        "node_feat": jax.random.normal(ks[3], (N_NODES, D_IN), dtype=jnp.float32),
        "edge_index": jax.random.randint(ks[4], (2, N_EDGES), 0, N_NODES),
        "Wn0": jax.random.normal(ks[5], (D_IN, D_H), dtype=jnp.float32) * 0.05,
        "Wr0": jax.random.normal(ks[6], (D_IN, D_H), dtype=jnp.float32) * 0.05,
        "b0": jnp.zeros((D_H,), dtype=jnp.float32),
        "Wn1": jax.random.normal(ks[7], (D_H, D_OUT), dtype=jnp.float32) * 0.05,
        "Wr1": jax.random.normal(ks[8], (D_H, D_OUT), dtype=jnp.float32) * 0.05,
        "b1": jnp.zeros((D_OUT,), dtype=jnp.float32),
        "w_pred": jax.random.normal(ks[9], (D_OUT,), dtype=jnp.float32) * 0.05,
    }


def reference(src_ids, pos_dst_ids, neg_dst_ids, node_feat, edge_index, Wn0, Wr0, b0, Wn1, Wr1, b1, w_pred):
    b = src_ids.shape[0]
    ids = jnp.concatenate([src_ids, pos_dst_ids, neg_dst_ids])
    ids_unique, reverse_map = jnp.unique(ids, return_inverse=True, size=ids.shape[0])
    src = edge_index[0]
    dst = edge_index[1]
    # 2-layer SAGE GNN forward (full-graph message passing)
    h = sage_layer(node_feat, src, dst, Wn0, Wr0, b0)
    h = jax.nn.relu(h)  # dropout is identity in eval mode
    h = sage_layer(h, src, dst, Wn1, Wr1, b1)
    # gather unique node embeddings, then scatter back via embedding lookup on reverse_map
    out_feat_unique = jnp.take(h, ids_unique, axis=0)
    out_feat = jnp.take(out_feat_unique, reverse_map.reshape(-1), axis=0)
    src_feat = out_feat[:b]
    pos_dst_feat = out_feat[b:2 * b]
    neg_dst_feat = out_feat[2 * b:]
    h_src = jnp.concatenate([src_feat, src_feat])
    h_dst = jnp.concatenate([pos_dst_feat, neg_dst_feat])
    scores = (h_src * h_dst) @ w_pred
    return (scores[:b], scores[b:])

if __name__ == "__main__":
    import jax
    _d = setup_inputs()
    print(jax.jit(kernel)(*tuple(_d.values())))

</pallas_src>

<mosaic_0001>
#map = affine_map<(d0, d1) -> (0, 0, 0)>
#map1 = affine_map<(d0, d1) -> (0, 0)>
module attributes {stable_mosaic.version = 14 : i64} {
  func.func @_deg_body(%arg0: i32, %arg1: i32, %arg2: memref<32x80x128xi32, #tpu.memory_space<hbm>>, %arg3: memref<20480x16xf32, #tpu.memory_space<hbm>>, %arg4: memref<80x128xi32, #tpu.memory_space<vmem>>, %arg5: memref<128x16xf32, #tpu.memory_space<vmem>>, %arg6: memref<640x16xf32, #tpu.memory_space<vmem>>, %arg7: memref<10240x16xf32, #tpu.memory_space<vmem_shared>>, %arg8: memref<!tpu.dma_semaphore, #tpu.memory_space<semaphore_mem>>) attributes {dimension_semantics = [#tpu.dimension_semantics<core_parallel>, #tpu.dimension_semantics<subcore_parallel>], iteration_bounds = array<i64: 2, 16>, scalar_prefetch = 0 : i64, scratch_operands = 5 : i64, tpu.core_type = #tpu.core_type<sc_vector_subcore>, window_params = [{transform_indices = #map}, {transform_indices = #map1}]} {
    %mul3A = arith.constant 2 : i32
    %mul3A_0 = arith.muli %arg1, %mul3A : i32
    %add3A = arith.addi %mul3A_0, %arg0 : i32
    %broadcast_in_dim3A = arith.constant 0.000000e+00 : f32
    %broadcast_in_dim3A_1 = vector.broadcast %broadcast_in_dim3A : f32 to vector<16xf32>
    %mul3A_2 = arith.constant 640 : i32
    %mul3A_3 = arith.muli %arg1, %mul3A_2 : i32
    "tpu.region"() ({
      %run_scoped3A = tpu.sem_alloc : memref<!tpu.dma_semaphore, #tpu.memory_space<semaphore_mem>>
      %dma_start3A = arith.constant 0 : i32
      %dma_start3A_25 = arith.constant 0 : i32
      %dma_start3A_26 = tpu.memref_slice %arg2[%add3A, %dma_start3A, %dma_start3A_25] : memref<32x80x128xi32, #tpu.memory_space<hbm>> -> memref<1x80x128xi32, #tpu.memory_space<hbm>>
      %dma_start3A_27 = tpu.memref_squeeze %dma_start3A_26 : memref<1x80x128xi32, #tpu.memory_space<hbm>> -> memref<80x128xi32, #tpu.memory_space<hbm>>
      %dma_start3A_28 = arith.constant 0 : i32
      %dma_start3A_29 = arith.constant 0 : i32
      %dma_start3A_30 = tpu.memref_slice %arg2[%add3A, %dma_start3A_28, %dma_start3A_29] : memref<32x80x128xi32, #tpu.memory_space<hbm>> -> memref<1x80x128xi32, #tpu.memory_space<hbm>>
      %dma_start3A_31 = tpu.memref_squeeze %dma_start3A_30 : memref<1x80x128xi32, #tpu.memory_space<hbm>> -> memref<80x128xi32, #tpu.memory_space<hbm>>
      tpu.enqueue_dma source(%dma_start3A_31 : memref<80x128xi32, #tpu.memory_space<hbm>>) target(%arg4 : memref<80x128xi32, #tpu.memory_space<vmem>>) target_semaphore(%run_scoped3A : memref<!tpu.dma_semaphore, #tpu.memory_space<semaphore_mem>>)
      %dma_wait3A = arith.constant 0 : i32
      %dma_wait3A_32 = arith.constant 0 : i32
      %dma_wait3A_33 = tpu.memref_slice %arg2[%add3A, %dma_wait3A, %dma_wait3A_32] : memref<32x80x128xi32, #tpu.memory_space<hbm>> -> memref<1x80x128xi32, #tpu.memory_space<hbm>>
      %dma_wait3A_34 = tpu.memref_squeeze %dma_wait3A_33 : memref<1x80x128xi32, #tpu.memory_space<hbm>> -> memref<80x128xi32, #tpu.memory_space<hbm>>
      %dma_wait3A_35 = arith.constant 0 : i32
      %dma_wait3A_36 = arith.constant 0 : i32
      %dma_wait3A_37 = tpu.memref_slice %arg2[%add3A, %dma_wait3A_35, %dma_wait3A_36] : memref<32x80x128xi32, #tpu.memory_space<hbm>> -> memref<1x80x128xi32, #tpu.memory_space<hbm>>
      %dma_wait3A_38 = tpu.memref_squeeze %dma_wait3A_37 : memref<1x80x128xi32, #tpu.memory_space<hbm>> -> memref<80x128xi32, #tpu.memory_space<hbm>>
      tpu.wait_dma2 semaphore(%run_scoped3A : memref<!tpu.dma_semaphore, #tpu.memory_space<semaphore_mem>>) src(%dma_wait3A_38 : memref<80x128xi32, #tpu.memory_space<hbm>>) dst(%arg4 : memref<80x128xi32, #tpu.memory_space<vmem>>)
      tpu.yield
    }) : () -> ()
    %scan3A = arith.constant 0 : i32
    %scan3A_4 = arith.constant 0 : i32
    %scan3A_5 = arith.constant 128 : i32
    %scan3A_6 = arith.addi %scan3A_4, %scan3A_5 : i32
    %scan3A_7 = arith.constant 1 : i32
    scf.for %scan3A_25 = %scan3A_4 to %scan3A_6 step %scan3A_7  : i32 {
      %broadcast_in_dim3A_26 = arith.constant 1.000000e+00 : f32
      %broadcast_in_dim3A_27 = vector.broadcast %broadcast_in_dim3A_26 : f32 to vector<16xf32>
      %swap3A = arith.index_cast %scan3A_25 : i32 to index
      %swap3A_28 = arith.constant 0 : index
      %swap3A_29 = tpu.vector_load %arg5[%swap3A, %swap3A_28] {strides = array<i32>} : memref<128x16xf32, #tpu.memory_space<vmem>>, vector<1x16xf32>,
      %swap3A_30 = vector.shape_cast %swap3A_29 : vector<1x16xf32> to vector<16xf32>
      %swap3A_31 = vector.shape_cast %broadcast_in_dim3A_27 : vector<16xf32> to vector<1x16xf32>
      tpu.vector_store %arg5[%swap3A, %swap3A_28], %swap3A_31 {strides = array<i32>} : memref<128x16xf32, #tpu.memory_space<vmem>>, vector<1x16xf32>,
    }
    %scan3A_8 = arith.constant 128 : i32
    %scan3A_9 = arith.constant 0 : i32
    %scan3A_10 = arith.constant 0 : i32
    %scan3A_11 = arith.constant 640 : i32
    %scan3A_12 = arith.addi %scan3A_10, %scan3A_11 : i32
    %scan3A_13 = arith.constant 1 : i32
    scf.for %scan3A_25 = %scan3A_10 to %scan3A_12 step %scan3A_13  : i32 {
      %swap3A = arith.index_cast %scan3A_25 : i32 to index
      %swap3A_26 = arith.constant 0 : index
      %swap3A_27 = tpu.vector_load %arg6[%swap3A, %swap3A_26] {strides = array<i32>} : memref<640x16xf32, #tpu.memory_space<vmem>>, vector<1x16xf32>,
      %swap3A_28 = vector.shape_cast %swap3A_27 : vector<1x16xf32> to vector<16xf32>
      %swap3A_29 = vector.shape_cast %broadcast_in_dim3A_1 : vector<16xf32> to vector<1x16xf32>
      tpu.vector_store %arg6[%swap3A, %swap3A_26], %swap3A_29 {strides = array<i32>} : memref<640x16xf32, #tpu.memory_space<vmem>>, vector<1x16xf32>,
    }
    %scan3A_14 = arith.constant 640 : i32
    "tpu.region"() ({
      %run_scoped3A = tpu.sem_alloc : memref<!tpu.dma_semaphore, #tpu.memory_space<semaphore_mem>>
      %dma_start3A = arith.constant 0 : i32
      %dma_start3A_25 = tpu.memref_slice %arg7[%mul3A_3, %dma_start3A] : memref<10240x16xf32, #tpu.memory_space<vmem_shared>> -> memref<640x16xf32, #tpu.memory_space<vmem_shared>>
      %dma_start3A_26 = arith.constant 0 : i32
      %dma_start3A_27 = tpu.memref_slice %arg7[%mul3A_3, %dma_start3A_26] : memref<10240x16xf32, #tpu.memory_space<vmem_shared>> -> memref<640x16xf32, #tpu.memory_space<vmem_shared>>
      tpu.enqueue_dma source(%arg6 : memref<640x16xf32, #tpu.memory_space<vmem>>) target(%dma_start3A_27 : memref<640x16xf32, #tpu.memory_space<vmem_shared>>) target_semaphore(%run_scoped3A : memref<!tpu.dma_semaphore, #tpu.memory_space<semaphore_mem>>)
      %dma_wait3A = arith.constant 0 : i32
      %dma_wait3A_28 = tpu.memref_slice %arg7[%mul3A_3, %dma_wait3A] : memref<10240x16xf32, #tpu.memory_space<vmem_shared>> -> memref<640x16xf32, #tpu.memory_space<vmem_shared>>
      %dma_wait3A_29 = arith.constant 0 : i32
      %dma_wait3A_30 = tpu.memref_slice %arg7[%mul3A_3, %dma_wait3A_29] : memref<10240x16xf32, #tpu.memory_space<vmem_shared>> -> memref<640x16xf32, #tpu.memory_space<vmem_shared>>
      tpu.wait_dma2 semaphore(%run_scoped3A : memref<!tpu.dma_semaphore, #tpu.memory_space<semaphore_mem>>) src(%arg6 : memref<640x16xf32, #tpu.memory_space<vmem>>) dst(%dma_wait3A_30 : memref<640x16xf32, #tpu.memory_space<vmem_shared>>)
      tpu.yield
    }) : () -> ()
    %barrier3A = arith.constant 0 : index
    tpu.barrier barrier_id(%barrier3A)
    %scan3A_15 = arith.constant 0 : i32
    %scan3A_16 = arith.constant 0 : i32
    %scan3A_17 = arith.constant 10 : i32
    %scan3A_18 = arith.addi %scan3A_16, %scan3A_17 : i32
    %scan3A_19 = arith.constant 1 : i32
    scf.for %scan3A_25 = %scan3A_16 to %scan3A_18 step %scan3A_19  : i32 {
      %mul3A_26 = arith.constant 8 : i32
      %mul3A_27 = arith.muli %scan3A_25, %mul3A_26 : i32
      %add3A_28 = arith.constant 0 : i32
      %add3A_29 = arith.addi %mul3A_27, %add3A_28 : i32
      %dma_start3A = arith.constant 0 : i32
      %dma_start3A_30 = tpu.memref_slice %arg4[%add3A_29, %dma_start3A] : memref<80x128xi32, #tpu.memory_space<vmem>> -> memref<1x128xi32, #tpu.memory_space<vmem>>
      %dma_start3A_31 = tpu.memref_squeeze %dma_start3A_30 : memref<1x128xi32, #tpu.memory_space<vmem>> -> memref<128xi32, #tpu.memory_space<vmem>>
      %dma_start3A_32 = arith.constant 0 : i32
      %dma_start3A_33 = arith.constant 0 : i32
      %dma_start3A_34 = tpu.memref_slice %arg7[%dma_start3A_32, %dma_start3A_33] : memref<10240x16xf32, #tpu.memory_space<vmem_shared>> -> memref<10240x16xf32, #tpu.memory_space<vmem_shared>>
      tpu.enqueue_indirect_dma source(%arg5 : memref<128x16xf32, #tpu.memory_space<vmem>>) target(%dma_start3A_34 : memref<10240x16xf32, #tpu.memory_space<vmem_shared>>) offsets(%dma_start3A_31 : memref<128xi32, #tpu.memory_space<vmem>>) semaphore(%arg8 : memref<!tpu.dma_semaphore, #tpu.memory_space<semaphore_mem>>) {add = true}
      %mul3A_35 = arith.constant 8 : i32
      %mul3A_36 = arith.muli %scan3A_25, %mul3A_35 : i32
      %add3A_37 = arith.constant 1 : i32
      %add3A_38 = arith.addi %mul3A_36, %add3A_37 : i32
      %dma_start3A_39 = arith.constant 0 : i32
      %dma_start3A_40 = tpu.memref_slice %arg4[%add3A_38, %dma_start3A_39] : memref<80x128xi32, #tpu.memory_space<vmem>> -> memref<1x128xi32, #tpu.memory_space<vmem>>
      %dma_start3A_41 = tpu.memref_squeeze %dma_start3A_40 : memref<1x128xi32, #tpu.memory_space<vmem>> -> memref<128xi32, #tpu.memory_space<vmem>>
      %dma_start3A_42 = arith.constant 0 : i32
      %dma_start3A_43 = arith.constant 0 : i32
      %dma_start3A_44 = tpu.memref_slice %arg7[%dma_start3A_42, %dma_start3A_43] : memref<10240x16xf32, #tpu.memory_space<vmem_shared>> -> memref<10240x16xf32, #tpu.memory_space<vmem_shared>>
      tpu.enqueue_indirect_dma source(%arg5 : memref<128x16xf32, #tpu.memory_space<vmem>>) target(%dma_start3A_44 : memref<10240x16xf32, #tpu.memory_space<vmem_shared>>) offsets(%dma_start3A_41 : memref<128xi32, #tpu.memory_space<vmem>>) semaphore(%arg8 : memref<!tpu.dma_semaphore, #tpu.memory_space<semaphore_mem>>) {add = true}
      %mul3A_45 = arith.constant 8 : i32
      %mul3A_46 = arith.muli %scan3A_25, %mul3A_45 : i32
      %add3A_47 = arith.constant 2 : i32
      %add3A_48 = arith.addi %mul3A_46, %add3A_47 : i32
      %dma_start3A_49 = arith.constant 0 : i32
      %dma_start3A_50 = tpu.memref_slice %arg4[%add3A_48, %dma_start3A_49] : memref<80x128xi32, #tpu.memory_space<vmem>> -> memref<1x128xi32, #tpu.memory_space<vmem>>
      %dma_start3A_51 = tpu.memref_squeeze %dma_start3A_50 : memref<1x128xi32, #tpu.memory_space<vmem>> -> memref<128xi32, #tpu.memory_space<vmem>>
      %dma_start3A_52 = arith.constant 0 : i32
      %dma_start3A_53 = arith.constant 0 : i32
      %dma_start3A_54 = tpu.memref_slice %arg7[%dma_start3A_52, %dma_start3A_53] : memref<10240x16xf32, #tpu.memory_space<vmem_shared>> -> memref<10240x16xf32, #tpu.memory_space<vmem_shared>>
      tpu.enqueue_indirect_dma source(%arg5 : memref<128x16xf32, #tpu.memory_space<vmem>>) target(%dma_start3A_54 : memref<10240x16xf32, #tpu.memory_space<vmem_shared>>) offsets(%dma_start3A_51 : memref<128xi32, #tpu.memory_space<vmem>>) semaphore(%arg8 : memref<!tpu.dma_semaphore, #tpu.memory_space<semaphore_mem>>) {add = true}
      %mul3A_55 = arith.constant 8 : i32
      %mul3A_56 = arith.muli %scan3A_25, %mul3A_55 : i32
      %add3A_57 = arith.constant 3 : i32
      %add3A_58 = arith.addi %mul3A_56, %add3A_57 : i32
      %dma_start3A_59 = arith.constant 0 : i32
      %dma_start3A_60 = tpu.memref_slice %arg4[%add3A_58, %dma_start3A_59] : memref<80x128xi32, #tpu.memory_space<vmem>> -> memref<1x128xi32, #tpu.memory_space<vmem>>
      %dma_start3A_61 = tpu.memref_squeeze %dma_start3A_60 : memref<1x128xi32, #tpu.memory_space<vmem>> -> memref<128xi32, #tpu.memory_space<vmem>>
      %dma_start3A_62 = arith.constant 0 : i32
      %dma_start3A_63 = arith.constant 0 : i32
      %dma_start3A_64 = tpu.memref_slice %arg7[%dma_start3A_62, %dma_start3A_63] : memref<10240x16xf32, #tpu.memory_space<vmem_shared>> -> memref<10240x16xf32, #tpu.memory_space<vmem_shared>>
      tpu.enqueue_indirect_dma source(%arg5 : memref<128x16xf32, #tpu.memory_space<vmem>>) target(%dma_start3A_64 : memref<10240x16xf32, #tpu.memory_space<vmem_shared>>) offsets(%dma_start3A_61 : memref<128xi32, #tpu.memory_space<vmem>>) semaphore(%arg8 : memref<!tpu.dma_semaphore, #tpu.memory_space<semaphore_mem>>) {add = true}
      %mul3A_65 = arith.constant 8 : i32
      %mul3A_66 = arith.muli %scan3A_25, %mul3A_65 : i32
      %add3A_67 = arith.constant 4 : i32
      %add3A_68 = arith.addi %mul3A_66, %add3A_67 : i32
      %dma_start3A_69 = arith.constant 0 : i32
      %dma_start3A_70 = tpu.memref_slice %arg4[%add3A_68, %dma_start3A_69] : memref<80x128xi32, #tpu.memory_space<vmem>> -> memref<1x128xi32, #tpu.memory_space<vmem>>
      %dma_start3A_71 = tpu.memref_squeeze %dma_start3A_70 : memref<1x128xi32, #tpu.memory_space<vmem>> -> memref<128xi32, #tpu.memory_space<vmem>>
      %dma_start3A_72 = arith.constant 0 : i32
      %dma_start3A_73 = arith.constant 0 : i32
      %dma_start3A_74 = tpu.memref_slice %arg7[%dma_start3A_72, %dma_start3A_73] : memref<10240x16xf32, #tpu.memory_space<vmem_shared>> -> memref<10240x16xf32, #tpu.memory_space<vmem_shared>>
      tpu.enqueue_indirect_dma source(%arg5 : memref<128x16xf32, #tpu.memory_space<vmem>>) target(%dma_start3A_74 : memref<10240x16xf32, #tpu.memory_space<vmem_shared>>) offsets(%dma_start3A_71 : memref<128xi32, #tpu.memory_space<vmem>>) semaphore(%arg8 : memref<!tpu.dma_semaphore, #tpu.memory_space<semaphore_mem>>) {add = true}
      %mul3A_75 = arith.constant 8 : i32
      %mul3A_76 = arith.muli %scan3A_25, %mul3A_75 : i32
      %add3A_77 = arith.constant 5 : i32
      %add3A_78 = arith.addi %mul3A_76, %add3A_77 : i32
      %dma_start3A_79 = arith.constant 0 : i32
      %dma_start3A_80 = tpu.memref_slice %arg4[%add3A_78, %dma_start3A_79] : memref<80x128xi32, #tpu.memory_space<vmem>> -> memref<1x128xi32, #tpu.memory_space<vmem>>
      %dma_start3A_81 = tpu.memref_squeeze %dma_start3A_80 : memref<1x128xi32, #tpu.memory_space<vmem>> -> memref<128xi32, #tpu.memory_space<vmem>>
      %dma_start3A_82 = arith.constant 0 : i32
      %dma_start3A_83 = arith.constant 0 : i32
      %dma_start3A_84 = tpu.memref_slice %arg7[%dma_start3A_82, %dma_start3A_83] : memref<10240x16xf32, #tpu.memory_space<vmem_shared>> -> memref<10240x16xf32, #tpu.memory_space<vmem_shared>>
      tpu.enqueue_indirect_dma source(%arg5 : memref<128x16xf32, #tpu.memory_space<vmem>>) target(%dma_start3A_84 : memref<10240x16xf32, #tpu.memory_space<vmem_shared>>) offsets(%dma_start3A_81 : memref<128xi32, #tpu.memory_space<vmem>>) semaphore(%arg8 : memref<!tpu.dma_semaphore, #tpu.memory_space<semaphore_mem>>) {add = true}
      %mul3A_85 = arith.constant 8 : i32
      %mul3A_86 = arith.muli %scan3A_25, %mul3A_85 : i32
      %add3A_87 = arith.constant 6 : i32
      %add3A_88 = arith.addi %mul3A_86, %add3A_87 : i32
      %dma_start3A_89 = arith.constant 0 : i32
      %dma_start3A_90 = tpu.memref_slice %arg4[%add3A_88, %dma_start3A_89] : memref<80x128xi32, #tpu.memory_space<vmem>> -> memref<1x128xi32, #tpu.memory_space<vmem>>
      %dma_start3A_91 = tpu.memref_squeeze %dma_start3A_90 : memref<1x128xi32, #tpu.memory_space<vmem>> -> memref<128xi32, #tpu.memory_space<vmem>>
      %dma_start3A_92 = arith.constant 0 : i32
      %dma_start3A_93 = arith.constant 0 : i32
      %dma_start3A_94 = tpu.memref_slice %arg7[%dma_start3A_92, %dma_start3A_93] : memref<10240x16xf32, #tpu.memory_space<vmem_shared>> -> memref<10240x16xf32, #tpu.memory_space<vmem_shared>>
      tpu.enqueue_indirect_dma source(%arg5 : memref<128x16xf32, #tpu.memory_space<vmem>>) target(%dma_start3A_94 : memref<10240x16xf32, #tpu.memory_space<vmem_shared>>) offsets(%dma_start3A_91 : memref<128xi32, #tpu.memory_space<vmem>>) semaphore(%arg8 : memref<!tpu.dma_semaphore, #tpu.memory_space<semaphore_mem>>) {add = true}
      %mul3A_95 = arith.constant 8 : i32
      %mul3A_96 = arith.muli %scan3A_25, %mul3A_95 : i32
      %add3A_97 = arith.constant 7 : i32
      %add3A_98 = arith.addi %mul3A_96, %add3A_97 : i32
      %dma_start3A_99 = arith.constant 0 : i32
      %dma_start3A_100 = tpu.memref_slice %arg4[%add3A_98, %dma_start3A_99] : memref<80x128xi32, #tpu.memory_space<vmem>> -> memref<1x128xi32, #tpu.memory_space<vmem>>
      %dma_start3A_101 = tpu.memref_squeeze %dma_start3A_100 : memref<1x128xi32, #tpu.memory_space<vmem>> -> memref<128xi32, #tpu.memory_space<vmem>>
      %dma_start3A_102 = arith.constant 0 : i32
      %dma_start3A_103 = arith.constant 0 : i32
      %dma_start3A_104 = tpu.memref_slice %arg7[%dma_start3A_102, %dma_start3A_103] : memref<10240x16xf32, #tpu.memory_space<vmem_shared>> -> memref<10240x16xf32, #tpu.memory_space<vmem_shared>>
      tpu.enqueue_indirect_dma source(%arg5 : memref<128x16xf32, #tpu.memory_space<vmem>>) target(%dma_start3A_104 : memref<10240x16xf32, #tpu.memory_space<vmem_shared>>) offsets(%dma_start3A_101 : memref<128xi32, #tpu.memory_space<vmem>>) semaphore(%arg8 : memref<!tpu.dma_semaphore, #tpu.memory_space<semaphore_mem>>) {add = true}
      %mul3A_105 = arith.constant 8 : i32
      %mul3A_106 = arith.muli %scan3A_25, %mul3A_105 : i32
      %add3A_107 = arith.constant 0 : i32
      %add3A_108 = arith.addi %mul3A_106, %add3A_107 : i32
      %dma_wait3A = arith.constant 0 : i32
      %dma_wait3A_109 = tpu.memref_slice %arg4[%add3A_108, %dma_wait3A] : memref<80x128xi32, #tpu.memory_space<vmem>> -> memref<1x128xi32, #tpu.memory_space<vmem>>
      %dma_wait3A_110 = tpu.memref_squeeze %dma_wait3A_109 : memref<1x128xi32, #tpu.memory_space<vmem>> -> memref<128xi32, #tpu.memory_space<vmem>>
      %dma_wait3A_111 = arith.constant 0 : i32
      %dma_wait3A_112 = arith.constant 0 : i32
      %dma_wait3A_113 = tpu.memref_slice %arg7[%dma_wait3A_111, %dma_wait3A_112] : memref<10240x16xf32, #tpu.memory_space<vmem_shared>> -> memref<10240x16xf32, #tpu.memory_space<vmem_shared>>
      tpu.wait_indirect_dma semaphore(%arg8 : memref<!tpu.dma_semaphore, #tpu.memory_space<semaphore_mem>>) src(%arg5 : memref<128x16xf32, #tpu.memory_space<vmem>>) dst(%dma_wait3A_113 : memref<10240x16xf32, #tpu.memory_space<vmem_shared>>)
      %mul3A_114 = arith.constant 8 : i32
      %mul3A_115 = arith.muli %scan3A_25, %mul3A_114 : i32
      %add3A_116 = arith.constant 1 : i32
      %add3A_117 = arith.addi %mul3A_115, %add3A_116 : i32
      %dma_wait3A_118 = arith.constant 0 : i32
      %dma_wait3A_119 = tpu.memref_slice %arg4[%add3A_117, %dma_wait3A_118] : memref<80x128xi32, #tpu.memory_space<vmem>> -> memref<1x128xi32, #tpu.memory_space<vmem>>
      %dma_wait3A_120 = tpu.memref_squeeze %dma_wait3A_119 : memref<1x128xi32, #tpu.memory_space<vmem>> -> memref<128xi32, #tpu.memory_space<vmem>>
      %dma_wait3A_121 = arith.constant 0 : i32
      %dma_wait3A_122 = arith.constant 0 : i32
      %dma_wait3A_123 = tpu.memref_slice %arg7[%dma_wait3A_121, %dma_wait3A_122] : memref<10240x16xf32, #tpu.memory_space<vmem_shared>> -> memref<10240x16xf32, #tpu.memory_space<vmem_shared>>
      tpu.wait_indirect_dma semaphore(%arg8 : memref<!tpu.dma_semaphore, #tpu.memory_space<semaphore_mem>>) src(%arg5 : memref<128x16xf32, #tpu.memory_space<vmem>>) dst(%dma_wait3A_123 : memref<10240x16xf32, #tpu.memory_space<vmem_shared>>)
      %mul3A_124 = arith.constant 8 : i32
      %mul3A_125 = arith.muli %scan3A_25, %mul3A_124 : i32
      %add3A_126 = arith.constant 2 : i32
      %add3A_127 = arith.addi %mul3A_125, %add3A_126 : i32
      %dma_wait3A_128 = arith.constant 0 : i32
      %dma_wait3A_129 = tpu.memref_slice %arg4[%add3A_127, %dma_wait3A_128] : memref<80x128xi32, #tpu.memory_space<vmem>> -> memref<1x128xi32, #tpu.memory_space<vmem>>
      %dma_wait3A_130 = tpu.memref_squeeze %dma_wait3A_129 : memref<1x128xi32, #tpu.memory_space<vmem>> -> memref<128xi32, #tpu.memory_space<vmem>>
      %dma_wait3A_131 = arith.constant 0 : i32
      %dma_wait3A_132 = arith.constant 0 : i32
      %dma_wait3A_133 = tpu.memref_slice %arg7[%dma_wait3A_131, %dma_wait3A_132] : memref<10240x16xf32, #tpu.memory_space<vmem_shared>> -> memref<10240x16xf32, #tpu.memory_space<vmem_shared>>
      tpu.wait_indirect_dma semaphore(%arg8 : memref<!tpu.dma_semaphore, #tpu.memory_space<semaphore_mem>>) src(%arg5 : memref<128x16xf32, #tpu.memory_space<vmem>>) dst(%dma_wait3A_133 : memref<10240x16xf32, #tpu.memory_space<vmem_shared>>)
      %mul3A_134 = arith.constant 8 : i32
      %mul3A_135 = arith.muli %scan3A_25, %mul3A_134 : i32
      %add3A_136 = arith.constant 3 : i32
      %add3A_137 = arith.addi %mul3A_135, %add3A_136 : i32
      %dma_wait3A_138 = arith.constant 0 : i32
      %dma_wait3A_139 = tpu.memref_slice %arg4[%add3A_137, %dma_wait3A_138] : memref<80x128xi32, #tpu.memory_space<vmem>> -> memref<1x128xi32, #tpu.memory_space<vmem>>
      %dma_wait3A_140 = tpu.memref_squeeze %dma_wait3A_139 : memref<1x128xi32, #tpu.memory_space<vmem>> -> memref<128xi32, #tpu.memory_space<vmem>>
      %dma_wait3A_141 = arith.constant 0 : i32
      %dma_wait3A_142 = arith.constant 0 : i32
      %dma_wait3A_143 = tpu.memref_slice %arg7[%dma_wait3A_141, %dma_wait3A_142] : memref<10240x16xf32, #tpu.memory_space<vmem_shared>> -> memref<10240x16xf32, #tpu.memory_space<vmem_shared>>
      tpu.wait_indirect_dma semaphore(%arg8 : memref<!tpu.dma_semaphore, #tpu.memory_space<semaphore_mem>>) src(%arg5 : memref<128x16xf32, #tpu.memory_space<vmem>>) dst(%dma_wait3A_143 : memref<10240x16xf32, #tpu.memory_space<vmem_shared>>)
      %mul3A_144 = arith.constant 8 : i32
      %mul3A_145 = arith.muli %scan3A_25, %mul3A_144 : i32
      %add3A_146 = arith.constant 4 : i32
      %add3A_147 = arith.addi %mul3A_145, %add3A_146 : i32
      %dma_wait3A_148 = arith.constant 0 : i32
      %dma_wait3A_149 = tpu.memref_slice %arg4[%add3A_147, %dma_wait3A_148] : memref<80x128xi32, #tpu.memory_space<vmem>> -> memref<1x128xi32, #tpu.memory_space<vmem>>
      %dma_wait3A_150 = tpu.memref_squeeze %dma_wait3A_149 : memref<1x128xi32, #tpu.memory_space<vmem>> -> memref<128xi32, #tpu.memory_space<vmem>>
      %dma_wait3A_151 = arith.constant 0 : i32
      %dma_wait3A_152 = arith.constant 0 : i32
      %dma_wait3A_153 = tpu.memref_slice %arg7[%dma_wait3A_151, %dma_wait3A_152] : memref<10240x16xf32, #tpu.memory_space<vmem_shared>> -> memref<10240x16xf32, #tpu.memory_space<vmem_shared>>
      tpu.wait_indirect_dma semaphore(%arg8 : memref<!tpu.dma_semaphore, #tpu.memory_space<semaphore_mem>>) src(%arg5 : memref<128x16xf32, #tpu.memory_space<vmem>>) dst(%dma_wait3A_153 : memref<10240x16xf32, #tpu.memory_space<vmem_shared>>)
      %mul3A_154 = arith.constant 8 : i32
      %mul3A_155 = arith.muli %scan3A_25, %mul3A_154 : i32
      %add3A_156 = arith.constant 5 : i32
      %add3A_157 = arith.addi %mul3A_155, %add3A_156 : i32
      %dma_wait3A_158 = arith.constant 0 : i32
      %dma_wait3A_159 = tpu.memref_slice %arg4[%add3A_157, %dma_wait3A_158] : memref<80x128xi32, #tpu.memory_space<vmem>> -> memref<1x128xi32, #tpu.memory_space<vmem>>
      %dma_wait3A_160 = tpu.memref_squeeze %dma_wait3A_159 : memref<1x128xi32, #tpu.memory_space<vmem>> -> memref<128xi32, #tpu.memory_space<vmem>>
      %dma_wait3A_161 = arith.constant 0 : i32
      %dma_wait3A_162 = arith.constant 0 : i32
      %dma_wait3A_163 = tpu.memref_slice %arg7[%dma_wait3A_161, %dma_wait3A_162] : memref<10240x16xf32, #tpu.memory_space<vmem_shared>> -> memref<10240x16xf32, #tpu.memory_space<vmem_shared>>
      tpu.wait_indirect_dma semaphore(%arg8 : memref<!tpu.dma_semaphore, #tpu.memory_space<semaphore_mem>>) src(%arg5 : memref<128x16xf32, #tpu.memory_space<vmem>>) dst(%dma_wait3A_163 : memref<10240x16xf32, #tpu.memory_space<vmem_shared>>)
      %mul3A_164 = arith.constant 8 : i32
      %mul3A_165 = arith.muli %scan3A_25, %mul3A_164 : i32
      %add3A_166 = arith.constant 6 : i32
      %add3A_167 = arith.addi %mul3A_165, %add3A_166 : i32
      %dma_wait3A_168 = arith.constant 0 : i32
      %dma_wait3A_169 = tpu.memref_slice %arg4[%add3A_167, %dma_wait3A_168] : memref<80x128xi32, #tpu.memory_space<vmem>> -> memref<1x128xi32, #tpu.memory_space<vmem>>
      %dma_wait3A_170 = tpu.memref_squeeze %dma_wait3A_169 : memref<1x128xi32, #tpu.memory_space<vmem>> -> memref<128xi32, #tpu.memory_space<vmem>>
      %dma_wait3A_171 = arith.constant 0 : i32
      %dma_wait3A_172 = arith.constant 0 : i32
      %dma_wait3A_173 = tpu.memref_slice %arg7[%dma_wait3A_171, %dma_wait3A_172] : memref<10240x16xf32, #tpu.memory_space<vmem_shared>> -> memref<10240x16xf32, #tpu.memory_space<vmem_shared>>
      tpu.wait_indirect_dma semaphore(%arg8 : memref<!tpu.dma_semaphore, #tpu.memory_space<semaphore_mem>>) src(%arg5 : memref<128x16xf32, #tpu.memory_space<vmem>>) dst(%dma_wait3A_173 : memref<10240x16xf32, #tpu.memory_space<vmem_shared>>)
      %mul3A_174 = arith.constant 8 : i32
      %mul3A_175 = arith.muli %scan3A_25, %mul3A_174 : i32
      %add3A_176 = arith.constant 7 : i32
      %add3A_177 = arith.addi %mul3A_175, %add3A_176 : i32
      %dma_wait3A_178 = arith.constant 0 : i32
      %dma_wait3A_179 = tpu.memref_slice %arg4[%add3A_177, %dma_wait3A_178] : memref<80x128xi32, #tpu.memory_space<vmem>> -> memref<1x128xi32, #tpu.memory_space<vmem>>
      %dma_wait3A_180 = tpu.memref_squeeze %dma_wait3A_179 : memref<1x128xi32, #tpu.memory_space<vmem>> -> memref<128xi32, #tpu.memory_space<vmem>>
      %dma_wait3A_181 = arith.constant 0 : i32
      %dma_wait3A_182 = arith.constant 0 : i32
      %dma_wait3A_183 = tpu.memref_slice %arg7[%dma_wait3A_181, %dma_wait3A_182] : memref<10240x16xf32, #tpu.memory_space<vmem_shared>> -> memref<10240x16xf32, #tpu.memory_space<vmem_shared>>
      tpu.wait_indirect_dma semaphore(%arg8 : memref<!tpu.dma_semaphore, #tpu.memory_space<semaphore_mem>>) src(%arg5 : memref<128x16xf32, #tpu.memory_space<vmem>>) dst(%dma_wait3A_183 : memref<10240x16xf32, #tpu.memory_space<vmem_shared>>)
    }
    %scan3A_20 = arith.constant 10 : i32
    %barrier3A_21 = arith.constant 0 : index
    tpu.barrier barrier_id(%barrier3A_21)
    %mul3A_22 = arith.constant 10240 : i32
    %mul3A_23 = arith.muli %arg0, %mul3A_22 : i32
    %add3A_24 = arith.addi %mul3A_23, %mul3A_3 : i32
    "tpu.region"() ({
      %run_scoped3A = tpu.sem_alloc : memref<!tpu.dma_semaphore, #tpu.memory_space<semaphore_mem>>
      %dma_start3A = arith.constant 0 : i32
      %dma_start3A_25 = tpu.memref_slice %arg7[%mul3A_3, %dma_start3A] : memref<10240x16xf32, #tpu.memory_space<vmem_shared>> -> memref<640x16xf32, #tpu.memory_space<vmem_shared>>
      %dma_start3A_26 = arith.constant 0 : i32
      %dma_start3A_27 = tpu.memref_slice %arg7[%mul3A_3, %dma_start3A_26] : memref<10240x16xf32, #tpu.memory_space<vmem_shared>> -> memref<640x16xf32, #tpu.memory_space<vmem_shared>>
      tpu.enqueue_dma source(%dma_start3A_27 : memref<640x16xf32, #tpu.memory_space<vmem_shared>>) target(%arg6 : memref<640x16xf32, #tpu.memory_space<vmem>>) target_semaphore(%run_scoped3A : memref<!tpu.dma_semaphore, #tpu.memory_space<semaphore_mem>>)
      %dma_wait3A = arith.constant 0 : i32
      %dma_wait3A_28 = tpu.memref_slice %arg7[%mul3A_3, %dma_wait3A] : memref<10240x16xf32, #tpu.memory_space<vmem_shared>> -> memref<640x16xf32, #tpu.memory_space<vmem_shared>>
      %dma_wait3A_29 = arith.constant 0 : i32
      %dma_wait3A_30 = tpu.memref_slice %arg7[%mul3A_3, %dma_wait3A_29] : memref<10240x16xf32, #tpu.memory_space<vmem_shared>> -> memref<640x16xf32, #tpu.memory_space<vmem_shared>>
      tpu.wait_dma2 semaphore(%run_scoped3A : memref<!tpu.dma_semaphore, #tpu.memory_space<semaphore_mem>>) src(%dma_wait3A_30 : memref<640x16xf32, #tpu.memory_space<vmem_shared>>) dst(%arg6 : memref<640x16xf32, #tpu.memory_space<vmem>>)
      tpu.yield
    }) : () -> ()
    "tpu.region"() ({
      %run_scoped3A = tpu.sem_alloc : memref<!tpu.dma_semaphore, #tpu.memory_space<semaphore_mem>>
      %dma_start3A = arith.constant 0 : i32
      %dma_start3A_25 = tpu.memref_slice %arg3[%add3A_24, %dma_start3A] : memref<20480x16xf32, #tpu.memory_space<hbm>> -> memref<640x16xf32, #tpu.memory_space<hbm>>
      %dma_start3A_26 = arith.constant 0 : i32
      %dma_start3A_27 = tpu.memref_slice %arg3[%add3A_24, %dma_start3A_26] : memref<20480x16xf32, #tpu.memory_space<hbm>> -> memref<640x16xf32, #tpu.memory_space<hbm>>
      tpu.enqueue_dma source(%arg6 : memref<640x16xf32, #tpu.memory_space<vmem>>) target(%dma_start3A_27 : memref<640x16xf32, #tpu.memory_space<hbm>>) target_semaphore(%run_scoped3A : memref<!tpu.dma_semaphore, #tpu.memory_space<semaphore_mem>>)
      %dma_wait3A = arith.constant 0 : i32
      %dma_wait3A_28 = tpu.memref_slice %arg3[%add3A_24, %dma_wait3A] : memref<20480x16xf32, #tpu.memory_space<hbm>> -> memref<640x16xf32, #tpu.memory_space<hbm>>
      %dma_wait3A_29 = arith.constant 0 : i32
      %dma_wait3A_30 = tpu.memref_slice %arg3[%add3A_24, %dma_wait3A_29] : memref<20480x16xf32, #tpu.memory_space<hbm>> -> memref<640x16xf32, #tpu.memory_space<hbm>>
      tpu.wait_dma2 semaphore(%run_scoped3A : memref<!tpu.dma_semaphore, #tpu.memory_space<semaphore_mem>>) src(%arg6 : memref<640x16xf32, #tpu.memory_space<vmem>>) dst(%dma_wait3A_30 : memref<640x16xf32, #tpu.memory_space<hbm>>)
      tpu.yield
    }) : () -> ()
    return
  }
}

#map = affine_map<(d0, d1) -> (0, 0)>
#map1 = affine_map<(d0, d1) -> (0)>
module attributes {stable_mosaic.version = 14 : i64} {
  func.func @body(%arg0: i32, %arg1: i32, %arg2: memref<10240x128xf32, #tpu.memory_space<hbm>>, %arg3: memref<327680xi32, #tpu.memory_space<hbm>>, %arg4: memref<327680xi32, #tpu.memory_space<hbm>>, %arg5: memref<20480x128xf32, #tpu.memory_space<hbm>>, %arg6: memref<128xi32, #tpu.memory_space<vmem>>, %arg7: memref<128xi32, #tpu.memory_space<vmem>>, %arg8: memref<128xi32, #tpu.memory_space<vmem>>, %arg9: memref<128xi32, #tpu.memory_space<vmem>>, %arg10: memref<128x128xf32, #tpu.memory_space<vmem>>, %arg11: memref<128x128xf32, #tpu.memory_space<vmem>>, %arg12: memref<10240x128xf32, #tpu.memory_space<vmem_shared>>, %arg13: memref<!tpu.dma_semaphore, #tpu.memory_space<semaphore_mem>>, %arg14: memref<!tpu.dma_semaphore, #tpu.memory_space<semaphore_mem>>, %arg15: memref<!tpu.dma_semaphore, #tpu.memory_space<semaphore_mem>>, %arg16: memref<!tpu.dma_semaphore, #tpu.memory_space<semaphore_mem>>) attributes {dimension_semantics = [#tpu.dimension_semantics<core_parallel>, #tpu.dimension_semantics<subcore_parallel>], iteration_bounds = array<i64: 2, 16>, scalar_prefetch = 0 : i64, scratch_operands = 11 : i64, tpu.core_type = #tpu.core_type<sc_vector_subcore>, window_params = [{transform_indices = #map}, {transform_indices = #map1}, {transform_indices = #map1}, {transform_indices = #map}]} {
    %mul3A = arith.constant 2 : i32
    %mul3A_0 = arith.muli %arg1, %mul3A : i32
    %add3A = arith.addi %mul3A_0, %arg0 : i32
    %broadcast_in_dim3A = arith.constant 0.000000e+00 : f32
    %broadcast_in_dim3A_1 = vector.broadcast %broadcast_in_dim3A : f32 to vector<16xf32>
    %scan3A = arith.constant 0 : i32
    %scan3A_2 = arith.constant 0 : i32
    %scan3A_3 = arith.constant 128 : i32
    %scan3A_4 = arith.addi %scan3A_2, %scan3A_3 : i32
    %scan3A_5 = arith.constant 1 : i32
    scf.for %scan3A_157 = %scan3A_2 to %scan3A_4 step %scan3A_5  : i32 {
      %swap3A = arith.index_cast %scan3A_157 : i32 to index
      %swap3A_158 = arith.constant 0 : index
      %swap3A_159 = tpu.vector_load %arg10[%swap3A, %swap3A_158] {strides = array<i32>} : memref<128x128xf32, #tpu.memory_space<vmem>>, vector<1x16xf32>,
      %swap3A_160 = vector.shape_cast %swap3A_159 : vector<1x16xf32> to vector<16xf32>
      %swap3A_161 = vector.shape_cast %broadcast_in_dim3A_1 : vector<16xf32> to vector<1x16xf32>
      tpu.vector_store %arg10[%swap3A, %swap3A_158], %swap3A_161 {strides = array<i32>} : memref<128x128xf32, #tpu.memory_space<vmem>>, vector<1x16xf32>,
      %swap3A_162 = arith.index_cast %scan3A_157 : i32 to index
      %swap3A_163 = arith.constant 16 : index
      %swap3A_164 = tpu.vector_load %arg10[%swap3A_162, %swap3A_163] {strides = array<i32>} : memref<128x128xf32, #tpu.memory_space<vmem>>, vector<1x16xf32>,
      %swap3A_165 = vector.shape_cast %swap3A_164 : vector<1x16xf32> to vector<16xf32>
      %swap3A_166 = vector.shape_cast %broadcast_in_dim3A_1 : vector<16xf32> to vector<1x16xf32>
      tpu.vector_store %arg10[%swap3A_162, %swap3A_163], %swap3A_166 {strides = array<i32>} : memref<128x128xf32, #tpu.memory_space<vmem>>, vector<1x16xf32>,
      %swap3A_167 = arith.index_cast %scan3A_157 : i32 to index
      %swap3A_168 = arith.constant 32 : index
      %swap3A_169 = tpu.vector_load %arg10[%swap3A_167, %swap3A_168] {strides = array<i32>} : memref<128x128xf32, #tpu.memory_space<vmem>>, vector<1x16xf32>,
      %swap3A_170 = vector.shape_cast %swap3A_169 : vector<1x16xf32> to vector<16xf32>
      %swap3A_171 = vector.shape_cast %broadcast_in_dim3A_1 : vector<16xf32> to vector<1x16xf32>
      tpu.vector_store %arg10[%swap3A_167, %swap3A_168], %swap3A_171 {strides = array<i32>} : memref<128x128xf32, #tpu.memory_space<vmem>>, vector<1x16xf32>,
      %swap3A_172 = arith.index_cast %scan3A_157 : i32 to index
      %swap3A_173 = arith.constant 48 : index
      %swap3A_174 = tpu.vector_load %arg10[%swap3A_172, %swap3A_173] {strides = array<i32>} : memref<128x128xf32, #tpu.memory_space<vmem>>, vector<1x16xf32>,
      %swap3A_175 = vector.shape_cast %swap3A_174 : vector<1x16xf32> to vector<16xf32>
      %swap3A_176 = vector.shape_cast %broadcast_in_dim3A_1 : vector<16xf32> to vector<1x16xf32>
      tpu.vector_store %arg10[%swap3A_172, %swap3A_173], %swap3A_176 {strides = array<i32>} : memref<128x128xf32, #tpu.memory_space<vmem>>, vector<1x16xf32>,
      %swap3A_177 = arith.index_cast %scan3A_157 : i32 to index
      %swap3A_178 = arith.constant 64 : index
      %swap3A_179 = tpu.vector_load %arg10[%swap3A_177, %swap3A_178] {strides = array<i32>} : memref<128x128xf32, #tpu.memory_space<vmem>>, vector<1x16xf32>,
      %swap3A_180 = vector.shape_cast %swap3A_179 : vector<1x16xf32> to vector<16xf32>
      %swap3A_181 = vector.shape_cast %broadcast_in_dim3A_1 : vector<16xf32> to vector<1x16xf32>
      tpu.vector_store %arg10[%swap3A_177, %swap3A_178], %swap3A_181 {strides = array<i32>} : memref<128x128xf32, #tpu.memory_space<vmem>>, vector<1x16xf32>,
      %swap3A_182 = arith.index_cast %scan3A_157 : i32 to index
      %swap3A_183 = arith.constant 80 : index
      %swap3A_184 = tpu.vector_load %arg10[%swap3A_182, %swap3A_183] {strides = array<i32>} : memref<128x128xf32, #tpu.memory_space<vmem>>, vector<1x16xf32>,
      %swap3A_185 = vector.shape_cast %swap3A_184 : vector<1x16xf32> to vector<16xf32>
      %swap3A_186 = vector.shape_cast %broadcast_in_dim3A_1 : vector<16xf32> to vector<1x16xf32>
      tpu.vector_store %arg10[%swap3A_182, %swap3A_183], %swap3A_186 {strides = array<i32>} : memref<128x128xf32, #tpu.memory_space<vmem>>, vector<1x16xf32>,
      %swap3A_187 = arith.index_cast %scan3A_157 : i32 to index
      %swap3A_188 = arith.constant 96 : index
      %swap3A_189 = tpu.vector_load %arg10[%swap3A_187, %swap3A_188] {strides = array<i32>} : memref<128x128xf32, #tpu.memory_space<vmem>>, vector<1x16xf32>,
      %swap3A_190 = vector.shape_cast %swap3A_189 : vector<1x16xf32> to vector<16xf32>
      %swap3A_191 = vector.shape_cast %broadcast_in_dim3A_1 : vector<16xf32> to vector<1x16xf32>
      tpu.vector_store %arg10[%swap3A_187, %swap3A_188], %swap3A_191 {strides = array<i32>} : memref<128x128xf32, #tpu.memory_space<vmem>>, vector<1x16xf32>,
      %swap3A_192 = arith.index_cast %scan3A_157 : i32 to index
      %swap3A_193 = arith.constant 112 : index
      %swap3A_194 = tpu.vector_load %arg10[%swap3A_192, %swap3A_193] {strides = array<i32>} : memref<128x128xf32, #tpu.memory_space<vmem>>, vector<1x16xf32>,
      %swap3A_195 = vector.shape_cast %swap3A_194 : vector<1x16xf32> to vector<16xf32>
      %swap3A_196 = vector.shape_cast %broadcast_in_dim3A_1 : vector<16xf32> to vector<1x16xf32>
      tpu.vector_store %arg10[%swap3A_192, %swap3A_193], %swap3A_196 {strides = array<i32>} : memref<128x128xf32, #tpu.memory_space<vmem>>, vector<1x16xf32>,
    }
    %scan3A_6 = arith.constant 128 : i32
    %mul3A_7 = arith.constant 640 : i32
    %mul3A_8 = arith.muli %arg1, %mul3A_7 : i32
    %add3A_9 = arith.constant 0 : i32
    %add3A_10 = arith.addi %mul3A_8, %add3A_9 : i32
    %dma_start3A = arith.constant 0 : i32
    %dma_start3A_11 = tpu.memref_slice %arg12[%add3A_10, %dma_start3A] : memref<10240x128xf32, #tpu.memory_space<vmem_shared>> -> memref<128x128xf32, #tpu.memory_space<vmem_shared>>
    %dma_start3A_12 = arith.constant 0 : i32
    %dma_start3A_13 = tpu.memref_slice %arg12[%add3A_10, %dma_start3A_12] : memref<10240x128xf32, #tpu.memory_space<vmem_shared>> -> memref<128x128xf32, #tpu.memory_space<vmem_shared>>
    tpu.enqueue_dma source(%arg10 : memref<128x128xf32, #tpu.memory_space<vmem>>) target(%dma_start3A_13 : memref<128x128xf32, #tpu.memory_space<vmem_shared>>) target_semaphore(%arg15 : memref<!tpu.dma_semaphore, #tpu.memory_space<semaphore_mem>>)
    %add3A_14 = arith.constant 128 : i32
    %add3A_15 = arith.addi %mul3A_8, %add3A_14 : i32
    %dma_start3A_16 = arith.constant 0 : i32
    %dma_start3A_17 = tpu.memref_slice %arg12[%add3A_15, %dma_start3A_16] : memref<10240x128xf32, #tpu.memory_space<vmem_shared>> -> memref<128x128xf32, #tpu.memory_space<vmem_shared>>
    %dma_start3A_18 = arith.constant 0 : i32
    %dma_start3A_19 = tpu.memref_slice %arg12[%add3A_15, %dma_start3A_18] : memref<10240x128xf32, #tpu.memory_space<vmem_shared>> -> memref<128x128xf32, #tpu.memory_space<vmem_shared>>
    tpu.enqueue_dma source(%arg10 : memref<128x128xf32, #tpu.memory_space<vmem>>) target(%dma_start3A_19 : memref<128x128xf32, #tpu.memory_space<vmem_shared>>) target_semaphore(%arg15 : memref<!tpu.dma_semaphore, #tpu.memory_space<semaphore_mem>>)
    %add3A_20 = arith.constant 256 : i32
    %add3A_21 = arith.addi %mul3A_8, %add3A_20 : i32
    %dma_start3A_22 = arith.constant 0 : i32
    %dma_start3A_23 = tpu.memref_slice %arg12[%add3A_21, %dma_start3A_22] : memref<10240x128xf32, #tpu.memory_space<vmem_shared>> -> memref<128x128xf32, #tpu.memory_space<vmem_shared>>
    %dma_start3A_24 = arith.constant 0 : i32
    %dma_start3A_25 = tpu.memref_slice %arg12[%add3A_21, %dma_start3A_24] : memref<10240x128xf32, #tpu.memory_space<vmem_shared>> -> memref<128x128xf32, #tpu.memory_space<vmem_shared>>
    tpu.enqueue_dma source(%arg10 : memref<128x128xf32, #tpu.memory_space<vmem>>) target(%dma_start3A_25 : memref<128x128xf32, #tpu.memory_space<vmem_shared>>) target_semaphore(%arg15 : memref<!tpu.dma_semaphore, #tpu.memory_space<semaphore_mem>>)
    %add3A_26 = arith.constant 384 : i32
    %add3A_27 = arith.addi %mul3A_8, %add3A_26 : i32
    %dma_start3A_28 = arith.constant 0 : i32
    %dma_start3A_29 = tpu.memref_slice %arg12[%add3A_27, %dma_start3A_28] : memref<10240x128xf32, #tpu.memory_space<vmem_shared>> -> memref<128x128xf32, #tpu.memory_space<vmem_shared>>
    %dma_start3A_30 = arith.constant 0 : i32
    %dma_start3A_31 = tpu.memref_slice %arg12[%add3A_27, %dma_start3A_30] : memref<10240x128xf32, #tpu.memory_space<vmem_shared>> -> memref<128x128xf32, #tpu.memory_space<vmem_shared>>
    tpu.enqueue_dma source(%arg10 : memref<128x128xf32, #tpu.memory_space<vmem>>) target(%dma_start3A_31 : memref<128x128xf32, #tpu.memory_space<vmem_shared>>) target_semaphore(%arg15 : memref<!tpu.dma_semaphore, #tpu.memory_space<semaphore_mem>>)
    %add3A_32 = arith.constant 512 : i32
    %add3A_33 = arith.addi %mul3A_8, %add3A_32 : i32
    %dma_start3A_34 = arith.constant 0 : i32
    %dma_start3A_35 = tpu.memref_slice %arg12[%add3A_33, %dma_start3A_34] : memref<10240x128xf32, #tpu.memory_space<vmem_shared>> -> memref<128x128xf32, #tpu.memory_space<vmem_shared>>
    %dma_start3A_36 = arith.constant 0 : i32
    %dma_start3A_37 = tpu.memref_slice %arg12[%add3A_33, %dma_start3A_36] : memref<10240x128xf32, #tpu.memory_space<vmem_shared>> -> memref<128x128xf32, #tpu.memory_space<vmem_shared>>
    tpu.enqueue_dma source(%arg10 : memref<128x128xf32, #tpu.memory_space<vmem>>) target(%dma_start3A_37 : memref<128x128xf32, #tpu.memory_space<vmem_shared>>) target_semaphore(%arg15 : memref<!tpu.dma_semaphore, #tpu.memory_space<semaphore_mem>>)
    %add3A_38 = arith.constant 0 : i32
    %add3A_39 = arith.addi %mul3A_8, %add3A_38 : i32
    %dma_wait3A = arith.constant 0 : i32
    %dma_wait3A_40 = tpu.memref_slice %arg12[%add3A_39, %dma_wait3A] : memref<10240x128xf32, #tpu.memory_space<vmem_shared>> -> memref<128x128xf32, #tpu.memory_space<vmem_shared>>
    %dma_wait3A_41 = arith.constant 0 : i32
    %dma_wait3A_42 = tpu.memref_slice %arg12[%add3A_39, %dma_wait3A_41] : memref<10240x128xf32, #tpu.memory_space<vmem_shared>> -> memref<128x128xf32, #tpu.memory_space<vmem_shared>>
    tpu.wait_dma2 semaphore(%arg15 : memref<!tpu.dma_semaphore, #tpu.memory_space<semaphore_mem>>) src(%arg10 : memref<128x128xf32, #tpu.memory_space<vmem>>) dst(%dma_wait3A_42 : memref<128x128xf32, #tpu.memory_space<vmem_shared>>)
    %add3A_43 = arith.constant 128 : i32
    %add3A_44 = arith.addi %mul3A_8, %add3A_43 : i32
    %dma_wait3A_45 = arith.constant 0 : i32
    %dma_wait3A_46 = tpu.memref_slice %arg12[%add3A_44, %dma_wait3A_45] : memref<10240x128xf32, #tpu.memory_space<vmem_shared>> -> memref<128x128xf32, #tpu.memory_space<vmem_shared>>
    %dma_wait3A_47 = arith.constant 0 : i32
    %dma_wait3A_48 = tpu.memref_slice %arg12[%add3A_44, %dma_wait3A_47] : memref<10240x128xf32, #tpu.memory_space<vmem_shared>> -> memref<128x128xf32, #tpu.memory_space<vmem_shared>>
    tpu.wait_dma2 semaphore(%arg15 : memref<!tpu.dma_semaphore, #tpu.memory_space<semaphore_mem>>) src(%arg10 : memref<128x128xf32, #tpu.memory_space<vmem>>) dst(%dma_wait3A_48 : memref<128x128xf32, #tpu.memory_space<vmem_shared>>)
    %add3A_49 = arith.constant 256 : i32
    %add3A_50 = arith.addi %mul3A_8, %add3A_49 : i32
    %dma_wait3A_51 = arith.constant 0 : i32
    %dma_wait3A_52 = tpu.memref_slice %arg12[%add3A_50, %dma_wait3A_51] : memref<10240x128xf32, #tpu.memory_space<vmem_shared>> -> memref<128x128xf32, #tpu.memory_space<vmem_shared>>
    %dma_wait3A_53 = arith.constant 0 : i32
    %dma_wait3A_54 = tpu.memref_slice %arg12[%add3A_50, %dma_wait3A_53] : memref<10240x128xf32, #tpu.memory_space<vmem_shared>> -> memref<128x128xf32, #tpu.memory_space<vmem_shared>>
    tpu.wait_dma2 semaphore(%arg15 : memref<!tpu.dma_semaphore, #tpu.memory_space<semaphore_mem>>) src(%arg10 : memref<128x128xf32, #tpu.memory_space<vmem>>) dst(%dma_wait3A_54 : memref<128x128xf32, #tpu.memory_space<vmem_shared>>)
    %add3A_55 = arith.constant 384 : i32
    %add3A_56 = arith.addi %mul3A_8, %add3A_55 : i32
    %dma_wait3A_57 = arith.constant 0 : i32
    %dma_wait3A_58 = tpu.memref_slice %arg12[%add3A_56, %dma_wait3A_57] : memref<10240x128xf32, #tpu.memory_space<vmem_shared>> -> memref<128x128xf32, #tpu.memory_space<vmem_shared>>
    %dma_wait3A_59 = arith.constant 0 : i32
    %dma_wait3A_60 = tpu.memref_slice %arg12[%add3A_56, %dma_wait3A_59] : memref<10240x128xf32, #tpu.memory_space<vmem_shared>> -> memref<128x128xf32, #tpu.memory_space<vmem_shared>>
    tpu.wait_dma2 semaphore(%arg15 : memref<!tpu.dma_semaphore, #tpu.memory_space<semaphore_mem>>) src(%arg10 : memref<128x128xf32, #tpu.memory_space<vmem>>) dst(%dma_wait3A_60 : memref<128x128xf32, #tpu.memory_space<vmem_shared>>)
    %add3A_61 = arith.constant 512 : i32
    %add3A_62 = arith.addi %mul3A_8, %add3A_61 : i32
    %dma_wait3A_63 = arith.constant 0 : i32
    %dma_wait3A_64 = tpu.memref_slice %arg12[%add3A_62, %dma_wait3A_63] : memref<10240x128xf32, #tpu.memory_space<vmem_shared>> -> memref<128x128xf32, #tpu.memory_space<vmem_shared>>
    %dma_wait3A_65 = arith.constant 0 : i32
    %dma_wait3A_66 = tpu.memref_slice %arg12[%add3A_62, %dma_wait3A_65] : memref<10240x128xf32, #tpu.memory_space<vmem_shared>> -> memref<128x128xf32, #tpu.memory_space<vmem_shared>>
    tpu.wait_dma2 semaphore(%arg15 : memref<!tpu.dma_semaphore, #tpu.memory_space<semaphore_mem>>) src(%arg10 : memref<128x128xf32, #tpu.memory_space<vmem>>) dst(%dma_wait3A_66 : memref<128x128xf32, #tpu.memory_space<vmem_shared>>)
    %barrier3A = arith.constant 0 : index
    tpu.barrier barrier_id(%barrier3A)
    %mul3A_67 = arith.constant 10240 : i32
    %mul3A_68 = arith.muli %add3A, %mul3A_67 : i32
    %add3A_69 = arith.constant 0 : i32
    %add3A_70 = arith.addi %mul3A_68, %add3A_69 : i32
    "tpu.region"() ({
      %run_scoped3A = tpu.sem_alloc : memref<!tpu.dma_semaphore, #tpu.memory_space<semaphore_mem>>
      %dma_start3A_157 = tpu.memref_slice %arg3[%add3A_70] : memref<327680xi32, #tpu.memory_space<hbm>> -> memref<128xi32, #tpu.memory_space<hbm>>
      %dma_start3A_158 = tpu.memref_slice %arg3[%add3A_70] : memref<327680xi32, #tpu.memory_space<hbm>> -> memref<128xi32, #tpu.memory_space<hbm>>
      tpu.enqueue_dma source(%dma_start3A_158 : memref<128xi32, #tpu.memory_space<hbm>>) target(%arg6 : memref<128xi32, #tpu.memory_space<vmem>>) target_semaphore(%run_scoped3A : memref<!tpu.dma_semaphore, #tpu.memory_space<semaphore_mem>>)
      %dma_wait3A_159 = tpu.memref_slice %arg3[%add3A_70] : memref<327680xi32, #tpu.memory_space<hbm>> -> memref<128xi32, #tpu.memory_space<hbm>>
      %dma_wait3A_160 = tpu.memref_slice %arg3[%add3A_70] : memref<327680xi32, #tpu.memory_space<hbm>> -> memref<128xi32, #tpu.memory_space<hbm>>
      tpu.wait_dma2 semaphore(%run_scoped3A : memref<!tpu.dma_semaphore, #tpu.memory_space<semaphore_mem>>) src(%dma_wait3A_160 : memref<128xi32, #tpu.memory_space<hbm>>) dst(%arg6 : memref<128xi32, #tpu.memory_space<vmem>>)
      tpu.yield
    }) : () -> ()
    %dma_start3A_71 = arith.constant 0 : i32
    %dma_start3A_72 = arith.constant 0 : i32
    %dma_start3A_73 = tpu.memref_slice %arg2[%dma_start3A_71, %dma_start3A_72] : memref<10240x128xf32, #tpu.memory_space<hbm>> -> memref<10240x128xf32, #tpu.memory_space<hbm>>
    tpu.enqueue_indirect_dma source(%dma_start3A_73 : memref<10240x128xf32, #tpu.memory_space<hbm>>) target(%arg10 : memref<128x128xf32, #tpu.memory_space<vmem>>) offsets(%arg6 : memref<128xi32, #tpu.memory_space<vmem>>) semaphore(%arg13 : memref<!tpu.dma_semaphore, #tpu.memory_space<semaphore_mem>>)
    %scan3A_74 = arith.constant 0 : i32
    %scan3A_75 = arith.constant 0 : i32
    %scan3A_76 = arith.constant 40 : i32
    %scan3A_77 = arith.addi %scan3A_75, %scan3A_76 : i32
    %scan3A_78 = arith.constant 1 : i32
    scf.for %scan3A_157 = %scan3A_75 to %scan3A_77 step %scan3A_78  : i32 {
      %mul3A_158 = arith.constant 2 : i32
      %mul3A_159 = arith.muli %mul3A_158, %scan3A_157 : i32
      %mul3A_160 = arith.constant 128 : i32
      %mul3A_161 = arith.muli %mul3A_159, %mul3A_160 : i32
      %add3A_162 = arith.addi %mul3A_68, %mul3A_161 : i32
      "tpu.region"() ({
        %run_scoped3A = tpu.sem_alloc : memref<!tpu.dma_semaphore, #tpu.memory_space<semaphore_mem>>
        %dma_start3A_199 = tpu.memref_slice %arg4[%add3A_162] : memref<327680xi32, #tpu.memory_space<hbm>> -> memref<128xi32, #tpu.memory_space<hbm>>
        %dma_start3A_200 = tpu.memref_slice %arg4[%add3A_162] : memref<327680xi32, #tpu.memory_space<hbm>> -> memref<128xi32, #tpu.memory_space<hbm>>
        tpu.enqueue_dma source(%dma_start3A_200 : memref<128xi32, #tpu.memory_space<hbm>>) target(%arg8 : memref<128xi32, #tpu.memory_space<vmem>>) target_semaphore(%run_scoped3A : memref<!tpu.dma_semaphore, #tpu.memory_space<semaphore_mem>>)
        %dma_wait3A_201 = tpu.memref_slice %arg4[%add3A_162] : memref<327680xi32, #tpu.memory_space<hbm>> -> memref<128xi32, #tpu.memory_space<hbm>>
        %dma_wait3A_202 = tpu.memref_slice %arg4[%add3A_162] : memref<327680xi32, #tpu.memory_space<hbm>> -> memref<128xi32, #tpu.memory_space<hbm>>
        tpu.wait_dma2 semaphore(%run_scoped3A : memref<!tpu.dma_semaphore, #tpu.memory_space<semaphore_mem>>) src(%dma_wait3A_202 : memref<128xi32, #tpu.memory_space<hbm>>) dst(%arg8 : memref<128xi32, #tpu.memory_space<vmem>>)
        tpu.yield
      }) : () -> ()
      %add3A_163 = arith.constant 1 : i32
      %add3A_164 = arith.addi %mul3A_159, %add3A_163 : i32
      %mul3A_165 = arith.constant 128 : i32
      %mul3A_166 = arith.muli %add3A_164, %mul3A_165 : i32
      %add3A_167 = arith.addi %mul3A_68, %mul3A_166 : i32
      "tpu.region"() ({
        %run_scoped3A = tpu.sem_alloc : memref<!tpu.dma_semaphore, #tpu.memory_space<semaphore_mem>>
        %dma_start3A_199 = tpu.memref_slice %arg3[%add3A_167] : memref<327680xi32, #tpu.memory_space<hbm>> -> memref<128xi32, #tpu.memory_space<hbm>>
        %dma_start3A_200 = tpu.memref_slice %arg3[%add3A_167] : memref<327680xi32, #tpu.memory_space<hbm>> -> memref<128xi32, #tpu.memory_space<hbm>>
        tpu.enqueue_dma source(%dma_start3A_200 : memref<128xi32, #tpu.memory_space<hbm>>) target(%arg7 : memref<128xi32, #tpu.memory_space<vmem>>) target_semaphore(%run_scoped3A : memref<!tpu.dma_semaphore, #tpu.memory_space<semaphore_mem>>)
        %dma_wait3A_201 = tpu.memref_slice %arg3[%add3A_167] : memref<327680xi32, #tpu.memory_space<hbm>> -> memref<128xi32, #tpu.memory_space<hbm>>
        %dma_wait3A_202 = tpu.memref_slice %arg3[%add3A_167] : memref<327680xi32, #tpu.memory_space<hbm>> -> memref<128xi32, #tpu.memory_space<hbm>>
        tpu.wait_dma2 semaphore(%run_scoped3A : memref<!tpu.dma_semaphore, #tpu.memory_space<semaphore_mem>>) src(%dma_wait3A_202 : memref<128xi32, #tpu.memory_space<hbm>>) dst(%arg7 : memref<128xi32, #tpu.memory_space<vmem>>)
        tpu.yield
      }) : () -> ()
      %gt3A = arith.constant 0 : i32
      %gt3A_168 = arith.cmpi sgt, %scan3A_157, %gt3A : i32
      %convert_element_type3A = arith.extui %gt3A_168 : i1 to i32
      %cond3A = arith.constant 0 : i32
      %cond3A_169 = arith.cmpi ne, %convert_element_type3A, %cond3A : i32
      scf.if %cond3A_169 {
        %dma_wait3A_199 = arith.constant 0 : i32
        %dma_wait3A_200 = arith.constant 0 : i32
        %dma_wait3A_201 = tpu.memref_slice %arg12[%dma_wait3A_199, %dma_wait3A_200] : memref<10240x128xf32, #tpu.memory_space<vmem_shared>> -> memref<10240x128xf32, #tpu.memory_space<vmem_shared>>
        tpu.wait_indirect_dma semaphore(%arg16 : memref<!tpu.dma_semaphore, #tpu.memory_space<semaphore_mem>>) src(%arg11 : memref<128x128xf32, #tpu.memory_space<vmem>>) dst(%dma_wait3A_201 : memref<10240x128xf32, #tpu.memory_space<vmem_shared>>)
      } else {
      }
      %dma_start3A_170 = arith.constant 0 : i32
      %dma_start3A_171 = arith.constant 0 : i32
      %dma_start3A_172 = tpu.memref_slice %arg2[%dma_start3A_170, %dma_start3A_171] : memref<10240x128xf32, #tpu.memory_space<hbm>> -> memref<10240x128xf32, #tpu.memory_space<hbm>>
      tpu.enqueue_indirect_dma source(%dma_start3A_172 : memref<10240x128xf32, #tpu.memory_space<hbm>>) target(%arg11 : memref<128x128xf32, #tpu.memory_space<vmem>>) offsets(%arg7 : memref<128xi32, #tpu.memory_space<vmem>>) semaphore(%arg14 : memref<!tpu.dma_semaphore, #tpu.memory_space<semaphore_mem>>)
      %add3A_173 = arith.constant 1 : i32
      %add3A_174 = arith.addi %mul3A_159, %add3A_173 : i32
      %mul3A_175 = arith.constant 128 : i32
      %mul3A_176 = arith.muli %add3A_174, %mul3A_175 : i32
      %add3A_177 = arith.addi %mul3A_68, %mul3A_176 : i32
      "tpu.region"() ({
        %run_scoped3A = tpu.sem_alloc : memref<!tpu.dma_semaphore, #tpu.memory_space<semaphore_mem>>
        %dma_start3A_199 = tpu.memref_slice %arg4[%add3A_177] : memref<327680xi32, #tpu.memory_space<hbm>> -> memref<128xi32, #tpu.memory_space<hbm>>
        %dma_start3A_200 = tpu.memref_slice %arg4[%add3A_177] : memref<327680xi32, #tpu.memory_space<hbm>> -> memref<128xi32, #tpu.memory_space<hbm>>
        tpu.enqueue_dma source(%dma_start3A_200 : memref<128xi32, #tpu.memory_space<hbm>>) target(%arg9 : memref<128xi32, #tpu.memory_space<vmem>>) target_semaphore(%run_scoped3A : memref<!tpu.dma_semaphore, #tpu.memory_space<semaphore_mem>>)
        %dma_wait3A_201 = tpu.memref_slice %arg4[%add3A_177] : memref<327680xi32, #tpu.memory_space<hbm>> -> memref<128xi32, #tpu.memory_space<hbm>>
        %dma_wait3A_202 = tpu.memref_slice %arg4[%add3A_177] : memref<327680xi32, #tpu.memory_space<hbm>> -> memref<128xi32, #tpu.memory_space<hbm>>
        tpu.wait_dma2 semaphore(%run_scoped3A : memref<!tpu.dma_semaphore, #tpu.memory_space<semaphore_mem>>) src(%dma_wait3A_202 : memref<128xi32, #tpu.memory_space<hbm>>) dst(%arg9 : memref<128xi32, #tpu.memory_space<vmem>>)
        tpu.yield
      }) : () -> ()
      %dma_wait3A_178 = arith.constant 0 : i32
      %dma_wait3A_179 = arith.constant 0 : i32
      %dma_wait3A_180 = tpu.memref_slice %arg2[%dma_wait3A_178, %dma_wait3A_179] : memref<10240x128xf32, #tpu.memory_space<hbm>> -> memref<10240x128xf32, #tpu.memory_space<hbm>>
      tpu.wait_indirect_dma semaphore(%arg13 : memref<!tpu.dma_semaphore, #tpu.memory_space<semaphore_mem>>) src(%dma_wait3A_180 : memref<10240x128xf32, #tpu.memory_space<hbm>>) dst(%arg10 : memref<128x128xf32, #tpu.memory_space<vmem>>)
      %dma_start3A_181 = arith.constant 0 : i32
      %dma_start3A_182 = arith.constant 0 : i32
      %dma_start3A_183 = tpu.memref_slice %arg12[%dma_start3A_181, %dma_start3A_182] : memref<10240x128xf32, #tpu.memory_space<vmem_shared>> -> memref<10240x128xf32, #tpu.memory_space<vmem_shared>>
      tpu.enqueue_indirect_dma source(%arg10 : memref<128x128xf32, #tpu.memory_space<vmem>>) target(%dma_start3A_183 : memref<10240x128xf32, #tpu.memory_space<vmem_shared>>) offsets(%arg8 : memref<128xi32, #tpu.memory_space<vmem>>) semaphore(%arg15 : memref<!tpu.dma_semaphore, #tpu.memory_space<semaphore_mem>>) {add = true}
      %dma_wait3A_184 = arith.constant 0 : i32
      %dma_wait3A_185 = arith.constant 0 : i32
      %dma_wait3A_186 = tpu.memref_slice %arg2[%dma_wait3A_184, %dma_wait3A_185] : memref<10240x128xf32, #tpu.memory_space<hbm>> -> memref<10240x128xf32, #tpu.memory_space<hbm>>
      tpu.wait_indirect_dma semaphore(%arg14 : memref<!tpu.dma_semaphore, #tpu.memory_space<semaphore_mem>>) src(%dma_wait3A_186 : memref<10240x128xf32, #tpu.memory_space<hbm>>) dst(%arg11 : memref<128x128xf32, #tpu.memory_space<vmem>>)
      %dma_start3A_187 = arith.constant 0 : i32
      %dma_start3A_188 = arith.constant 0 : i32
      %dma_start3A_189 = tpu.memref_slice %arg12[%dma_start3A_187, %dma_start3A_188] : memref<10240x128xf32, #tpu.memory_space<vmem_shared>> -> memref<10240x128xf32, #tpu.memory_space<vmem_shared>>
      tpu.enqueue_indirect_dma source(%arg11 : memref<128x128xf32, #tpu.memory_space<vmem>>) target(%dma_start3A_189 : memref<10240x128xf32, #tpu.memory_space<vmem_shared>>) offsets(%arg9 : memref<128xi32, #tpu.memory_space<vmem>>) semaphore(%arg16 : memref<!tpu.dma_semaphore, #tpu.memory_space<semaphore_mem>>) {add = true}
      %dma_wait3A_190 = arith.constant 0 : i32
      %dma_wait3A_191 = arith.constant 0 : i32
      %dma_wait3A_192 = tpu.memref_slice %arg12[%dma_wait3A_190, %dma_wait3A_191] : memref<10240x128xf32, #tpu.memory_space<vmem_shared>> -> memref<10240x128xf32, #tpu.memory_space<vmem_shared>>
      tpu.wait_indirect_dma semaphore(%arg15 : memref<!tpu.dma_semaphore, #tpu.memory_space<semaphore_mem>>) src(%arg10 : memref<128x128xf32, #tpu.memory_space<vmem>>) dst(%dma_wait3A_192 : memref<10240x128xf32, #tpu.memory_space<vmem_shared>>)
      %add3A_193 = arith.constant 1 : i32
      %add3A_194 = arith.addi %scan3A_157, %add3A_193 : i32
      %lt3A = arith.constant 40 : i32
      %lt3A_195 = arith.cmpi slt, %add3A_194, %lt3A : i32
      %convert_element_type3A_196 = arith.extui %lt3A_195 : i1 to i32
      %cond3A_197 = arith.constant 0 : i32
      %cond3A_198 = arith.cmpi ne, %convert_element_type3A_196, %cond3A_197 : i32
      scf.if %cond3A_198 {
        %add3A_199 = arith.constant 2 : i32
        %add3A_200 = arith.addi %mul3A_159, %add3A_199 : i32
        %mul3A_201 = arith.constant 128 : i32
        %mul3A_202 = arith.muli %add3A_200, %mul3A_201 : i32
        %add3A_203 = arith.addi %mul3A_68, %mul3A_202 : i32
        "tpu.region"() ({
          %run_scoped3A = tpu.sem_alloc : memref<!tpu.dma_semaphore, #tpu.memory_space<semaphore_mem>>
          %dma_start3A_207 = tpu.memref_slice %arg3[%add3A_203] : memref<327680xi32, #tpu.memory_space<hbm>> -> memref<128xi32, #tpu.memory_space<hbm>>
          %dma_start3A_208 = tpu.memref_slice %arg3[%add3A_203] : memref<327680xi32, #tpu.memory_space<hbm>> -> memref<128xi32, #tpu.memory_space<hbm>>
          tpu.enqueue_dma source(%dma_start3A_208 : memref<128xi32, #tpu.memory_space<hbm>>) target(%arg6 : memref<128xi32, #tpu.memory_space<vmem>>) target_semaphore(%run_scoped3A : memref<!tpu.dma_semaphore, #tpu.memory_space<semaphore_mem>>)
          %dma_wait3A_209 = tpu.memref_slice %arg3[%add3A_203] : memref<327680xi32, #tpu.memory_space<hbm>> -> memref<128xi32, #tpu.memory_space<hbm>>
          %dma_wait3A_210 = tpu.memref_slice %arg3[%add3A_203] : memref<327680xi32, #tpu.memory_space<hbm>> -> memref<128xi32, #tpu.memory_space<hbm>>
          tpu.wait_dma2 semaphore(%run_scoped3A : memref<!tpu.dma_semaphore, #tpu.memory_space<semaphore_mem>>) src(%dma_wait3A_210 : memref<128xi32, #tpu.memory_space<hbm>>) dst(%arg6 : memref<128xi32, #tpu.memory_space<vmem>>)
          tpu.yield
        }) : () -> ()
        %dma_start3A_204 = arith.constant 0 : i32
        %dma_start3A_205 = arith.constant 0 : i32
        %dma_start3A_206 = tpu.memref_slice %arg2[%dma_start3A_204, %dma_start3A_205] : memref<10240x128xf32, #tpu.memory_space<hbm>> -> memref<10240x128xf32, #tpu.memory_space<hbm>>
        tpu.enqueue_indirect_dma source(%dma_start3A_206 : memref<10240x128xf32, #tpu.memory_space<hbm>>) target(%arg10 : memref<128x128xf32, #tpu.memory_space<vmem>>) offsets(%arg6 : memref<128xi32, #tpu.memory_space<vmem>>) semaphore(%arg13 : memref<!tpu.dma_semaphore, #tpu.memory_space<semaphore_mem>>)
      } else {
      }
    }
    %scan3A_79 = arith.constant 40 : i32
    %dma_wait3A_80 = arith.constant 0 : i32
    %dma_wait3A_81 = arith.constant 0 : i32
    %dma_wait3A_82 = tpu.memref_slice %arg12[%dma_wait3A_80, %dma_wait3A_81] : memref<10240x128xf32, #tpu.memory_space<vmem_shared>> -> memref<10240x128xf32, #tpu.memory_space<vmem_shared>>
    tpu.wait_indirect_dma semaphore(%arg16 : memref<!tpu.dma_semaphore, #tpu.memory_space<semaphore_mem>>) src(%arg11 : memref<128x128xf32, #tpu.memory_space<vmem>>) dst(%dma_wait3A_82 : memref<10240x128xf32, #tpu.memory_space<vmem_shared>>)
    %barrier3A_83 = arith.constant 0 : index
    tpu.barrier barrier_id(%barrier3A_83)
    %mul3A_84 = arith.constant 10240 : i32
    %mul3A_85 = arith.muli %arg0, %mul3A_84 : i32
    %add3A_86 = arith.addi %mul3A_85, %mul3A_8 : i32
    %add3A_87 = arith.constant 0 : i32
    %add3A_88 = arith.addi %mul3A_8, %add3A_87 : i32
    "tpu.region"() ({
      %run_scoped3A = tpu.sem_alloc : memref<!tpu.dma_semaphore, #tpu.memory_space<semaphore_mem>>
      %dma_start3A_157 = arith.constant 0 : i32
      %dma_start3A_158 = tpu.memref_slice %arg12[%add3A_88, %dma_start3A_157] : memref<10240x128xf32, #tpu.memory_space<vmem_shared>> -> memref<128x128xf32, #tpu.memory_space<vmem_shared>>
      %dma_start3A_159 = arith.constant 0 : i32
      %dma_start3A_160 = tpu.memref_slice %arg12[%add3A_88, %dma_start3A_159] : memref<10240x128xf32, #tpu.memory_space<vmem_shared>> -> memref<128x128xf32, #tpu.memory_space<vmem_shared>>
      tpu.enqueue_dma source(%dma_start3A_160 : memref<128x128xf32, #tpu.memory_space<vmem_shared>>) target(%arg10 : memref<128x128xf32, #tpu.memory_space<vmem>>) target_semaphore(%run_scoped3A : memref<!tpu.dma_semaphore, #tpu.memory_space<semaphore_mem>>)
      %dma_wait3A_161 = arith.constant 0 : i32
      %dma_wait3A_162 = tpu.memref_slice %arg12[%add3A_88, %dma_wait3A_161] : memref<10240x128xf32, #tpu.memory_space<vmem_shared>> -> memref<128x128xf32, #tpu.memory_space<vmem_shared>>
      %dma_wait3A_163 = arith.constant 0 : i32
      %dma_wait3A_164 = tpu.memref_slice %arg12[%add3A_88, %dma_wait3A_163] : memref<10240x128xf32, #tpu.memory_space<vmem_shared>> -> memref<128x128xf32, #tpu.memory_space<vmem_shared>>
      tpu.wait_dma2 semaphore(%run_scoped3A : memref<!tpu.dma_semaphore, #tpu.memory_space<semaphore_mem>>) src(%dma_wait3A_164 : memref<128x128xf32, #tpu.memory_space<vmem_shared>>) dst(%arg10 : memref<128x128xf32, #tpu.memory_space<vmem>>)
      tpu.yield
    }) : () -> ()
    %add3A_89 = arith.constant 0 : i32
    %add3A_90 = arith.addi %add3A_86, %add3A_89 : i32
    %dma_start3A_91 = arith.constant 0 : i32
    %dma_start3A_92 = tpu.memref_slice %arg5[%add3A_90, %dma_start3A_91] : memref<20480x128xf32, #tpu.memory_space<hbm>> -> memref<128x128xf32, #tpu.memory_space<hbm>>
    %dma_start3A_93 = arith.constant 0 : i32
    %dma_start3A_94 = tpu.memref_slice %arg5[%add3A_90, %dma_start3A_93] : memref<20480x128xf32, #tpu.memory_space<hbm>> -> memref<128x128xf32, #tpu.memory_space<hbm>>
    tpu.enqueue_dma source(%arg10 : memref<128x128xf32, #tpu.memory_space<vmem>>) target(%dma_start3A_94 : memref<128x128xf32, #tpu.memory_space<hbm>>) target_semaphore(%arg13 : memref<!tpu.dma_semaphore, #tpu.memory_space<semaphore_mem>>)
    %add3A_95 = arith.constant 128 : i32
    %add3A_96 = arith.addi %mul3A_8, %add3A_95 : i32
    "tpu.region"() ({
      %run_scoped3A = tpu.sem_alloc : memref<!tpu.dma_semaphore, #tpu.memory_space<semaphore_mem>>
      %dma_start3A_157 = arith.constant 0 : i32
      %dma_start3A_158 = tpu.memref_slice %arg12[%add3A_96, %dma_start3A_157] : memref<10240x128xf32, #tpu.memory_space<vmem_shared>> -> memref<128x128xf32, #tpu.memory_space<vmem_shared>>
      %dma_start3A_159 = arith.constant 0 : i32
      %dma_start3A_160 = tpu.memref_slice %arg12[%add3A_96, %dma_start3A_159] : memref<10240x128xf32, #tpu.memory_space<vmem_shared>> -> memref<128x128xf32, #tpu.memory_space<vmem_shared>>
      tpu.enqueue_dma source(%dma_start3A_160 : memref<128x128xf32, #tpu.memory_space<vmem_shared>>) target(%arg11 : memref<128x128xf32, #tpu.memory_space<vmem>>) target_semaphore(%run_scoped3A : memref<!tpu.dma_semaphore, #tpu.memory_space<semaphore_mem>>)
      %dma_wait3A_161 = arith.constant 0 : i32
      %dma_wait3A_162 = tpu.memref_slice %arg12[%add3A_96, %dma_wait3A_161] : memref<10240x128xf32, #tpu.memory_space<vmem_shared>> -> memref<128x128xf32, #tpu.memory_space<vmem_shared>>
      %dma_wait3A_163 = arith.constant 0 : i32
      %dma_wait3A_164 = tpu.memref_slice %arg12[%add3A_96, %dma_wait3A_163] : memref<10240x128xf32, #tpu.memory_space<vmem_shared>> -> memref<128x128xf32, #tpu.memory_space<vmem_shared>>
      tpu.wait_dma2 semaphore(%run_scoped3A : memref<!tpu.dma_semaphore, #tpu.memory_space<semaphore_mem>>) src(%dma_wait3A_164 : memref<128x128xf32, #tpu.memory_space<vmem_shared>>) dst(%arg11 : memref<128x128xf32, #tpu.memory_space<vmem>>)
      tpu.yield
    }) : () -> ()
    %add3A_97 = arith.constant 128 : i32
    %add3A_98 = arith.addi %add3A_86, %add3A_97 : i32
    %dma_start3A_99 = arith.constant 0 : i32
    %dma_start3A_100 = tpu.memref_slice %arg5[%add3A_98, %dma_start3A_99] : memref<20480x128xf32, #tpu.memory_space<hbm>> -> memref<128x128xf32, #tpu.memory_space<hbm>>
    %dma_start3A_101 = arith.constant 0 : i32
    %dma_start3A_102 = tpu.memref_slice %arg5[%add3A_98, %dma_start3A_101] : memref<20480x128xf32, #tpu.memory_space<hbm>> -> memref<128x128xf32, #tpu.memory_space<hbm>>
    tpu.enqueue_dma source(%arg11 : memref<128x128xf32, #tpu.memory_space<vmem>>) target(%dma_start3A_102 : memref<128x128xf32, #tpu.memory_space<hbm>>) target_semaphore(%arg14 : memref<!tpu.dma_semaphore, #tpu.memory_space<semaphore_mem>>)
    %add3A_103 = arith.constant 0 : i32
    %add3A_104 = arith.addi %add3A_86, %add3A_103 : i32
    %dma_wait3A_105 = arith.constant 0 : i32
    %dma_wait3A_106 = tpu.memref_slice %arg5[%add3A_104, %dma_wait3A_105] : memref<20480x128xf32, #tpu.memory_space<hbm>> -> memref<128x128xf32, #tpu.memory_space<hbm>>
    %dma_wait3A_107 = arith.constant 0 : i32
    %dma_wait3A_108 = tpu.memref_slice %arg5[%add3A_104, %dma_wait3A_107] : memref<20480x128xf32, #tpu.memory_space<hbm>> -> memref<128x128xf32, #tpu.memory_space<hbm>>
    tpu.wait_dma2 semaphore(%arg13 : memref<!tpu.dma_semaphore, #tpu.memory_space<semaphore_mem>>) src(%arg10 : memref<128x128xf32, #tpu.memory_space<vmem>>) dst(%dma_wait3A_108 : memref<128x128xf32, #tpu.memory_space<hbm>>)
    %add3A_109 = arith.constant 256 : i32
    %add3A_110 = arith.addi %mul3A_8, %add3A_109 : i32
    "tpu.region"() ({
      %run_scoped3A = tpu.sem_alloc : memref<!tpu.dma_semaphore, #tpu.memory_space<semaphore_mem>>
      %dma_start3A_157 = arith.constant 0 : i32
      %dma_start3A_158 = tpu.memref_slice %arg12[%add3A_110, %dma_start3A_157] : memref<10240x128xf32, #tpu.memory_space<vmem_shared>> -> memref<128x128xf32, #tpu.memory_space<vmem_shared>>
      %dma_start3A_159 = arith.constant 0 : i32
      %dma_start3A_160 = tpu.memref_slice %arg12[%add3A_110, %dma_start3A_159] : memref<10240x128xf32, #tpu.memory_space<vmem_shared>> -> memref<128x128xf32, #tpu.memory_space<vmem_shared>>
      tpu.enqueue_dma source(%dma_start3A_160 : memref<128x128xf32, #tpu.memory_space<vmem_shared>>) target(%arg10 : memref<128x128xf32, #tpu.memory_space<vmem>>) target_semaphore(%run_scoped3A : memref<!tpu.dma_semaphore, #tpu.memory_space<semaphore_mem>>)
      %dma_wait3A_161 = arith.constant 0 : i32
      %dma_wait3A_162 = tpu.memref_slice %arg12[%add3A_110, %dma_wait3A_161] : memref<10240x128xf32, #tpu.memory_space<vmem_shared>> -> memref<128x128xf32, #tpu.memory_space<vmem_shared>>
      %dma_wait3A_163 = arith.constant 0 : i32
      %dma_wait3A_164 = tpu.memref_slice %arg12[%add3A_110, %dma_wait3A_163] : memref<10240x128xf32, #tpu.memory_space<vmem_shared>> -> memref<128x128xf32, #tpu.memory_space<vmem_shared>>
      tpu.wait_dma2 semaphore(%run_scoped3A : memref<!tpu.dma_semaphore, #tpu.memory_space<semaphore_mem>>) src(%dma_wait3A_164 : memref<128x128xf32, #tpu.memory_space<vmem_shared>>) dst(%arg10 : memref<128x128xf32, #tpu.memory_space<vmem>>)
      tpu.yield
    }) : () -> ()
    %add3A_111 = arith.constant 256 : i32
    %add3A_112 = arith.addi %add3A_86, %add3A_111 : i32
    %dma_start3A_113 = arith.constant 0 : i32
    %dma_start3A_114 = tpu.memref_slice %arg5[%add3A_112, %dma_start3A_113] : memref<20480x128xf32, #tpu.memory_space<hbm>> -> memref<128x128xf32, #tpu.memory_space<hbm>>
    %dma_start3A_115 = arith.constant 0 : i32
    %dma_start3A_116 = tpu.memref_slice %arg5[%add3A_112, %dma_start3A_115] : memref<20480x128xf32, #tpu.memory_space<hbm>> -> memref<128x128xf32, #tpu.memory_space<hbm>>
    tpu.enqueue_dma source(%arg10 : memref<128x128xf32, #tpu.memory_space<vmem>>) target(%dma_start3A_116 : memref<128x128xf32, #tpu.memory_space<hbm>>) target_semaphore(%arg13 : memref<!tpu.dma_semaphore, #tpu.memory_space<semaphore_mem>>)
    %add3A_117 = arith.constant 128 : i32
    %add3A_118 = arith.addi %add3A_86, %add3A_117 : i32
    %dma_wait3A_119 = arith.constant 0 : i32
    %dma_wait3A_120 = tpu.memref_slice %arg5[%add3A_118, %dma_wait3A_119] : memref<20480x128xf32, #tpu.memory_space<hbm>> -> memref<128x128xf32, #tpu.memory_space<hbm>>
    %dma_wait3A_121 = arith.constant 0 : i32
    %dma_wait3A_122 = tpu.memref_slice %arg5[%add3A_118, %dma_wait3A_121] : memref<20480x128xf32, #tpu.memory_space<hbm>> -> memref<128x128xf32, #tpu.memory_space<hbm>>
    tpu.wait_dma2 semaphore(%arg14 : memref<!tpu.dma_semaphore, #tpu.memory_space<semaphore_mem>>) src(%arg11 : memref<128x128xf32, #tpu.memory_space<vmem>>) dst(%dma_wait3A_122 : memref<128x128xf32, #tpu.memory_space<hbm>>)
    %add3A_123 = arith.constant 384 : i32
    %add3A_124 = arith.addi %mul3A_8, %add3A_123 : i32
    "tpu.region"() ({
      %run_scoped3A = tpu.sem_alloc : memref<!tpu.dma_semaphore, #tpu.memory_space<semaphore_mem>>
      %dma_start3A_157 = arith.constant 0 : i32
      %dma_start3A_158 = tpu.memref_slice %arg12[%add3A_124, %dma_start3A_157] : memref<10240x128xf32, #tpu.memory_space<vmem_shared>> -> memref<128x128xf32, #tpu.memory_space<vmem_shared>>
      %dma_start3A_159 = arith.constant 0 : i32
      %dma_start3A_160 = tpu.memref_slice %arg12[%add3A_124, %dma_start3A_159] : memref<10240x128xf32, #tpu.memory_space<vmem_shared>> -> memref<128x128xf32, #tpu.memory_space<vmem_shared>>
      tpu.enqueue_dma source(%dma_start3A_160 : memref<128x128xf32, #tpu.memory_space<vmem_shared>>) target(%arg11 : memref<128x128xf32, #tpu.memory_space<vmem>>) target_semaphore(%run_scoped3A : memref<!tpu.dma_semaphore, #tpu.memory_space<semaphore_mem>>)
      %dma_wait3A_161 = arith.constant 0 : i32
      %dma_wait3A_162 = tpu.memref_slice %arg12[%add3A_124, %dma_wait3A_161] : memref<10240x128xf32, #tpu.memory_space<vmem_shared>> -> memref<128x128xf32, #tpu.memory_space<vmem_shared>>
      %dma_wait3A_163 = arith.constant 0 : i32
      %dma_wait3A_164 = tpu.memref_slice %arg12[%add3A_124, %dma_wait3A_163] : memref<10240x128xf32, #tpu.memory_space<vmem_shared>> -> memref<128x128xf32, #tpu.memory_space<vmem_shared>>
      tpu.wait_dma2 semaphore(%run_scoped3A : memref<!tpu.dma_semaphore, #tpu.memory_space<semaphore_mem>>) src(%dma_wait3A_164 : memref<128x128xf32, #tpu.memory_space<vmem_shared>>) dst(%arg11 : memref<128x128xf32, #tpu.memory_space<vmem>>)
      tpu.yield
    }) : () -> ()
    %add3A_125 = arith.constant 384 : i32
    %add3A_126 = arith.addi %add3A_86, %add3A_125 : i32
    %dma_start3A_127 = arith.constant 0 : i32
    %dma_start3A_128 = tpu.memref_slice %arg5[%add3A_126, %dma_start3A_127] : memref<20480x128xf32, #tpu.memory_space<hbm>> -> memref<128x128xf32, #tpu.memory_space<hbm>>
    %dma_start3A_129 = arith.constant 0 : i32
    %dma_start3A_130 = tpu.memref_slice %arg5[%add3A_126, %dma_start3A_129] : memref<20480x128xf32, #tpu.memory_space<hbm>> -> memref<128x128xf32, #tpu.memory_space<hbm>>
    tpu.enqueue_dma source(%arg11 : memref<128x128xf32, #tpu.memory_space<vmem>>) target(%dma_start3A_130 : memref<128x128xf32, #tpu.memory_space<hbm>>) target_semaphore(%arg14 : memref<!tpu.dma_semaphore, #tpu.memory_space<semaphore_mem>>)
    %add3A_131 = arith.constant 256 : i32
    %add3A_132 = arith.addi %add3A_86, %add3A_131 : i32
    %dma_wait3A_133 = arith.constant 0 : i32
    %dma_wait3A_134 = tpu.memref_slice %arg5[%add3A_132, %dma_wait3A_133] : memref<20480x128xf32, #tpu.memory_space<hbm>> -> memref<128x128xf32, #tpu.memory_space<hbm>>
    %dma_wait3A_135 = arith.constant 0 : i32
    %dma_wait3A_136 = tpu.memref_slice %arg5[%add3A_132, %dma_wait3A_135] : memref<20480x128xf32, #tpu.memory_space<hbm>> -> memref<128x128xf32, #tpu.memory_space<hbm>>
    tpu.wait_dma2 semaphore(%arg13 : memref<!tpu.dma_semaphore, #tpu.memory_space<semaphore_mem>>) src(%arg10 : memref<128x128xf32, #tpu.memory_space<vmem>>) dst(%dma_wait3A_136 : memref<128x128xf32, #tpu.memory_space<hbm>>)
    %add3A_137 = arith.constant 512 : i32
    %add3A_138 = arith.addi %mul3A_8, %add3A_137 : i32
    "tpu.region"() ({
      %run_scoped3A = tpu.sem_alloc : memref<!tpu.dma_semaphore, #tpu.memory_space<semaphore_mem>>
      %dma_start3A_157 = arith.constant 0 : i32
      %dma_start3A_158 = tpu.memref_slice %arg12[%add3A_138, %dma_start3A_157] : memref<10240x128xf32, #tpu.memory_space<vmem_shared>> -> memref<128x128xf32, #tpu.memory_space<vmem_shared>>
      %dma_start3A_159 = arith.constant 0 : i32
      %dma_start3A_160 = tpu.memref_slice %arg12[%add3A_138, %dma_start3A_159] : memref<10240x128xf32, #tpu.memory_space<vmem_shared>> -> memref<128x128xf32, #tpu.memory_space<vmem_shared>>
      tpu.enqueue_dma source(%dma_start3A_160 : memref<128x128xf32, #tpu.memory_space<vmem_shared>>) target(%arg10 : memref<128x128xf32, #tpu.memory_space<vmem>>) target_semaphore(%run_scoped3A : memref<!tpu.dma_semaphore, #tpu.memory_space<semaphore_mem>>)
      %dma_wait3A_161 = arith.constant 0 : i32
      %dma_wait3A_162 = tpu.memref_slice %arg12[%add3A_138, %dma_wait3A_161] : memref<10240x128xf32, #tpu.memory_space<vmem_shared>> -> memref<128x128xf32, #tpu.memory_space<vmem_shared>>
      %dma_wait3A_163 = arith.constant 0 : i32
      %dma_wait3A_164 = tpu.memref_slice %arg12[%add3A_138, %dma_wait3A_163] : memref<10240x128xf32, #tpu.memory_space<vmem_shared>> -> memref<128x128xf32, #tpu.memory_space<vmem_shared>>
      tpu.wait_dma2 semaphore(%run_scoped3A : memref<!tpu.dma_semaphore, #tpu.memory_space<semaphore_mem>>) src(%dma_wait3A_164 : memref<128x128xf32, #tpu.memory_space<vmem_shared>>) dst(%arg10 : memref<128x128xf32, #tpu.memory_space<vmem>>)
      tpu.yield
    }) : () -> ()
    %add3A_139 = arith.constant 512 : i32
    %add3A_140 = arith.addi %add3A_86, %add3A_139 : i32
    %dma_start3A_141 = arith.constant 0 : i32
    %dma_start3A_142 = tpu.memref_slice %arg5[%add3A_140, %dma_start3A_141] : memref<20480x128xf32, #tpu.memory_space<hbm>> -> memref<128x128xf32, #tpu.memory_space<hbm>>
    %dma_start3A_143 = arith.constant 0 : i32
    %dma_start3A_144 = tpu.memref_slice %arg5[%add3A_140, %dma_start3A_143] : memref<20480x128xf32, #tpu.memory_space<hbm>> -> memref<128x128xf32, #tpu.memory_space<hbm>>
    tpu.enqueue_dma source(%arg10 : memref<128x128xf32, #tpu.memory_space<vmem>>) target(%dma_start3A_144 : memref<128x128xf32, #tpu.memory_space<hbm>>) target_semaphore(%arg13 : memref<!tpu.dma_semaphore, #tpu.memory_space<semaphore_mem>>)
    %add3A_145 = arith.constant 384 : i32
    %add3A_146 = arith.addi %add3A_86, %add3A_145 : i32
    %dma_wait3A_147 = arith.constant 0 : i32
    %dma_wait3A_148 = tpu.memref_slice %arg5[%add3A_146, %dma_wait3A_147] : memref<20480x128xf32, #tpu.memory_space<hbm>> -> memref<128x128xf32, #tpu.memory_space<hbm>>
    %dma_wait3A_149 = arith.constant 0 : i32
    %dma_wait3A_150 = tpu.memref_slice %arg5[%add3A_146, %dma_wait3A_149] : memref<20480x128xf32, #tpu.memory_space<hbm>> -> memref<128x128xf32, #tpu.memory_space<hbm>>
    tpu.wait_dma2 semaphore(%arg14 : memref<!tpu.dma_semaphore, #tpu.memory_space<semaphore_mem>>) src(%arg11 : memref<128x128xf32, #tpu.memory_space<vmem>>) dst(%dma_wait3A_150 : memref<128x128xf32, #tpu.memory_space<hbm>>)
    %add3A_151 = arith.constant 512 : i32
    %add3A_152 = arith.addi %add3A_86, %add3A_151 : i32
    %dma_wait3A_153 = arith.constant 0 : i32
    %dma_wait3A_154 = tpu.memref_slice %arg5[%add3A_152, %dma_wait3A_153] : memref<20480x128xf32, #tpu.memory_space<hbm>> -> memref<128x128xf32, #tpu.memory_space<hbm>>
    %dma_wait3A_155 = arith.constant 0 : i32
    %dma_wait3A_156 = tpu.memref_slice %arg5[%add3A_152, %dma_wait3A_155] : memref<20480x128xf32, #tpu.memory_space<hbm>> -> memref<128x128xf32, #tpu.memory_space<hbm>>
    tpu.wait_dma2 semaphore(%arg13 : memref<!tpu.dma_semaphore, #tpu.memory_space<semaphore_mem>>) src(%arg10 : memref<128x128xf32, #tpu.memory_space<vmem>>) dst(%dma_wait3A_156 : memref<128x128xf32, #tpu.memory_space<hbm>>)
    return
  }
}

#map = affine_map<(d0, d1) -> (0, 0)>
#map1 = affine_map<(d0, d1) -> (0)>
module attributes {stable_mosaic.version = 14 : i64} {
  func.func @_gather_body(%arg0: i32, %arg1: i32, %arg2: memref<10240x128xf32, #tpu.memory_space<hbm>>, %arg3: memref<24576xi32, #tpu.memory_space<hbm>>, %arg4: memref<24576x128xf32, #tpu.memory_space<hbm>>, %arg5: memref<768xi32, #tpu.memory_space<vmem>>, %arg6: memref<128x128xf32, #tpu.memory_space<vmem>>, %arg7: memref<128x128xf32, #tpu.memory_space<vmem>>, %arg8: memref<!tpu.dma_semaphore, #tpu.memory_space<semaphore_mem>>, %arg9: memref<!tpu.dma_semaphore, #tpu.memory_space<semaphore_mem>>, %arg10: memref<!tpu.dma_semaphore, #tpu.memory_space<semaphore_mem>>, %arg11: memref<!tpu.dma_semaphore, #tpu.memory_space<semaphore_mem>>) attributes {dimension_semantics = [#tpu.dimension_semantics<core_parallel>, #tpu.dimension_semantics<subcore_parallel>], iteration_bounds = array<i64: 2, 16>, scalar_prefetch = 0 : i64, scratch_operands = 7 : i64, tpu.core_type = #tpu.core_type<sc_vector_subcore>, window_params = [{transform_indices = #map}, {transform_indices = #map1}, {transform_indices = #map}]} {
    %mul3A = arith.constant 2 : i32
    %mul3A_0 = arith.muli %arg1, %mul3A : i32
    %add3A = arith.addi %mul3A_0, %arg0 : i32
    %mul3A_1 = arith.constant 768 : i32
    %mul3A_2 = arith.muli %add3A, %mul3A_1 : i32
    "tpu.region"() ({
      %run_scoped3A = tpu.sem_alloc : memref<!tpu.dma_semaphore, #tpu.memory_space<semaphore_mem>>
      %dma_start3A_133 = tpu.memref_slice %arg3[%mul3A_2] : memref<24576xi32, #tpu.memory_space<hbm>> -> memref<768xi32, #tpu.memory_space<hbm>>
      %dma_start3A_134 = tpu.memref_slice %arg3[%mul3A_2] : memref<24576xi32, #tpu.memory_space<hbm>> -> memref<768xi32, #tpu.memory_space<hbm>>
      tpu.enqueue_dma source(%dma_start3A_134 : memref<768xi32, #tpu.memory_space<hbm>>) target(%arg5 : memref<768xi32, #tpu.memory_space<vmem>>) target_semaphore(%run_scoped3A : memref<!tpu.dma_semaphore, #tpu.memory_space<semaphore_mem>>)
      %dma_wait3A_135 = tpu.memref_slice %arg3[%mul3A_2] : memref<24576xi32, #tpu.memory_space<hbm>> -> memref<768xi32, #tpu.memory_space<hbm>>
      %dma_wait3A_136 = tpu.memref_slice %arg3[%mul3A_2] : memref<24576xi32, #tpu.memory_space<hbm>> -> memref<768xi32, #tpu.memory_space<hbm>>
      tpu.wait_dma2 semaphore(%run_scoped3A : memref<!tpu.dma_semaphore, #tpu.memory_space<semaphore_mem>>) src(%dma_wait3A_136 : memref<768xi32, #tpu.memory_space<hbm>>) dst(%arg5 : memref<768xi32, #tpu.memory_space<vmem>>)
      tpu.yield
    }) : () -> ()
    %dma_start3A = arith.constant 0 : i32
    %dma_start3A_3 = tpu.memref_slice %arg5[%dma_start3A] : memref<768xi32, #tpu.memory_space<vmem>> -> memref<128xi32, #tpu.memory_space<vmem>>
    %dma_start3A_4 = arith.constant 0 : i32
    %dma_start3A_5 = arith.constant 0 : i32
    %dma_start3A_6 = tpu.memref_slice %arg2[%dma_start3A_4, %dma_start3A_5] : memref<10240x128xf32, #tpu.memory_space<hbm>> -> memref<10240x128xf32, #tpu.memory_space<hbm>>
    tpu.enqueue_indirect_dma source(%dma_start3A_6 : memref<10240x128xf32, #tpu.memory_space<hbm>>) target(%arg6 : memref<128x128xf32, #tpu.memory_space<vmem>>) offsets(%dma_start3A_3 : memref<128xi32, #tpu.memory_space<vmem>>) semaphore(%arg8 : memref<!tpu.dma_semaphore, #tpu.memory_space<semaphore_mem>>)
    %dma_wait3A = arith.constant 0 : i32
    %dma_wait3A_7 = tpu.memref_slice %arg5[%dma_wait3A] : memref<768xi32, #tpu.memory_space<vmem>> -> memref<128xi32, #tpu.memory_space<vmem>>
    %dma_wait3A_8 = arith.constant 0 : i32
    %dma_wait3A_9 = arith.constant 0 : i32
    %dma_wait3A_10 = tpu.memref_slice %arg2[%dma_wait3A_8, %dma_wait3A_9] : memref<10240x128xf32, #tpu.memory_space<hbm>> -> memref<10240x128xf32, #tpu.memory_space<hbm>>
    tpu.wait_indirect_dma semaphore(%arg8 : memref<!tpu.dma_semaphore, #tpu.memory_space<semaphore_mem>>) src(%dma_wait3A_10 : memref<10240x128xf32, #tpu.memory_space<hbm>>) dst(%arg6 : memref<128x128xf32, #tpu.memory_space<vmem>>)
    %add3A_11 = arith.constant 0 : i32
    %add3A_12 = arith.addi %mul3A_2, %add3A_11 : i32
    %dma_start3A_13 = arith.constant 0 : i32
    %dma_start3A_14 = tpu.memref_slice %arg4[%add3A_12, %dma_start3A_13] : memref<24576x128xf32, #tpu.memory_space<hbm>> -> memref<128x128xf32, #tpu.memory_space<hbm>>
    %dma_start3A_15 = arith.constant 0 : i32
    %dma_start3A_16 = tpu.memref_slice %arg4[%add3A_12, %dma_start3A_15] : memref<24576x128xf32, #tpu.memory_space<hbm>> -> memref<128x128xf32, #tpu.memory_space<hbm>>
    tpu.enqueue_dma source(%arg6 : memref<128x128xf32, #tpu.memory_space<vmem>>) target(%dma_start3A_16 : memref<128x128xf32, #tpu.memory_space<hbm>>) target_semaphore(%arg10 : memref<!tpu.dma_semaphore, #tpu.memory_space<semaphore_mem>>)
    %dma_start3A_17 = arith.constant 128 : i32
    %dma_start3A_18 = tpu.memref_slice %arg5[%dma_start3A_17] : memref<768xi32, #tpu.memory_space<vmem>> -> memref<128xi32, #tpu.memory_space<vmem>>
    %dma_start3A_19 = arith.constant 0 : i32
    %dma_start3A_20 = arith.constant 0 : i32
    %dma_start3A_21 = tpu.memref_slice %arg2[%dma_start3A_19, %dma_start3A_20] : memref<10240x128xf32, #tpu.memory_space<hbm>> -> memref<10240x128xf32, #tpu.memory_space<hbm>>
    tpu.enqueue_indirect_dma source(%dma_start3A_21 : memref<10240x128xf32, #tpu.memory_space<hbm>>) target(%arg7 : memref<128x128xf32, #tpu.memory_space<vmem>>) offsets(%dma_start3A_18 : memref<128xi32, #tpu.memory_space<vmem>>) semaphore(%arg9 : memref<!tpu.dma_semaphore, #tpu.memory_space<semaphore_mem>>)
    %dma_wait3A_22 = arith.constant 128 : i32
    %dma_wait3A_23 = tpu.memref_slice %arg5[%dma_wait3A_22] : memref<768xi32, #tpu.memory_space<vmem>> -> memref<128xi32, #tpu.memory_space<vmem>>
    %dma_wait3A_24 = arith.constant 0 : i32
    %dma_wait3A_25 = arith.constant 0 : i32
    %dma_wait3A_26 = tpu.memref_slice %arg2[%dma_wait3A_24, %dma_wait3A_25] : memref<10240x128xf32, #tpu.memory_space<hbm>> -> memref<10240x128xf32, #tpu.memory_space<hbm>>
    tpu.wait_indirect_dma semaphore(%arg9 : memref<!tpu.dma_semaphore, #tpu.memory_space<semaphore_mem>>) src(%dma_wait3A_26 : memref<10240x128xf32, #tpu.memory_space<hbm>>) dst(%arg7 : memref<128x128xf32, #tpu.memory_space<vmem>>)
    %add3A_27 = arith.constant 128 : i32
    %add3A_28 = arith.addi %mul3A_2, %add3A_27 : i32
    %dma_start3A_29 = arith.constant 0 : i32
    %dma_start3A_30 = tpu.memref_slice %arg4[%add3A_28, %dma_start3A_29] : memref<24576x128xf32, #tpu.memory_space<hbm>> -> memref<128x128xf32, #tpu.memory_space<hbm>>
    %dma_start3A_31 = arith.constant 0 : i32
    %dma_start3A_32 = tpu.memref_slice %arg4[%add3A_28, %dma_start3A_31] : memref<24576x128xf32, #tpu.memory_space<hbm>> -> memref<128x128xf32, #tpu.memory_space<hbm>>
    tpu.enqueue_dma source(%arg7 : memref<128x128xf32, #tpu.memory_space<vmem>>) target(%dma_start3A_32 : memref<128x128xf32, #tpu.memory_space<hbm>>) target_semaphore(%arg11 : memref<!tpu.dma_semaphore, #tpu.memory_space<semaphore_mem>>)
    %dma_start3A_33 = arith.constant 256 : i32
    %dma_start3A_34 = tpu.memref_slice %arg5[%dma_start3A_33] : memref<768xi32, #tpu.memory_space<vmem>> -> memref<128xi32, #tpu.memory_space<vmem>>
    %dma_start3A_35 = arith.constant 0 : i32
    %dma_start3A_36 = arith.constant 0 : i32
    %dma_start3A_37 = tpu.memref_slice %arg2[%dma_start3A_35, %dma_start3A_36] : memref<10240x128xf32, #tpu.memory_space<hbm>> -> memref<10240x128xf32, #tpu.memory_space<hbm>>
    tpu.enqueue_indirect_dma source(%dma_start3A_37 : memref<10240x128xf32, #tpu.memory_space<hbm>>) target(%arg6 : memref<128x128xf32, #tpu.memory_space<vmem>>) offsets(%dma_start3A_34 : memref<128xi32, #tpu.memory_space<vmem>>) semaphore(%arg8 : memref<!tpu.dma_semaphore, #tpu.memory_space<semaphore_mem>>)
    %dma_wait3A_38 = arith.constant 256 : i32
    %dma_wait3A_39 = tpu.memref_slice %arg5[%dma_wait3A_38] : memref<768xi32, #tpu.memory_space<vmem>> -> memref<128xi32, #tpu.memory_space<vmem>>
    %dma_wait3A_40 = arith.constant 0 : i32
    %dma_wait3A_41 = arith.constant 0 : i32
    %dma_wait3A_42 = tpu.memref_slice %arg2[%dma_wait3A_40, %dma_wait3A_41] : memref<10240x128xf32, #tpu.memory_space<hbm>> -> memref<10240x128xf32, #tpu.memory_space<hbm>>
    tpu.wait_indirect_dma semaphore(%arg8 : memref<!tpu.dma_semaphore, #tpu.memory_space<semaphore_mem>>) src(%dma_wait3A_42 : memref<10240x128xf32, #tpu.memory_space<hbm>>) dst(%arg6 : memref<128x128xf32, #tpu.memory_space<vmem>>)
    %add3A_43 = arith.constant 0 : i32
    %add3A_44 = arith.addi %mul3A_2, %add3A_43 : i32
    %dma_wait3A_45 = arith.constant 0 : i32
    %dma_wait3A_46 = tpu.memref_slice %arg4[%add3A_44, %dma_wait3A_45] : memref<24576x128xf32, #tpu.memory_space<hbm>> -> memref<128x128xf32, #tpu.memory_space<hbm>>
    %dma_wait3A_47 = arith.constant 0 : i32
    %dma_wait3A_48 = tpu.memref_slice %arg4[%add3A_44, %dma_wait3A_47] : memref<24576x128xf32, #tpu.memory_space<hbm>> -> memref<128x128xf32, #tpu.memory_space<hbm>>
    tpu.wait_dma2 semaphore(%arg10 : memref<!tpu.dma_semaphore, #tpu.memory_space<semaphore_mem>>) src(%arg6 : memref<128x128xf32, #tpu.memory_space<vmem>>) dst(%dma_wait3A_48 : memref<128x128xf32, #tpu.memory_space<hbm>>)
    %add3A_49 = arith.constant 256 : i32
    %add3A_50 = arith.addi %mul3A_2, %add3A_49 : i32
    %dma_start3A_51 = arith.constant 0 : i32
    %dma_start3A_52 = tpu.memref_slice %arg4[%add3A_50, %dma_start3A_51] : memref<24576x128xf32, #tpu.memory_space<hbm>> -> memref<128x128xf32, #tpu.memory_space<hbm>>
    %dma_start3A_53 = arith.constant 0 : i32
    %dma_start3A_54 = tpu.memref_slice %arg4[%add3A_50, %dma_start3A_53] : memref<24576x128xf32, #tpu.memory_space<hbm>> -> memref<128x128xf32, #tpu.memory_space<hbm>>
    tpu.enqueue_dma source(%arg6 : memref<128x128xf32, #tpu.memory_space<vmem>>) target(%dma_start3A_54 : memref<128x128xf32, #tpu.memory_space<hbm>>) target_semaphore(%arg10 : memref<!tpu.dma_semaphore, #tpu.memory_space<semaphore_mem>>)
    %dma_start3A_55 = arith.constant 384 : i32
    %dma_start3A_56 = tpu.memref_slice %arg5[%dma_start3A_55] : memref<768xi32, #tpu.memory_space<vmem>> -> memref<128xi32, #tpu.memory_space<vmem>>
    %dma_start3A_57 = arith.constant 0 : i32
    %dma_start3A_58 = arith.constant 0 : i32
    %dma_start3A_59 = tpu.memref_slice %arg2[%dma_start3A_57, %dma_start3A_58] : memref<10240x128xf32, #tpu.memory_space<hbm>> -> memref<10240x128xf32, #tpu.memory_space<hbm>>
    tpu.enqueue_indirect_dma source(%dma_start3A_59 : memref<10240x128xf32, #tpu.memory_space<hbm>>) target(%arg7 : memref<128x128xf32, #tpu.memory_space<vmem>>) offsets(%dma_start3A_56 : memref<128xi32, #tpu.memory_space<vmem>>) semaphore(%arg9 : memref<!tpu.dma_semaphore, #tpu.memory_space<semaphore_mem>>)
    %dma_wait3A_60 = arith.constant 384 : i32
    %dma_wait3A_61 = tpu.memref_slice %arg5[%dma_wait3A_60] : memref<768xi32, #tpu.memory_space<vmem>> -> memref<128xi32, #tpu.memory_space<vmem>>
    %dma_wait3A_62 = arith.constant 0 : i32
    %dma_wait3A_63 = arith.constant 0 : i32
    %dma_wait3A_64 = tpu.memref_slice %arg2[%dma_wait3A_62, %dma_wait3A_63] : memref<10240x128xf32, #tpu.memory_space<hbm>> -> memref<10240x128xf32, #tpu.memory_space<hbm>>
    tpu.wait_indirect_dma semaphore(%arg9 : memref<!tpu.dma_semaphore, #tpu.memory_space<semaphore_mem>>) src(%dma_wait3A_64 : memref<10240x128xf32, #tpu.memory_space<hbm>>) dst(%arg7 : memref<128x128xf32, #tpu.memory_space<vmem>>)
    %add3A_65 = arith.constant 128 : i32
    %add3A_66 = arith.addi %mul3A_2, %add3A_65 : i32
    %dma_wait3A_67 = arith.constant 0 : i32
    %dma_wait3A_68 = tpu.memref_slice %arg4[%add3A_66, %dma_wait3A_67] : memref<24576x128xf32, #tpu.memory_space<hbm>> -> memref<128x128xf32, #tpu.memory_space<hbm>>
    %dma_wait3A_69 = arith.constant 0 : i32
    %dma_wait3A_70 = tpu.memref_slice %arg4[%add3A_66, %dma_wait3A_69] : memref<24576x128xf32, #tpu.memory_space<hbm>> -> memref<128x128xf32, #tpu.memory_space<hbm>>
    tpu.wait_dma2 semaphore(%arg11 : memref<!tpu.dma_semaphore, #tpu.memory_space<semaphore_mem>>) src(%arg7 : memref<128x128xf32, #tpu.memory_space<vmem>>) dst(%dma_wait3A_70 : memref<128x128xf32, #tpu.memory_space<hbm>>)
    %add3A_71 = arith.constant 384 : i32
    %add3A_72 = arith.addi %mul3A_2, %add3A_71 : i32
    %dma_start3A_73 = arith.constant 0 : i32
    %dma_start3A_74 = tpu.memref_slice %arg4[%add3A_72, %dma_start3A_73] : memref<24576x128xf32, #tpu.memory_space<hbm>> -> memref<128x128xf32, #tpu.memory_space<hbm>>
    %dma_start3A_75 = arith.constant 0 : i32
    %dma_start3A_76 = tpu.memref_slice %arg4[%add3A_72, %dma_start3A_75] : memref<24576x128xf32, #tpu.memory_space<hbm>> -> memref<128x128xf32, #tpu.memory_space<hbm>>
    tpu.enqueue_dma source(%arg7 : memref<128x128xf32, #tpu.memory_space<vmem>>) target(%dma_start3A_76 : memref<128x128xf32, #tpu.memory_space<hbm>>) target_semaphore(%arg11 : memref<!tpu.dma_semaphore, #tpu.memory_space<semaphore_mem>>)
    %dma_start3A_77 = arith.constant 512 : i32
    %dma_start3A_78 = tpu.memref_slice %arg5[%dma_start3A_77] : memref<768xi32, #tpu.memory_space<vmem>> -> memref<128xi32, #tpu.memory_space<vmem>>
    %dma_start3A_79 = arith.constant 0 : i32
    %dma_start3A_80 = arith.constant 0 : i32
    %dma_start3A_81 = tpu.memref_slice %arg2[%dma_start3A_79, %dma_start3A_80] : memref<10240x128xf32, #tpu.memory_space<hbm>> -> memref<10240x128xf32, #tpu.memory_space<hbm>>
    tpu.enqueue_indirect_dma source(%dma_start3A_81 : memref<10240x128xf32, #tpu.memory_space<hbm>>) target(%arg6 : memref<128x128xf32, #tpu.memory_space<vmem>>) offsets(%dma_start3A_78 : memref<128xi32, #tpu.memory_space<vmem>>) semaphore(%arg8 : memref<!tpu.dma_semaphore, #tpu.memory_space<semaphore_mem>>)
    %dma_wait3A_82 = arith.constant 512 : i32
    %dma_wait3A_83 = tpu.memref_slice %arg5[%dma_wait3A_82] : memref<768xi32, #tpu.memory_space<vmem>> -> memref<128xi32, #tpu.memory_space<vmem>>
    %dma_wait3A_84 = arith.constant 0 : i32
    %dma_wait3A_85 = arith.constant 0 : i32
    %dma_wait3A_86 = tpu.memref_slice %arg2[%dma_wait3A_84, %dma_wait3A_85] : memref<10240x128xf32, #tpu.memory_space<hbm>> -> memref<10240x128xf32, #tpu.memory_space<hbm>>
    tpu.wait_indirect_dma semaphore(%arg8 : memref<!tpu.dma_semaphore, #tpu.memory_space<semaphore_mem>>) src(%dma_wait3A_86 : memref<10240x128xf32, #tpu.memory_space<hbm>>) dst(%arg6 : memref<128x128xf32, #tpu.memory_space<vmem>>)
    %add3A_87 = arith.constant 256 : i32
    %add3A_88 = arith.addi %mul3A_2, %add3A_87 : i32
    %dma_wait3A_89 = arith.constant 0 : i32
    %dma_wait3A_90 = tpu.memref_slice %arg4[%add3A_88, %dma_wait3A_89] : memref<24576x128xf32, #tpu.memory_space<hbm>> -> memref<128x128xf32, #tpu.memory_space<hbm>>
    %dma_wait3A_91 = arith.constant 0 : i32
    %dma_wait3A_92 = tpu.memref_slice %arg4[%add3A_88, %dma_wait3A_91] : memref<24576x128xf32, #tpu.memory_space<hbm>> -> memref<128x128xf32, #tpu.memory_space<hbm>>
    tpu.wait_dma2 semaphore(%arg10 : memref<!tpu.dma_semaphore, #tpu.memory_space<semaphore_mem>>) src(%arg6 : memref<128x128xf32, #tpu.memory_space<vmem>>) dst(%dma_wait3A_92 : memref<128x128xf32, #tpu.memory_space<hbm>>)
    %add3A_93 = arith.constant 512 : i32
    %add3A_94 = arith.addi %mul3A_2, %add3A_93 : i32
    %dma_start3A_95 = arith.constant 0 : i32
    %dma_start3A_96 = tpu.memref_slice %arg4[%add3A_94, %dma_start3A_95] : memref<24576x128xf32, #tpu.memory_space<hbm>> -> memref<128x128xf32, #tpu.memory_space<hbm>>
    %dma_start3A_97 = arith.constant 0 : i32
    %dma_start3A_98 = tpu.memref_slice %arg4[%add3A_94, %dma_start3A_97] : memref<24576x128xf32, #tpu.memory_space<hbm>> -> memref<128x128xf32, #tpu.memory_space<hbm>>
    tpu.enqueue_dma source(%arg6 : memref<128x128xf32, #tpu.memory_space<vmem>>) target(%dma_start3A_98 : memref<128x128xf32, #tpu.memory_space<hbm>>) target_semaphore(%arg10 : memref<!tpu.dma_semaphore, #tpu.memory_space<semaphore_mem>>)
    %dma_start3A_99 = arith.constant 640 : i32
    %dma_start3A_100 = tpu.memref_slice %arg5[%dma_start3A_99] : memref<768xi32, #tpu.memory_space<vmem>> -> memref<128xi32, #tpu.memory_space<vmem>>
    %dma_start3A_101 = arith.constant 0 : i32
    %dma_start3A_102 = arith.constant 0 : i32
    %dma_start3A_103 = tpu.memref_slice %arg2[%dma_start3A_101, %dma_start3A_102] : memref<10240x128xf32, #tpu.memory_space<hbm>> -> memref<10240x128xf32, #tpu.memory_space<hbm>>
    tpu.enqueue_indirect_dma source(%dma_start3A_103 : memref<10240x128xf32, #tpu.memory_space<hbm>>) target(%arg7 : memref<128x128xf32, #tpu.memory_space<vmem>>) offsets(%dma_start3A_100 : memref<128xi32, #tpu.memory_space<vmem>>) semaphore(%arg9 : memref<!tpu.dma_semaphore, #tpu.memory_space<semaphore_mem>>)
    %dma_wait3A_104 = arith.constant 640 : i32
    %dma_wait3A_105 = tpu.memref_slice %arg5[%dma_wait3A_104] : memref<768xi32, #tpu.memory_space<vmem>> -> memref<128xi32, #tpu.memory_space<vmem>>
    %dma_wait3A_106 = arith.constant 0 : i32
    %dma_wait3A_107 = arith.constant 0 : i32
    %dma_wait3A_108 = tpu.memref_slice %arg2[%dma_wait3A_106, %dma_wait3A_107] : memref<10240x128xf32, #tpu.memory_space<hbm>> -> memref<10240x128xf32, #tpu.memory_space<hbm>>
    tpu.wait_indirect_dma semaphore(%arg9 : memref<!tpu.dma_semaphore, #tpu.memory_space<semaphore_mem>>) src(%dma_wait3A_108 : memref<10240x128xf32, #tpu.memory_space<hbm>>) dst(%arg7 : memref<128x128xf32, #tpu.memory_space<vmem>>)
    %add3A_109 = arith.constant 384 : i32
    %add3A_110 = arith.addi %mul3A_2, %add3A_109 : i32
    %dma_wait3A_111 = arith.constant 0 : i32
    %dma_wait3A_112 = tpu.memref_slice %arg4[%add3A_110, %dma_wait3A_111] : memref<24576x128xf32, #tpu.memory_space<hbm>> -> memref<128x128xf32, #tpu.memory_space<hbm>>
    %dma_wait3A_113 = arith.constant 0 : i32
    %dma_wait3A_114 = tpu.memref_slice %arg4[%add3A_110, %dma_wait3A_113] : memref<24576x128xf32, #tpu.memory_space<hbm>> -> memref<128x128xf32, #tpu.memory_space<hbm>>
    tpu.wait_dma2 semaphore(%arg11 : memref<!tpu.dma_semaphore, #tpu.memory_space<semaphore_mem>>) src(%arg7 : memref<128x128xf32, #tpu.memory_space<vmem>>) dst(%dma_wait3A_114 : memref<128x128xf32, #tpu.memory_space<hbm>>)
    %add3A_115 = arith.constant 640 : i32
    %add3A_116 = arith.addi %mul3A_2, %add3A_115 : i32
    %dma_start3A_117 = arith.constant 0 : i32
    %dma_start3A_118 = tpu.memref_slice %arg4[%add3A_116, %dma_start3A_117] : memref<24576x128xf32, #tpu.memory_space<hbm>> -> memref<128x128xf32, #tpu.memory_space<hbm>>
    %dma_start3A_119 = arith.constant 0 : i32
    %dma_start3A_120 = tpu.memref_slice %arg4[%add3A_116, %dma_start3A_119] : memref<24576x128xf32, #tpu.memory_space<hbm>> -> memref<128x128xf32, #tpu.memory_space<hbm>>
    tpu.enqueue_dma source(%arg7 : memref<128x128xf32, #tpu.memory_space<vmem>>) target(%dma_start3A_120 : memref<128x128xf32, #tpu.memory_space<hbm>>) target_semaphore(%arg11 : memref<!tpu.dma_semaphore, #tpu.memory_space<semaphore_mem>>)
    %add3A_121 = arith.constant 512 : i32
    %add3A_122 = arith.addi %mul3A_2, %add3A_121 : i32
    %dma_wait3A_123 = arith.constant 0 : i32
    %dma_wait3A_124 = tpu.memref_slice %arg4[%add3A_122, %dma_wait3A_123] : memref<24576x128xf32, #tpu.memory_space<hbm>> -> memref<128x128xf32, #tpu.memory_space<hbm>>
    %dma_wait3A_125 = arith.constant 0 : i32
    %dma_wait3A_126 = tpu.memref_slice %arg4[%add3A_122, %dma_wait3A_125] : memref<24576x128xf32, #tpu.memory_space<hbm>> -> memref<128x128xf32, #tpu.memory_space<hbm>>
    tpu.wait_dma2 semaphore(%arg10 : memref<!tpu.dma_semaphore, #tpu.memory_space<semaphore_mem>>) src(%arg6 : memref<128x128xf32, #tpu.memory_space<vmem>>) dst(%dma_wait3A_126 : memref<128x128xf32, #tpu.memory_space<hbm>>)
    %add3A_127 = arith.constant 640 : i32
    %add3A_128 = arith.addi %mul3A_2, %add3A_127 : i32
    %dma_wait3A_129 = arith.constant 0 : i32
    %dma_wait3A_130 = tpu.memref_slice %arg4[%add3A_128, %dma_wait3A_129] : memref<24576x128xf32, #tpu.memory_space<hbm>> -> memref<128x128xf32, #tpu.memory_space<hbm>>
    %dma_wait3A_131 = arith.constant 0 : i32
    %dma_wait3A_132 = tpu.memref_slice %arg4[%add3A_128, %dma_wait3A_131] : memref<24576x128xf32, #tpu.memory_space<hbm>> -> memref<128x128xf32, #tpu.memory_space<hbm>>
    tpu.wait_dma2 semaphore(%arg11 : memref<!tpu.dma_semaphore, #tpu.memory_space<semaphore_mem>>) src(%arg7 : memref<128x128xf32, #tpu.memory_space<vmem>>) dst(%dma_wait3A_132 : memref<128x128xf32, #tpu.memory_space<hbm>>)
    return
  }
}

#map = affine_map<(d0, d1) -> (0, 0)>
#map1 = affine_map<(d0, d1) -> (0)>
module attributes {stable_mosaic.version = 14 : i64} {
  func.func @body(%arg0: i32, %arg1: i32, %arg2: memref<10240x128xf32, #tpu.memory_space<hbm>>, %arg3: memref<327680xi32, #tpu.memory_space<hbm>>, %arg4: memref<327680xi32, #tpu.memory_space<hbm>>, %arg5: memref<20480x128xf32, #tpu.memory_space<hbm>>, %arg6: memref<128xi32, #tpu.memory_space<vmem>>, %arg7: memref<128xi32, #tpu.memory_space<vmem>>, %arg8: memref<128xi32, #tpu.memory_space<vmem>>, %arg9: memref<128xi32, #tpu.memory_space<vmem>>, %arg10: memref<128x128xf32, #tpu.memory_space<vmem>>, %arg11: memref<128x128xf32, #tpu.memory_space<vmem>>, %arg12: memref<10240x128xf32, #tpu.memory_space<vmem_shared>>, %arg13: memref<!tpu.dma_semaphore, #tpu.memory_space<semaphore_mem>>, %arg14: memref<!tpu.dma_semaphore, #tpu.memory_space<semaphore_mem>>, %arg15: memref<!tpu.dma_semaphore, #tpu.memory_space<semaphore_mem>>, %arg16: memref<!tpu.dma_semaphore, #tpu.memory_space<semaphore_mem>>) attributes {dimension_semantics = [#tpu.dimension_semantics<core_parallel>, #tpu.dimension_semantics<subcore_parallel>], iteration_bounds = array<i64: 2, 16>, scalar_prefetch = 0 : i64, scratch_operands = 11 : i64, tpu.core_type = #tpu.core_type<sc_vector_subcore>, window_params = [{transform_indices = #map}, {transform_indices = #map1}, {transform_indices = #map1}, {transform_indices = #map}]} {
    %mul3A = arith.constant 2 : i32
    %mul3A_0 = arith.muli %arg1, %mul3A : i32
    %add3A = arith.addi %mul3A_0, %arg0 : i32
    %broadcast_in_dim3A = arith.constant 0.000000e+00 : f32
    %broadcast_in_dim3A_1 = vector.broadcast %broadcast_in_dim3A : f32 to vector<16xf32>
    %scan3A = arith.constant 0 : i32
    %scan3A_2 = arith.constant 0 : i32
    %scan3A_3 = arith.constant 128 : i32
    %scan3A_4 = arith.addi %scan3A_2, %scan3A_3 : i32
    %scan3A_5 = arith.constant 1 : i32
    scf.for %scan3A_157 = %scan3A_2 to %scan3A_4 step %scan3A_5  : i32 {
      %swap3A = arith.index_cast %scan3A_157 : i32 to index
      %swap3A_158 = arith.constant 0 : index
      %swap3A_159 = tpu.vector_load %arg10[%swap3A, %swap3A_158] {strides = array<i32>} : memref<128x128xf32, #tpu.memory_space<vmem>>, vector<1x16xf32>,
      %swap3A_160 = vector.shape_cast %swap3A_159 : vector<1x16xf32> to vector<16xf32>
      %swap3A_161 = vector.shape_cast %broadcast_in_dim3A_1 : vector<16xf32> to vector<1x16xf32>
      tpu.vector_store %arg10[%swap3A, %swap3A_158], %swap3A_161 {strides = array<i32>} : memref<128x128xf32, #tpu.memory_space<vmem>>, vector<1x16xf32>,
      %swap3A_162 = arith.index_cast %scan3A_157 : i32 to index
      %swap3A_163 = arith.constant 16 : index
      %swap3A_164 = tpu.vector_load %arg10[%swap3A_162, %swap3A_163] {strides = array<i32>} : memref<128x128xf32, #tpu.memory_space<vmem>>, vector<1x16xf32>,
      %swap3A_165 = vector.shape_cast %swap3A_164 : vector<1x16xf32> to vector<16xf32>
      %swap3A_166 = vector.shape_cast %broadcast_in_dim3A_1 : vector<16xf32> to vector<1x16xf32>
      tpu.vector_store %arg10[%swap3A_162, %swap3A_163], %swap3A_166 {strides = array<i32>} : memref<128x128xf32, #tpu.memory_space<vmem>>, vector<1x16xf32>,
      %swap3A_167 = arith.index_cast %scan3A_157 : i32 to index
      %swap3A_168 = arith.constant 32 : index
      %swap3A_169 = tpu.vector_load %arg10[%swap3A_167, %swap3A_168] {strides = array<i32>} : memref<128x128xf32, #tpu.memory_space<vmem>>, vector<1x16xf32>,
      %swap3A_170 = vector.shape_cast %swap3A_169 : vector<1x16xf32> to vector<16xf32>
      %swap3A_171 = vector.shape_cast %broadcast_in_dim3A_1 : vector<16xf32> to vector<1x16xf32>
      tpu.vector_store %arg10[%swap3A_167, %swap3A_168], %swap3A_171 {strides = array<i32>} : memref<128x128xf32, #tpu.memory_space<vmem>>, vector<1x16xf32>,
      %swap3A_172 = arith.index_cast %scan3A_157 : i32 to index
      %swap3A_173 = arith.constant 48 : index
      %swap3A_174 = tpu.vector_load %arg10[%swap3A_172, %swap3A_173] {strides = array<i32>} : memref<128x128xf32, #tpu.memory_space<vmem>>, vector<1x16xf32>,
      %swap3A_175 = vector.shape_cast %swap3A_174 : vector<1x16xf32> to vector<16xf32>
      %swap3A_176 = vector.shape_cast %broadcast_in_dim3A_1 : vector<16xf32> to vector<1x16xf32>
      tpu.vector_store %arg10[%swap3A_172, %swap3A_173], %swap3A_176 {strides = array<i32>} : memref<128x128xf32, #tpu.memory_space<vmem>>, vector<1x16xf32>,
      %swap3A_177 = arith.index_cast %scan3A_157 : i32 to index
      %swap3A_178 = arith.constant 64 : index
      %swap3A_179 = tpu.vector_load %arg10[%swap3A_177, %swap3A_178] {strides = array<i32>} : memref<128x128xf32, #tpu.memory_space<vmem>>, vector<1x16xf32>,
      %swap3A_180 = vector.shape_cast %swap3A_179 : vector<1x16xf32> to vector<16xf32>
      %swap3A_181 = vector.shape_cast %broadcast_in_dim3A_1 : vector<16xf32> to vector<1x16xf32>
      tpu.vector_store %arg10[%swap3A_177, %swap3A_178], %swap3A_181 {strides = array<i32>} : memref<128x128xf32, #tpu.memory_space<vmem>>, vector<1x16xf32>,
      %swap3A_182 = arith.index_cast %scan3A_157 : i32 to index
      %swap3A_183 = arith.constant 80 : index
      %swap3A_184 = tpu.vector_load %arg10[%swap3A_182, %swap3A_183] {strides = array<i32>} : memref<128x128xf32, #tpu.memory_space<vmem>>, vector<1x16xf32>,
      %swap3A_185 = vector.shape_cast %swap3A_184 : vector<1x16xf32> to vector<16xf32>
      %swap3A_186 = vector.shape_cast %broadcast_in_dim3A_1 : vector<16xf32> to vector<1x16xf32>
      tpu.vector_store %arg10[%swap3A_182, %swap3A_183], %swap3A_186 {strides = array<i32>} : memref<128x128xf32, #tpu.memory_space<vmem>>, vector<1x16xf32>,
      %swap3A_187 = arith.index_cast %scan3A_157 : i32 to index
      %swap3A_188 = arith.constant 96 : index
      %swap3A_189 = tpu.vector_load %arg10[%swap3A_187, %swap3A_188] {strides = array<i32>} : memref<128x128xf32, #tpu.memory_space<vmem>>, vector<1x16xf32>,
      %swap3A_190 = vector.shape_cast %swap3A_189 : vector<1x16xf32> to vector<16xf32>
      %swap3A_191 = vector.shape_cast %broadcast_in_dim3A_1 : vector<16xf32> to vector<1x16xf32>
      tpu.vector_store %arg10[%swap3A_187, %swap3A_188], %swap3A_191 {strides = array<i32>} : memref<128x128xf32, #tpu.memory_space<vmem>>, vector<1x16xf32>,
      %swap3A_192 = arith.index_cast %scan3A_157 : i32 to index
      %swap3A_193 = arith.constant 112 : index
      %swap3A_194 = tpu.vector_load %arg10[%swap3A_192, %swap3A_193] {strides = array<i32>} : memref<128x128xf32, #tpu.memory_space<vmem>>, vector<1x16xf32>,
      %swap3A_195 = vector.shape_cast %swap3A_194 : vector<1x16xf32> to vector<16xf32>
      %swap3A_196 = vector.shape_cast %broadcast_in_dim3A_1 : vector<16xf32> to vector<1x16xf32>
      tpu.vector_store %arg10[%swap3A_192, %swap3A_193], %swap3A_196 {strides = array<i32>} : memref<128x128xf32, #tpu.memory_space<vmem>>, vector<1x16xf32>,
    }
    %scan3A_6 = arith.constant 128 : i32
    %mul3A_7 = arith.constant 640 : i32
    %mul3A_8 = arith.muli %arg1, %mul3A_7 : i32
    %add3A_9 = arith.constant 0 : i32
    %add3A_10 = arith.addi %mul3A_8, %add3A_9 : i32
    %dma_start3A = arith.constant 0 : i32
    %dma_start3A_11 = tpu.memref_slice %arg12[%add3A_10, %dma_start3A] : memref<10240x128xf32, #tpu.memory_space<vmem_shared>> -> memref<128x128xf32, #tpu.memory_space<vmem_shared>>
    %dma_start3A_12 = arith.constant 0 : i32
    %dma_start3A_13 = tpu.memref_slice %arg12[%add3A_10, %dma_start3A_12] : memref<10240x128xf32, #tpu.memory_space<vmem_shared>> -> memref<128x128xf32, #tpu.memory_space<vmem_shared>>
    tpu.enqueue_dma source(%arg10 : memref<128x128xf32, #tpu.memory_space<vmem>>) target(%dma_start3A_13 : memref<128x128xf32, #tpu.memory_space<vmem_shared>>) target_semaphore(%arg15 : memref<!tpu.dma_semaphore, #tpu.memory_space<semaphore_mem>>)
    %add3A_14 = arith.constant 128 : i32
    %add3A_15 = arith.addi %mul3A_8, %add3A_14 : i32
    %dma_start3A_16 = arith.constant 0 : i32
    %dma_start3A_17 = tpu.memref_slice %arg12[%add3A_15, %dma_start3A_16] : memref<10240x128xf32, #tpu.memory_space<vmem_shared>> -> memref<128x128xf32, #tpu.memory_space<vmem_shared>>
    %dma_start3A_18 = arith.constant 0 : i32
    %dma_start3A_19 = tpu.memref_slice %arg12[%add3A_15, %dma_start3A_18] : memref<10240x128xf32, #tpu.memory_space<vmem_shared>> -> memref<128x128xf32, #tpu.memory_space<vmem_shared>>
    tpu.enqueue_dma source(%arg10 : memref<128x128xf32, #tpu.memory_space<vmem>>) target(%dma_start3A_19 : memref<128x128xf32, #tpu.memory_space<vmem_shared>>) target_semaphore(%arg15 : memref<!tpu.dma_semaphore, #tpu.memory_space<semaphore_mem>>)
    %add3A_20 = arith.constant 256 : i32
    %add3A_21 = arith.addi %mul3A_8, %add3A_20 : i32
    %dma_start3A_22 = arith.constant 0 : i32
    %dma_start3A_23 = tpu.memref_slice %arg12[%add3A_21, %dma_start3A_22] : memref<10240x128xf32, #tpu.memory_space<vmem_shared>> -> memref<128x128xf32, #tpu.memory_space<vmem_shared>>
    %dma_start3A_24 = arith.constant 0 : i32
    %dma_start3A_25 = tpu.memref_slice %arg12[%add3A_21, %dma_start3A_24] : memref<10240x128xf32, #tpu.memory_space<vmem_shared>> -> memref<128x128xf32, #tpu.memory_space<vmem_shared>>
    tpu.enqueue_dma source(%arg10 : memref<128x128xf32, #tpu.memory_space<vmem>>) target(%dma_start3A_25 : memref<128x128xf32, #tpu.memory_space<vmem_shared>>) target_semaphore(%arg15 : memref<!tpu.dma_semaphore, #tpu.memory_space<semaphore_mem>>)
    %add3A_26 = arith.constant 384 : i32
    %add3A_27 = arith.addi %mul3A_8, %add3A_26 : i32
    %dma_start3A_28 = arith.constant 0 : i32
    %dma_start3A_29 = tpu.memref_slice %arg12[%add3A_27, %dma_start3A_28] : memref<10240x128xf32, #tpu.memory_space<vmem_shared>> -> memref<128x128xf32, #tpu.memory_space<vmem_shared>>
    %dma_start3A_30 = arith.constant 0 : i32
    %dma_start3A_31 = tpu.memref_slice %arg12[%add3A_27, %dma_start3A_30] : memref<10240x128xf32, #tpu.memory_space<vmem_shared>> -> memref<128x128xf32, #tpu.memory_space<vmem_shared>>
    tpu.enqueue_dma source(%arg10 : memref<128x128xf32, #tpu.memory_space<vmem>>) target(%dma_start3A_31 : memref<128x128xf32, #tpu.memory_space<vmem_shared>>) target_semaphore(%arg15 : memref<!tpu.dma_semaphore, #tpu.memory_space<semaphore_mem>>)
    %add3A_32 = arith.constant 512 : i32
    %add3A_33 = arith.addi %mul3A_8, %add3A_32 : i32
    %dma_start3A_34 = arith.constant 0 : i32
    %dma_start3A_35 = tpu.memref_slice %arg12[%add3A_33, %dma_start3A_34] : memref<10240x128xf32, #tpu.memory_space<vmem_shared>> -> memref<128x128xf32, #tpu.memory_space<vmem_shared>>
    %dma_start3A_36 = arith.constant 0 : i32
    %dma_start3A_37 = tpu.memref_slice %arg12[%add3A_33, %dma_start3A_36] : memref<10240x128xf32, #tpu.memory_space<vmem_shared>> -> memref<128x128xf32, #tpu.memory_space<vmem_shared>>
    tpu.enqueue_dma source(%arg10 : memref<128x128xf32, #tpu.memory_space<vmem>>) target(%dma_start3A_37 : memref<128x128xf32, #tpu.memory_space<vmem_shared>>) target_semaphore(%arg15 : memref<!tpu.dma_semaphore, #tpu.memory_space<semaphore_mem>>)
    %add3A_38 = arith.constant 0 : i32
    %add3A_39 = arith.addi %mul3A_8, %add3A_38 : i32
    %dma_wait3A = arith.constant 0 : i32
    %dma_wait3A_40 = tpu.memref_slice %arg12[%add3A_39, %dma_wait3A] : memref<10240x128xf32, #tpu.memory_space<vmem_shared>> -> memref<128x128xf32, #tpu.memory_space<vmem_shared>>
    %dma_wait3A_41 = arith.constant 0 : i32
    %dma_wait3A_42 = tpu.memref_slice %arg12[%add3A_39, %dma_wait3A_41] : memref<10240x128xf32, #tpu.memory_space<vmem_shared>> -> memref<128x128xf32, #tpu.memory_space<vmem_shared>>
    tpu.wait_dma2 semaphore(%arg15 : memref<!tpu.dma_semaphore, #tpu.memory_space<semaphore_mem>>) src(%arg10 : memref<128x128xf32, #tpu.memory_space<vmem>>) dst(%dma_wait3A_42 : memref<128x128xf32, #tpu.memory_space<vmem_shared>>)
    %add3A_43 = arith.constant 128 : i32
    %add3A_44 = arith.addi %mul3A_8, %add3A_43 : i32
    %dma_wait3A_45 = arith.constant 0 : i32
    %dma_wait3A_46 = tpu.memref_slice %arg12[%add3A_44, %dma_wait3A_45] : memref<10240x128xf32, #tpu.memory_space<vmem_shared>> -> memref<128x128xf32, #tpu.memory_space<vmem_shared>>
    %dma_wait3A_47 = arith.constant 0 : i32
    %dma_wait3A_48 = tpu.memref_slice %arg12[%add3A_44, %dma_wait3A_47] : memref<10240x128xf32, #tpu.memory_space<vmem_shared>> -> memref<128x128xf32, #tpu.memory_space<vmem_shared>>
    tpu.wait_dma2 semaphore(%arg15 : memref<!tpu.dma_semaphore, #tpu.memory_space<semaphore_mem>>) src(%arg10 : memref<128x128xf32, #tpu.memory_space<vmem>>) dst(%dma_wait3A_48 : memref<128x128xf32, #tpu.memory_space<vmem_shared>>)
    %add3A_49 = arith.constant 256 : i32
    %add3A_50 = arith.addi %mul3A_8, %add3A_49 : i32
    %dma_wait3A_51 = arith.constant 0 : i32
    %dma_wait3A_52 = tpu.memref_slice %arg12[%add3A_50, %dma_wait3A_51] : memref<10240x128xf32, #tpu.memory_space<vmem_shared>> -> memref<128x128xf32, #tpu.memory_space<vmem_shared>>
    %dma_wait3A_53 = arith.constant 0 : i32
    %dma_wait3A_54 = tpu.memref_slice %arg12[%add3A_50, %dma_wait3A_53] : memref<10240x128xf32, #tpu.memory_space<vmem_shared>> -> memref<128x128xf32, #tpu.memory_space<vmem_shared>>
    tpu.wait_dma2 semaphore(%arg15 : memref<!tpu.dma_semaphore, #tpu.memory_space<semaphore_mem>>) src(%arg10 : memref<128x128xf32, #tpu.memory_space<vmem>>) dst(%dma_wait3A_54 : memref<128x128xf32, #tpu.memory_space<vmem_shared>>)
    %add3A_55 = arith.constant 384 : i32
    %add3A_56 = arith.addi %mul3A_8, %add3A_55 : i32
    %dma_wait3A_57 = arith.constant 0 : i32
    %dma_wait3A_58 = tpu.memref_slice %arg12[%add3A_56, %dma_wait3A_57] : memref<10240x128xf32, #tpu.memory_space<vmem_shared>> -> memref<128x128xf32, #tpu.memory_space<vmem_shared>>
    %dma_wait3A_59 = arith.constant 0 : i32
    %dma_wait3A_60 = tpu.memref_slice %arg12[%add3A_56, %dma_wait3A_59] : memref<10240x128xf32, #tpu.memory_space<vmem_shared>> -> memref<128x128xf32, #tpu.memory_space<vmem_shared>>
    tpu.wait_dma2 semaphore(%arg15 : memref<!tpu.dma_semaphore, #tpu.memory_space<semaphore_mem>>) src(%arg10 : memref<128x128xf32, #tpu.memory_space<vmem>>) dst(%dma_wait3A_60 : memref<128x128xf32, #tpu.memory_space<vmem_shared>>)
    %add3A_61 = arith.constant 512 : i32
    %add3A_62 = arith.addi %mul3A_8, %add3A_61 : i32
    %dma_wait3A_63 = arith.constant 0 : i32
    %dma_wait3A_64 = tpu.memref_slice %arg12[%add3A_62, %dma_wait3A_63] : memref<10240x128xf32, #tpu.memory_space<vmem_shared>> -> memref<128x128xf32, #tpu.memory_space<vmem_shared>>
    %dma_wait3A_65 = arith.constant 0 : i32
    %dma_wait3A_66 = tpu.memref_slice %arg12[%add3A_62, %dma_wait3A_65] : memref<10240x128xf32, #tpu.memory_space<vmem_shared>> -> memref<128x128xf32, #tpu.memory_space<vmem_shared>>
    tpu.wait_dma2 semaphore(%arg15 : memref<!tpu.dma_semaphore, #tpu.memory_space<semaphore_mem>>) src(%arg10 : memref<128x128xf32, #tpu.memory_space<vmem>>) dst(%dma_wait3A_66 : memref<128x128xf32, #tpu.memory_space<vmem_shared>>)
    %barrier3A = arith.constant 0 : index
    tpu.barrier barrier_id(%barrier3A)
    %mul3A_67 = arith.constant 10240 : i32
    %mul3A_68 = arith.muli %add3A, %mul3A_67 : i32
    %add3A_69 = arith.constant 0 : i32
    %add3A_70 = arith.addi %mul3A_68, %add3A_69 : i32
    "tpu.region"() ({
      %run_scoped3A = tpu.sem_alloc : memref<!tpu.dma_semaphore, #tpu.memory_space<semaphore_mem>>
      %dma_start3A_157 = tpu.memref_slice %arg3[%add3A_70] : memref<327680xi32, #tpu.memory_space<hbm>> -> memref<128xi32, #tpu.memory_space<hbm>>
      %dma_start3A_158 = tpu.memref_slice %arg3[%add3A_70] : memref<327680xi32, #tpu.memory_space<hbm>> -> memref<128xi32, #tpu.memory_space<hbm>>
      tpu.enqueue_dma source(%dma_start3A_158 : memref<128xi32, #tpu.memory_space<hbm>>) target(%arg6 : memref<128xi32, #tpu.memory_space<vmem>>) target_semaphore(%run_scoped3A : memref<!tpu.dma_semaphore, #tpu.memory_space<semaphore_mem>>)
      %dma_wait3A_159 = tpu.memref_slice %arg3[%add3A_70] : memref<327680xi32, #tpu.memory_space<hbm>> -> memref<128xi32, #tpu.memory_space<hbm>>
      %dma_wait3A_160 = tpu.memref_slice %arg3[%add3A_70] : memref<327680xi32, #tpu.memory_space<hbm>> -> memref<128xi32, #tpu.memory_space<hbm>>
      tpu.wait_dma2 semaphore(%run_scoped3A : memref<!tpu.dma_semaphore, #tpu.memory_space<semaphore_mem>>) src(%dma_wait3A_160 : memref<128xi32, #tpu.memory_space<hbm>>) dst(%arg6 : memref<128xi32, #tpu.memory_space<vmem>>)
      tpu.yield
    }) : () -> ()
    %dma_start3A_71 = arith.constant 0 : i32
    %dma_start3A_72 = arith.constant 0 : i32
    %dma_start3A_73 = tpu.memref_slice %arg2[%dma_start3A_71, %dma_start3A_72] : memref<10240x128xf32, #tpu.memory_space<hbm>> -> memref<10240x128xf32, #tpu.memory_space<hbm>>
    tpu.enqueue_indirect_dma source(%dma_start3A_73 : memref<10240x128xf32, #tpu.memory_space<hbm>>) target(%arg10 : memref<128x128xf32, #tpu.memory_space<vmem>>) offsets(%arg6 : memref<128xi32, #tpu.memory_space<vmem>>) semaphore(%arg13 : memref<!tpu.dma_semaphore, #tpu.memory_space<semaphore_mem>>)
    %scan3A_74 = arith.constant 0 : i32
    %scan3A_75 = arith.constant 0 : i32
    %scan3A_76 = arith.constant 40 : i32
    %scan3A_77 = arith.addi %scan3A_75, %scan3A_76 : i32
    %scan3A_78 = arith.constant 1 : i32
    scf.for %scan3A_157 = %scan3A_75 to %scan3A_77 step %scan3A_78  : i32 {
      %mul3A_158 = arith.constant 2 : i32
      %mul3A_159 = arith.muli %mul3A_158, %scan3A_157 : i32
      %mul3A_160 = arith.constant 128 : i32
      %mul3A_161 = arith.muli %mul3A_159, %mul3A_160 : i32
      %add3A_162 = arith.addi %mul3A_68, %mul3A_161 : i32
      "tpu.region"() ({
        %run_scoped3A = tpu.sem_alloc : memref<!tpu.dma_semaphore, #tpu.memory_space<semaphore_mem>>
        %dma_start3A_199 = tpu.memref_slice %arg4[%add3A_162] : memref<327680xi32, #tpu.memory_space<hbm>> -> memref<128xi32, #tpu.memory_space<hbm>>
        %dma_start3A_200 = tpu.memref_slice %arg4[%add3A_162] : memref<327680xi32, #tpu.memory_space<hbm>> -> memref<128xi32, #tpu.memory_space<hbm>>
        tpu.enqueue_dma source(%dma_start3A_200 : memref<128xi32, #tpu.memory_space<hbm>>) target(%arg8 : memref<128xi32, #tpu.memory_space<vmem>>) target_semaphore(%run_scoped3A : memref<!tpu.dma_semaphore, #tpu.memory_space<semaphore_mem>>)
        %dma_wait3A_201 = tpu.memref_slice %arg4[%add3A_162] : memref<327680xi32, #tpu.memory_space<hbm>> -> memref<128xi32, #tpu.memory_space<hbm>>
        %dma_wait3A_202 = tpu.memref_slice %arg4[%add3A_162] : memref<327680xi32, #tpu.memory_space<hbm>> -> memref<128xi32, #tpu.memory_space<hbm>>
        tpu.wait_dma2 semaphore(%run_scoped3A : memref<!tpu.dma_semaphore, #tpu.memory_space<semaphore_mem>>) src(%dma_wait3A_202 : memref<128xi32, #tpu.memory_space<hbm>>) dst(%arg8 : memref<128xi32, #tpu.memory_space<vmem>>)
        tpu.yield
      }) : () -> ()
      %add3A_163 = arith.constant 1 : i32
      %add3A_164 = arith.addi %mul3A_159, %add3A_163 : i32
      %mul3A_165 = arith.constant 128 : i32
      %mul3A_166 = arith.muli %add3A_164, %mul3A_165 : i32
      %add3A_167 = arith.addi %mul3A_68, %mul3A_166 : i32
      "tpu.region"() ({
        %run_scoped3A = tpu.sem_alloc : memref<!tpu.dma_semaphore, #tpu.memory_space<semaphore_mem>>
        %dma_start3A_199 = tpu.memref_slice %arg3[%add3A_167] : memref<327680xi32, #tpu.memory_space<hbm>> -> memref<128xi32, #tpu.memory_space<hbm>>
        %dma_start3A_200 = tpu.memref_slice %arg3[%add3A_167] : memref<327680xi32, #tpu.memory_space<hbm>> -> memref<128xi32, #tpu.memory_space<hbm>>
        tpu.enqueue_dma source(%dma_start3A_200 : memref<128xi32, #tpu.memory_space<hbm>>) target(%arg7 : memref<128xi32, #tpu.memory_space<vmem>>) target_semaphore(%run_scoped3A : memref<!tpu.dma_semaphore, #tpu.memory_space<semaphore_mem>>)
        %dma_wait3A_201 = tpu.memref_slice %arg3[%add3A_167] : memref<327680xi32, #tpu.memory_space<hbm>> -> memref<128xi32, #tpu.memory_space<hbm>>
        %dma_wait3A_202 = tpu.memref_slice %arg3[%add3A_167] : memref<327680xi32, #tpu.memory_space<hbm>> -> memref<128xi32, #tpu.memory_space<hbm>>
        tpu.wait_dma2 semaphore(%run_scoped3A : memref<!tpu.dma_semaphore, #tpu.memory_space<semaphore_mem>>) src(%dma_wait3A_202 : memref<128xi32, #tpu.memory_space<hbm>>) dst(%arg7 : memref<128xi32, #tpu.memory_space<vmem>>)
        tpu.yield
      }) : () -> ()
      %gt3A = arith.constant 0 : i32
      %gt3A_168 = arith.cmpi sgt, %scan3A_157, %gt3A : i32
      %convert_element_type3A = arith.extui %gt3A_168 : i1 to i32
      %cond3A = arith.constant 0 : i32
      %cond3A_169 = arith.cmpi ne, %convert_element_type3A, %cond3A : i32
      scf.if %cond3A_169 {
        %dma_wait3A_199 = arith.constant 0 : i32
        %dma_wait3A_200 = arith.constant 0 : i32
        %dma_wait3A_201 = tpu.memref_slice %arg12[%dma_wait3A_199, %dma_wait3A_200] : memref<10240x128xf32, #tpu.memory_space<vmem_shared>> -> memref<10240x128xf32, #tpu.memory_space<vmem_shared>>
        tpu.wait_indirect_dma semaphore(%arg16 : memref<!tpu.dma_semaphore, #tpu.memory_space<semaphore_mem>>) src(%arg11 : memref<128x128xf32, #tpu.memory_space<vmem>>) dst(%dma_wait3A_201 : memref<10240x128xf32, #tpu.memory_space<vmem_shared>>)
      } else {
      }
      %dma_start3A_170 = arith.constant 0 : i32
      %dma_start3A_171 = arith.constant 0 : i32
      %dma_start3A_172 = tpu.memref_slice %arg2[%dma_start3A_170, %dma_start3A_171] : memref<10240x128xf32, #tpu.memory_space<hbm>> -> memref<10240x128xf32, #tpu.memory_space<hbm>>
      tpu.enqueue_indirect_dma source(%dma_start3A_172 : memref<10240x128xf32, #tpu.memory_space<hbm>>) target(%arg11 : memref<128x128xf32, #tpu.memory_space<vmem>>) offsets(%arg7 : memref<128xi32, #tpu.memory_space<vmem>>) semaphore(%arg14 : memref<!tpu.dma_semaphore, #tpu.memory_space<semaphore_mem>>)
      %add3A_173 = arith.constant 1 : i32
      %add3A_174 = arith.addi %mul3A_159, %add3A_173 : i32
      %mul3A_175 = arith.constant 128 : i32
      %mul3A_176 = arith.muli %add3A_174, %mul3A_175 : i32
      %add3A_177 = arith.addi %mul3A_68, %mul3A_176 : i32
      "tpu.region"() ({
        %run_scoped3A = tpu.sem_alloc : memref<!tpu.dma_semaphore, #tpu.memory_space<semaphore_mem>>
        %dma_start3A_199 = tpu.memref_slice %arg4[%add3A_177] : memref<327680xi32, #tpu.memory_space<hbm>> -> memref<128xi32, #tpu.memory_space<hbm>>
        %dma_start3A_200 = tpu.memref_slice %arg4[%add3A_177] : memref<327680xi32, #tpu.memory_space<hbm>> -> memref<128xi32, #tpu.memory_space<hbm>>
        tpu.enqueue_dma source(%dma_start3A_200 : memref<128xi32, #tpu.memory_space<hbm>>) target(%arg9 : memref<128xi32, #tpu.memory_space<vmem>>) target_semaphore(%run_scoped3A : memref<!tpu.dma_semaphore, #tpu.memory_space<semaphore_mem>>)
        %dma_wait3A_201 = tpu.memref_slice %arg4[%add3A_177] : memref<327680xi32, #tpu.memory_space<hbm>> -> memref<128xi32, #tpu.memory_space<hbm>>
        %dma_wait3A_202 = tpu.memref_slice %arg4[%add3A_177] : memref<327680xi32, #tpu.memory_space<hbm>> -> memref<128xi32, #tpu.memory_space<hbm>>
        tpu.wait_dma2 semaphore(%run_scoped3A : memref<!tpu.dma_semaphore, #tpu.memory_space<semaphore_mem>>) src(%dma_wait3A_202 : memref<128xi32, #tpu.memory_space<hbm>>) dst(%arg9 : memref<128xi32, #tpu.memory_space<vmem>>)
        tpu.yield
      }) : () -> ()
      %dma_wait3A_178 = arith.constant 0 : i32
      %dma_wait3A_179 = arith.constant 0 : i32
      %dma_wait3A_180 = tpu.memref_slice %arg2[%dma_wait3A_178, %dma_wait3A_179] : memref<10240x128xf32, #tpu.memory_space<hbm>> -> memref<10240x128xf32, #tpu.memory_space<hbm>>
      tpu.wait_indirect_dma semaphore(%arg13 : memref<!tpu.dma_semaphore, #tpu.memory_space<semaphore_mem>>) src(%dma_wait3A_180 : memref<10240x128xf32, #tpu.memory_space<hbm>>) dst(%arg10 : memref<128x128xf32, #tpu.memory_space<vmem>>)
      %dma_start3A_181 = arith.constant 0 : i32
      %dma_start3A_182 = arith.constant 0 : i32
      %dma_start3A_183 = tpu.memref_slice %arg12[%dma_start3A_181, %dma_start3A_182] : memref<10240x128xf32, #tpu.memory_space<vmem_shared>> -> memref<10240x128xf32, #tpu.memory_space<vmem_shared>>
      tpu.enqueue_indirect_dma source(%arg10 : memref<128x128xf32, #tpu.memory_space<vmem>>) target(%dma_start3A_183 : memref<10240x128xf32, #tpu.memory_space<vmem_shared>>) offsets(%arg8 : memref<128xi32, #tpu.memory_space<vmem>>) semaphore(%arg15 : memref<!tpu.dma_semaphore, #tpu.memory_space<semaphore_mem>>) {add = true}
      %dma_wait3A_184 = arith.constant 0 : i32
      %dma_wait3A_185 = arith.constant 0 : i32
      %dma_wait3A_186 = tpu.memref_slice %arg2[%dma_wait3A_184, %dma_wait3A_185] : memref<10240x128xf32, #tpu.memory_space<hbm>> -> memref<10240x128xf32, #tpu.memory_space<hbm>>
      tpu.wait_indirect_dma semaphore(%arg14 : memref<!tpu.dma_semaphore, #tpu.memory_space<semaphore_mem>>) src(%dma_wait3A_186 : memref<10240x128xf32, #tpu.memory_space<hbm>>) dst(%arg11 : memref<128x128xf32, #tpu.memory_space<vmem>>)
      %dma_start3A_187 = arith.constant 0 : i32
      %dma_start3A_188 = arith.constant 0 : i32
      %dma_start3A_189 = tpu.memref_slice %arg12[%dma_start3A_187, %dma_start3A_188] : memref<10240x128xf32, #tpu.memory_space<vmem_shared>> -> memref<10240x128xf32, #tpu.memory_space<vmem_shared>>
      tpu.enqueue_indirect_dma source(%arg11 : memref<128x128xf32, #tpu.memory_space<vmem>>) target(%dma_start3A_189 : memref<10240x128xf32, #tpu.memory_space<vmem_shared>>) offsets(%arg9 : memref<128xi32, #tpu.memory_space<vmem>>) semaphore(%arg16 : memref<!tpu.dma_semaphore, #tpu.memory_space<semaphore_mem>>) {add = true}
      %dma_wait3A_190 = arith.constant 0 : i32
      %dma_wait3A_191 = arith.constant 0 : i32
      %dma_wait3A_192 = tpu.memref_slice %arg12[%dma_wait3A_190, %dma_wait3A_191] : memref<10240x128xf32, #tpu.memory_space<vmem_shared>> -> memref<10240x128xf32, #tpu.memory_space<vmem_shared>>
      tpu.wait_indirect_dma semaphore(%arg15 : memref<!tpu.dma_semaphore, #tpu.memory_space<semaphore_mem>>) src(%arg10 : memref<128x128xf32, #tpu.memory_space<vmem>>) dst(%dma_wait3A_192 : memref<10240x128xf32, #tpu.memory_space<vmem_shared>>)
      %add3A_193 = arith.constant 1 : i32
      %add3A_194 = arith.addi %scan3A_157, %add3A_193 : i32
      %lt3A = arith.constant 40 : i32
      %lt3A_195 = arith.cmpi slt, %add3A_194, %lt3A : i32
      %convert_element_type3A_196 = arith.extui %lt3A_195 : i1 to i32
      %cond3A_197 = arith.constant 0 : i32
      %cond3A_198 = arith.cmpi ne, %convert_element_type3A_196, %cond3A_197 : i32
      scf.if %cond3A_198 {
        %add3A_199 = arith.constant 2 : i32
        %add3A_200 = arith.addi %mul3A_159, %add3A_199 : i32
        %mul3A_201 = arith.constant 128 : i32
        %mul3A_202 = arith.muli %add3A_200, %mul3A_201 : i32
        %add3A_203 = arith.addi %mul3A_68, %mul3A_202 : i32
        "tpu.region"() ({
          %run_scoped3A = tpu.sem_alloc : memref<!tpu.dma_semaphore, #tpu.memory_space<semaphore_mem>>
          %dma_start3A_207 = tpu.memref_slice %arg3[%add3A_203] : memref<327680xi32, #tpu.memory_space<hbm>> -> memref<128xi32, #tpu.memory_space<hbm>>
          %dma_start3A_208 = tpu.memref_slice %arg3[%add3A_203] : memref<327680xi32, #tpu.memory_space<hbm>> -> memref<128xi32, #tpu.memory_space<hbm>>
          tpu.enqueue_dma source(%dma_start3A_208 : memref<128xi32, #tpu.memory_space<hbm>>) target(%arg6 : memref<128xi32, #tpu.memory_space<vmem>>) target_semaphore(%run_scoped3A : memref<!tpu.dma_semaphore, #tpu.memory_space<semaphore_mem>>)
          %dma_wait3A_209 = tpu.memref_slice %arg3[%add3A_203] : memref<327680xi32, #tpu.memory_space<hbm>> -> memref<128xi32, #tpu.memory_space<hbm>>
          %dma_wait3A_210 = tpu.memref_slice %arg3[%add3A_203] : memref<327680xi32, #tpu.memory_space<hbm>> -> memref<128xi32, #tpu.memory_space<hbm>>
          tpu.wait_dma2 semaphore(%run_scoped3A : memref<!tpu.dma_semaphore, #tpu.memory_space<semaphore_mem>>) src(%dma_wait3A_210 : memref<128xi32, #tpu.memory_space<hbm>>) dst(%arg6 : memref<128xi32, #tpu.memory_space<vmem>>)
          tpu.yield
        }) : () -> ()
        %dma_start3A_204 = arith.constant 0 : i32
        %dma_start3A_205 = arith.constant 0 : i32
        %dma_start3A_206 = tpu.memref_slice %arg2[%dma_start3A_204, %dma_start3A_205] : memref<10240x128xf32, #tpu.memory_space<hbm>> -> memref<10240x128xf32, #tpu.memory_space<hbm>>
        tpu.enqueue_indirect_dma source(%dma_start3A_206 : memref<10240x128xf32, #tpu.memory_space<hbm>>) target(%arg10 : memref<128x128xf32, #tpu.memory_space<vmem>>) offsets(%arg6 : memref<128xi32, #tpu.memory_space<vmem>>) semaphore(%arg13 : memref<!tpu.dma_semaphore, #tpu.memory_space<semaphore_mem>>)
      } else {
      }
    }
    %scan3A_79 = arith.constant 40 : i32
    %dma_wait3A_80 = arith.constant 0 : i32
    %dma_wait3A_81 = arith.constant 0 : i32
    %dma_wait3A_82 = tpu.memref_slice %arg12[%dma_wait3A_80, %dma_wait3A_81] : memref<10240x128xf32, #tpu.memory_space<vmem_shared>> -> memref<10240x128xf32, #tpu.memory_space<vmem_shared>>
    tpu.wait_indirect_dma semaphore(%arg16 : memref<!tpu.dma_semaphore, #tpu.memory_space<semaphore_mem>>) src(%arg11 : memref<128x128xf32, #tpu.memory_space<vmem>>) dst(%dma_wait3A_82 : memref<10240x128xf32, #tpu.memory_space<vmem_shared>>)
    %barrier3A_83 = arith.constant 0 : index
    tpu.barrier barrier_id(%barrier3A_83)
    %mul3A_84 = arith.constant 10240 : i32
    %mul3A_85 = arith.muli %arg0, %mul3A_84 : i32
    %add3A_86 = arith.addi %mul3A_85, %mul3A_8 : i32
    %add3A_87 = arith.constant 0 : i32
    %add3A_88 = arith.addi %mul3A_8, %add3A_87 : i32
    "tpu.region"() ({
      %run_scoped3A = tpu.sem_alloc : memref<!tpu.dma_semaphore, #tpu.memory_space<semaphore_mem>>
      %dma_start3A_157 = arith.constant 0 : i32
      %dma_start3A_158 = tpu.memref_slice %arg12[%add3A_88, %dma_start3A_157] : memref<10240x128xf32, #tpu.memory_space<vmem_shared>> -> memref<128x128xf32, #tpu.memory_space<vmem_shared>>
      %dma_start3A_159 = arith.constant 0 : i32
      %dma_start3A_160 = tpu.memref_slice %arg12[%add3A_88, %dma_start3A_159] : memref<10240x128xf32, #tpu.memory_space<vmem_shared>> -> memref<128x128xf32, #tpu.memory_space<vmem_shared>>
      tpu.enqueue_dma source(%dma_start3A_160 : memref<128x128xf32, #tpu.memory_space<vmem_shared>>) target(%arg10 : memref<128x128xf32, #tpu.memory_space<vmem>>) target_semaphore(%run_scoped3A : memref<!tpu.dma_semaphore, #tpu.memory_space<semaphore_mem>>)
      %dma_wait3A_161 = arith.constant 0 : i32
      %dma_wait3A_162 = tpu.memref_slice %arg12[%add3A_88, %dma_wait3A_161] : memref<10240x128xf32, #tpu.memory_space<vmem_shared>> -> memref<128x128xf32, #tpu.memory_space<vmem_shared>>
      %dma_wait3A_163 = arith.constant 0 : i32
      %dma_wait3A_164 = tpu.memref_slice %arg12[%add3A_88, %dma_wait3A_163] : memref<10240x128xf32, #tpu.memory_space<vmem_shared>> -> memref<128x128xf32, #tpu.memory_space<vmem_shared>>
      tpu.wait_dma2 semaphore(%run_scoped3A : memref<!tpu.dma_semaphore, #tpu.memory_space<semaphore_mem>>) src(%dma_wait3A_164 : memref<128x128xf32, #tpu.memory_space<vmem_shared>>) dst(%arg10 : memref<128x128xf32, #tpu.memory_space<vmem>>)
      tpu.yield
    }) : () -> ()
    %add3A_89 = arith.constant 0 : i32
    %add3A_90 = arith.addi %add3A_86, %add3A_89 : i32
    %dma_start3A_91 = arith.constant 0 : i32
    %dma_start3A_92 = tpu.memref_slice %arg5[%add3A_90, %dma_start3A_91] : memref<20480x128xf32, #tpu.memory_space<hbm>> -> memref<128x128xf32, #tpu.memory_space<hbm>>
    %dma_start3A_93 = arith.constant 0 : i32
    %dma_start3A_94 = tpu.memref_slice %arg5[%add3A_90, %dma_start3A_93] : memref<20480x128xf32, #tpu.memory_space<hbm>> -> memref<128x128xf32, #tpu.memory_space<hbm>>
    tpu.enqueue_dma source(%arg10 : memref<128x128xf32, #tpu.memory_space<vmem>>) target(%dma_start3A_94 : memref<128x128xf32, #tpu.memory_space<hbm>>) target_semaphore(%arg13 : memref<!tpu.dma_semaphore, #tpu.memory_space<semaphore_mem>>)
    %add3A_95 = arith.constant 128 : i32
    %add3A_96 = arith.addi %mul3A_8, %add3A_95 : i32
    "tpu.region"() ({
      %run_scoped3A = tpu.sem_alloc : memref<!tpu.dma_semaphore, #tpu.memory_space<semaphore_mem>>
      %dma_start3A_157 = arith.constant 0 : i32
      %dma_start3A_158 = tpu.memref_slice %arg12[%add3A_96, %dma_start3A_157] : memref<10240x128xf32, #tpu.memory_space<vmem_shared>> -> memref<128x128xf32, #tpu.memory_space<vmem_shared>>
      %dma_start3A_159 = arith.constant 0 : i32
      %dma_start3A_160 = tpu.memref_slice %arg12[%add3A_96, %dma_start3A_159] : memref<10240x128xf32, #tpu.memory_space<vmem_shared>> -> memref<128x128xf32, #tpu.memory_space<vmem_shared>>
      tpu.enqueue_dma source(%dma_start3A_160 : memref<128x128xf32, #tpu.memory_space<vmem_shared>>) target(%arg11 : memref<128x128xf32, #tpu.memory_space<vmem>>) target_semaphore(%run_scoped3A : memref<!tpu.dma_semaphore, #tpu.memory_space<semaphore_mem>>)
      %dma_wait3A_161 = arith.constant 0 : i32
      %dma_wait3A_162 = tpu.memref_slice %arg12[%add3A_96, %dma_wait3A_161] : memref<10240x128xf32, #tpu.memory_space<vmem_shared>> -> memref<128x128xf32, #tpu.memory_space<vmem_shared>>
      %dma_wait3A_163 = arith.constant 0 : i32
      %dma_wait3A_164 = tpu.memref_slice %arg12[%add3A_96, %dma_wait3A_163] : memref<10240x128xf32, #tpu.memory_space<vmem_shared>> -> memref<128x128xf32, #tpu.memory_space<vmem_shared>>
      tpu.wait_dma2 semaphore(%run_scoped3A : memref<!tpu.dma_semaphore, #tpu.memory_space<semaphore_mem>>) src(%dma_wait3A_164 : memref<128x128xf32, #tpu.memory_space<vmem_shared>>) dst(%arg11 : memref<128x128xf32, #tpu.memory_space<vmem>>)
      tpu.yield
    }) : () -> ()
    %add3A_97 = arith.constant 128 : i32
    %add3A_98 = arith.addi %add3A_86, %add3A_97 : i32
    %dma_start3A_99 = arith.constant 0 : i32
    %dma_start3A_100 = tpu.memref_slice %arg5[%add3A_98, %dma_start3A_99] : memref<20480x128xf32, #tpu.memory_space<hbm>> -> memref<128x128xf32, #tpu.memory_space<hbm>>
    %dma_start3A_101 = arith.constant 0 : i32
    %dma_start3A_102 = tpu.memref_slice %arg5[%add3A_98, %dma_start3A_101] : memref<20480x128xf32, #tpu.memory_space<hbm>> -> memref<128x128xf32, #tpu.memory_space<hbm>>
    tpu.enqueue_dma source(%arg11 : memref<128x128xf32, #tpu.memory_space<vmem>>) target(%dma_start3A_102 : memref<128x128xf32, #tpu.memory_space<hbm>>) target_semaphore(%arg14 : memref<!tpu.dma_semaphore, #tpu.memory_space<semaphore_mem>>)
    %add3A_103 = arith.constant 0 : i32
    %add3A_104 = arith.addi %add3A_86, %add3A_103 : i32
    %dma_wait3A_105 = arith.constant 0 : i32
    %dma_wait3A_106 = tpu.memref_slice %arg5[%add3A_104, %dma_wait3A_105] : memref<20480x128xf32, #tpu.memory_space<hbm>> -> memref<128x128xf32, #tpu.memory_space<hbm>>
    %dma_wait3A_107 = arith.constant 0 : i32
    %dma_wait3A_108 = tpu.memref_slice %arg5[%add3A_104, %dma_wait3A_107] : memref<20480x128xf32, #tpu.memory_space<hbm>> -> memref<128x128xf32, #tpu.memory_space<hbm>>
    tpu.wait_dma2 semaphore(%arg13 : memref<!tpu.dma_semaphore, #tpu.memory_space<semaphore_mem>>) src(%arg10 : memref<128x128xf32, #tpu.memory_space<vmem>>) dst(%dma_wait3A_108 : memref<128x128xf32, #tpu.memory_space<hbm>>)
    %add3A_109 = arith.constant 256 : i32
    %add3A_110 = arith.addi %mul3A_8, %add3A_109 : i32
    "tpu.region"() ({
      %run_scoped3A = tpu.sem_alloc : memref<!tpu.dma_semaphore, #tpu.memory_space<semaphore_mem>>
      %dma_start3A_157 = arith.constant 0 : i32
      %dma_start3A_158 = tpu.memref_slice %arg12[%add3A_110, %dma_start3A_157] : memref<10240x128xf32, #tpu.memory_space<vmem_shared>> -> memref<128x128xf32, #tpu.memory_space<vmem_shared>>
      %dma_start3A_159 = arith.constant 0 : i32
      %dma_start3A_160 = tpu.memref_slice %arg12[%add3A_110, %dma_start3A_159] : memref<10240x128xf32, #tpu.memory_space<vmem_shared>> -> memref<128x128xf32, #tpu.memory_space<vmem_shared>>
      tpu.enqueue_dma source(%dma_start3A_160 : memref<128x128xf32, #tpu.memory_space<vmem_shared>>) target(%arg10 : memref<128x128xf32, #tpu.memory_space<vmem>>) target_semaphore(%run_scoped3A : memref<!tpu.dma_semaphore, #tpu.memory_space<semaphore_mem>>)
      %dma_wait3A_161 = arith.constant 0 : i32
      %dma_wait3A_162 = tpu.memref_slice %arg12[%add3A_110, %dma_wait3A_161] : memref<10240x128xf32, #tpu.memory_space<vmem_shared>> -> memref<128x128xf32, #tpu.memory_space<vmem_shared>>
      %dma_wait3A_163 = arith.constant 0 : i32
      %dma_wait3A_164 = tpu.memref_slice %arg12[%add3A_110, %dma_wait3A_163] : memref<10240x128xf32, #tpu.memory_space<vmem_shared>> -> memref<128x128xf32, #tpu.memory_space<vmem_shared>>
      tpu.wait_dma2 semaphore(%run_scoped3A : memref<!tpu.dma_semaphore, #tpu.memory_space<semaphore_mem>>) src(%dma_wait3A_164 : memref<128x128xf32, #tpu.memory_space<vmem_shared>>) dst(%arg10 : memref<128x128xf32, #tpu.memory_space<vmem>>)
      tpu.yield
    }) : () -> ()
    %add3A_111 = arith.constant 256 : i32
    %add3A_112 = arith.addi %add3A_86, %add3A_111 : i32
    %dma_start3A_113 = arith.constant 0 : i32
    %dma_start3A_114 = tpu.memref_slice %arg5[%add3A_112, %dma_start3A_113] : memref<20480x128xf32, #tpu.memory_space<hbm>> -> memref<128x128xf32, #tpu.memory_space<hbm>>
    %dma_start3A_115 = arith.constant 0 : i32
    %dma_start3A_116 = tpu.memref_slice %arg5[%add3A_112, %dma_start3A_115] : memref<20480x128xf32, #tpu.memory_space<hbm>> -> memref<128x128xf32, #tpu.memory_space<hbm>>
    tpu.enqueue_dma source(%arg10 : memref<128x128xf32, #tpu.memory_space<vmem>>) target(%dma_start3A_116 : memref<128x128xf32, #tpu.memory_space<hbm>>) target_semaphore(%arg13 : memref<!tpu.dma_semaphore, #tpu.memory_space<semaphore_mem>>)
    %add3A_117 = arith.constant 128 : i32
    %add3A_118 = arith.addi %add3A_86, %add3A_117 : i32
    %dma_wait3A_119 = arith.constant 0 : i32
    %dma_wait3A_120 = tpu.memref_slice %arg5[%add3A_118, %dma_wait3A_119] : memref<20480x128xf32, #tpu.memory_space<hbm>> -> memref<128x128xf32, #tpu.memory_space<hbm>>
    %dma_wait3A_121 = arith.constant 0 : i32
    %dma_wait3A_122 = tpu.memref_slice %arg5[%add3A_118, %dma_wait3A_121] : memref<20480x128xf32, #tpu.memory_space<hbm>> -> memref<128x128xf32, #tpu.memory_space<hbm>>
    tpu.wait_dma2 semaphore(%arg14 : memref<!tpu.dma_semaphore, #tpu.memory_space<semaphore_mem>>) src(%arg11 : memref<128x128xf32, #tpu.memory_space<vmem>>) dst(%dma_wait3A_122 : memref<128x128xf32, #tpu.memory_space<hbm>>)
    %add3A_123 = arith.constant 384 : i32
    %add3A_124 = arith.addi %mul3A_8, %add3A_123 : i32
    "tpu.region"() ({
      %run_scoped3A = tpu.sem_alloc : memref<!tpu.dma_semaphore, #tpu.memory_space<semaphore_mem>>
      %dma_start3A_157 = arith.constant 0 : i32
      %dma_start3A_158 = tpu.memref_slice %arg12[%add3A_124, %dma_start3A_157] : memref<10240x128xf32, #tpu.memory_space<vmem_shared>> -> memref<128x128xf32, #tpu.memory_space<vmem_shared>>
      %dma_start3A_159 = arith.constant 0 : i32
      %dma_start3A_160 = tpu.memref_slice %arg12[%add3A_124, %dma_start3A_159] : memref<10240x128xf32, #tpu.memory_space<vmem_shared>> -> memref<128x128xf32, #tpu.memory_space<vmem_shared>>
      tpu.enqueue_dma source(%dma_start3A_160 : memref<128x128xf32, #tpu.memory_space<vmem_shared>>) target(%arg11 : memref<128x128xf32, #tpu.memory_space<vmem>>) target_semaphore(%run_scoped3A : memref<!tpu.dma_semaphore, #tpu.memory_space<semaphore_mem>>)
      %dma_wait3A_161 = arith.constant 0 : i32
      %dma_wait3A_162 = tpu.memref_slice %arg12[%add3A_124, %dma_wait3A_161] : memref<10240x128xf32, #tpu.memory_space<vmem_shared>> -> memref<128x128xf32, #tpu.memory_space<vmem_shared>>
      %dma_wait3A_163 = arith.constant 0 : i32
      %dma_wait3A_164 = tpu.memref_slice %arg12[%add3A_124, %dma_wait3A_163] : memref<10240x128xf32, #tpu.memory_space<vmem_shared>> -> memref<128x128xf32, #tpu.memory_space<vmem_shared>>
      tpu.wait_dma2 semaphore(%run_scoped3A : memref<!tpu.dma_semaphore, #tpu.memory_space<semaphore_mem>>) src(%dma_wait3A_164 : memref<128x128xf32, #tpu.memory_space<vmem_shared>>) dst(%arg11 : memref<128x128xf32, #tpu.memory_space<vmem>>)
      tpu.yield
    }) : () -> ()
    %add3A_125 = arith.constant 384 : i32
    %add3A_126 = arith.addi %add3A_86, %add3A_125 : i32
    %dma_start3A_127 = arith.constant 0 : i32
    %dma_start3A_128 = tpu.memref_slice %arg5[%add3A_126, %dma_start3A_127] : memref<20480x128xf32, #tpu.memory_space<hbm>> -> memref<128x128xf32, #tpu.memory_space<hbm>>
    %dma_start3A_129 = arith.constant 0 : i32
    %dma_start3A_130 = tpu.memref_slice %arg5[%add3A_126, %dma_start3A_129] : memref<20480x128xf32, #tpu.memory_space<hbm>> -> memref<128x128xf32, #tpu.memory_space<hbm>>
    tpu.enqueue_dma source(%arg11 : memref<128x128xf32, #tpu.memory_space<vmem>>) target(%dma_start3A_130 : memref<128x128xf32, #tpu.memory_space<hbm>>) target_semaphore(%arg14 : memref<!tpu.dma_semaphore, #tpu.memory_space<semaphore_mem>>)
    %add3A_131 = arith.constant 256 : i32
    %add3A_132 = arith.addi %add3A_86, %add3A_131 : i32
    %dma_wait3A_133 = arith.constant 0 : i32
    %dma_wait3A_134 = tpu.memref_slice %arg5[%add3A_132, %dma_wait3A_133] : memref<20480x128xf32, #tpu.memory_space<hbm>> -> memref<128x128xf32, #tpu.memory_space<hbm>>
    %dma_wait3A_135 = arith.constant 0 : i32
    %dma_wait3A_136 = tpu.memref_slice %arg5[%add3A_132, %dma_wait3A_135] : memref<20480x128xf32, #tpu.memory_space<hbm>> -> memref<128x128xf32, #tpu.memory_space<hbm>>
    tpu.wait_dma2 semaphore(%arg13 : memref<!tpu.dma_semaphore, #tpu.memory_space<semaphore_mem>>) src(%arg10 : memref<128x128xf32, #tpu.memory_space<vmem>>) dst(%dma_wait3A_136 : memref<128x128xf32, #tpu.memory_space<hbm>>)
    %add3A_137 = arith.constant 512 : i32
    %add3A_138 = arith.addi %mul3A_8, %add3A_137 : i32
    "tpu.region"() ({
      %run_scoped3A = tpu.sem_alloc : memref<!tpu.dma_semaphore, #tpu.memory_space<semaphore_mem>>
      %dma_start3A_157 = arith.constant 0 : i32
      %dma_start3A_158 = tpu.memref_slice %arg12[%add3A_138, %dma_start3A_157] : memref<10240x128xf32, #tpu.memory_space<vmem_shared>> -> memref<128x128xf32, #tpu.memory_space<vmem_shared>>
      %dma_start3A_159 = arith.constant 0 : i32
      %dma_start3A_160 = tpu.memref_slice %arg12[%add3A_138, %dma_start3A_159] : memref<10240x128xf32, #tpu.memory_space<vmem_shared>> -> memref<128x128xf32, #tpu.memory_space<vmem_shared>>
      tpu.enqueue_dma source(%dma_start3A_160 : memref<128x128xf32, #tpu.memory_space<vmem_shared>>) target(%arg10 : memref<128x128xf32, #tpu.memory_space<vmem>>) target_semaphore(%run_scoped3A : memref<!tpu.dma_semaphore, #tpu.memory_space<semaphore_mem>>)
      %dma_wait3A_161 = arith.constant 0 : i32
      %dma_wait3A_162 = tpu.memref_slice %arg12[%add3A_138, %dma_wait3A_161] : memref<10240x128xf32, #tpu.memory_space<vmem_shared>> -> memref<128x128xf32, #tpu.memory_space<vmem_shared>>
      %dma_wait3A_163 = arith.constant 0 : i32
      %dma_wait3A_164 = tpu.memref_slice %arg12[%add3A_138, %dma_wait3A_163] : memref<10240x128xf32, #tpu.memory_space<vmem_shared>> -> memref<128x128xf32, #tpu.memory_space<vmem_shared>>
      tpu.wait_dma2 semaphore(%run_scoped3A : memref<!tpu.dma_semaphore, #tpu.memory_space<semaphore_mem>>) src(%dma_wait3A_164 : memref<128x128xf32, #tpu.memory_space<vmem_shared>>) dst(%arg10 : memref<128x128xf32, #tpu.memory_space<vmem>>)
      tpu.yield
    }) : () -> ()
    %add3A_139 = arith.constant 512 : i32
    %add3A_140 = arith.addi %add3A_86, %add3A_139 : i32
    %dma_start3A_141 = arith.constant 0 : i32
    %dma_start3A_142 = tpu.memref_slice %arg5[%add3A_140, %dma_start3A_141] : memref<20480x128xf32, #tpu.memory_space<hbm>> -> memref<128x128xf32, #tpu.memory_space<hbm>>
    %dma_start3A_143 = arith.constant 0 : i32
    %dma_start3A_144 = tpu.memref_slice %arg5[%add3A_140, %dma_start3A_143] : memref<20480x128xf32, #tpu.memory_space<hbm>> -> memref<128x128xf32, #tpu.memory_space<hbm>>
    tpu.enqueue_dma source(%arg10 : memref<128x128xf32, #tpu.memory_space<vmem>>) target(%dma_start3A_144 : memref<128x128xf32, #tpu.memory_space<hbm>>) target_semaphore(%arg13 : memref<!tpu.dma_semaphore, #tpu.memory_space<semaphore_mem>>)
    %add3A_145 = arith.constant 384 : i32
    %add3A_146 = arith.addi %add3A_86, %add3A_145 : i32
    %dma_wait3A_147 = arith.constant 0 : i32
    %dma_wait3A_148 = tpu.memref_slice %arg5[%add3A_146, %dma_wait3A_147] : memref<20480x128xf32, #tpu.memory_space<hbm>> -> memref<128x128xf32, #tpu.memory_space<hbm>>
    %dma_wait3A_149 = arith.constant 0 : i32
    %dma_wait3A_150 = tpu.memref_slice %arg5[%add3A_146, %dma_wait3A_149] : memref<20480x128xf32, #tpu.memory_space<hbm>> -> memref<128x128xf32, #tpu.memory_space<hbm>>
    tpu.wait_dma2 semaphore(%arg14 : memref<!tpu.dma_semaphore, #tpu.memory_space<semaphore_mem>>) src(%arg11 : memref<128x128xf32, #tpu.memory_space<vmem>>) dst(%dma_wait3A_150 : memref<128x128xf32, #tpu.memory_space<hbm>>)
    %add3A_151 = arith.constant 512 : i32
    %add3A_152 = arith.addi %add3A_86, %add3A_151 : i32
    %dma_wait3A_153 = arith.constant 0 : i32
    %dma_wait3A_154 = tpu.memref_slice %arg5[%add3A_152, %dma_wait3A_153] : memref<20480x128xf32, #tpu.memory_space<hbm>> -> memref<128x128xf32, #tpu.memory_space<hbm>>
    %dma_wait3A_155 = arith.constant 0 : i32
    %dma_wait3A_156 = tpu.memref_slice %arg5[%add3A_152, %dma_wait3A_155] : memref<20480x128xf32, #tpu.memory_space<hbm>> -> memref<128x128xf32, #tpu.memory_space<hbm>>
    tpu.wait_dma2 semaphore(%arg13 : memref<!tpu.dma_semaphore, #tpu.memory_space<semaphore_mem>>) src(%arg10 : memref<128x128xf32, #tpu.memory_space<vmem>>) dst(%dma_wait3A_156 : memref<128x128xf32, #tpu.memory_space<hbm>>)
    return
  }
}

module attributes {stable_mosaic.version = 14 : i64} {
  func.func @_layer_kernel(%arg0: i32, %arg1: memref<2x1280x128xf32, #tpu.memory_space<vmem>>, %arg2: memref<2x1280x16xf32, #tpu.memory_space<vmem>>, %arg3: memref<1280x128xf32, #tpu.memory_space<vmem>>, %arg4: memref<128x256xf32, #tpu.memory_space<vmem>>, %arg5: memref<128x256xf32, #tpu.memory_space<vmem>>, %arg6: memref<1x256xf32, #tpu.memory_space<vmem>>, %arg7: memref<256x128xf32, #tpu.memory_space<vmem>>, %arg8: memref<256x128xf32, #tpu.memory_space<vmem>>, %arg9: memref<1x128xf32, #tpu.memory_space<vmem>>, %arg10: memref<1280x128xf32, #tpu.memory_space<vmem>>, %arg11: memref<1280x128xf32, #tpu.memory_space<vmem>>) attributes {dimension_semantics = [#tpu.dimension_semantics<arbitrary>], iteration_bounds = array<i64: 8>, scalar_prefetch = 0 : i64, scratch_operands = 0 : i64, tpu.core_type = #tpu.core_type<tc>, window_params = [{transform_indices = @transform_0, window_bounds = array<i64: 2, 1280, 128>}, {transform_indices = @transform_1, window_bounds = array<i64: 2, 1280, 16>}, {transform_indices = @transform_2, window_bounds = array<i64: 1280, 128>}, {pipeline_mode = #tpu.pipeline_mode<synchronous>, transform_indices = @transform_3, window_bounds = array<i64: 128, 256>}, {pipeline_mode = #tpu.pipeline_mode<synchronous>, transform_indices = @transform_4, window_bounds = array<i64: 128, 256>}, {pipeline_mode = #tpu.pipeline_mode<synchronous>, transform_indices = @transform_5, window_bounds = array<i64: 1, 256>}, {pipeline_mode = #tpu.pipeline_mode<synchronous>, transform_indices = @transform_6, window_bounds = array<i64: 256, 128>}, {pipeline_mode = #tpu.pipeline_mode<synchronous>, transform_indices = @transform_7, window_bounds = array<i64: 256, 128>}, {pipeline_mode = #tpu.pipeline_mode<synchronous>, transform_indices = @transform_8, window_bounds = array<i64: 1, 128>}, {transform_indices = @transform_9, window_bounds = array<i64: 1280, 128>}, {transform_indices = @transform_10, window_bounds = array<i64: 1280, 128>}]} {
    %get3A = arith.constant 0 : index
    %get3A_0 = arith.constant 0 : index
    %get3A_1 = arith.constant 0 : index
    %get3A_2 = vector.load %arg1[%get3A, %get3A_0, %get3A_1] : memref<2x1280x128xf32, #tpu.memory_space<vmem>>, vector<1x1280x128xf32>
    %get3A_3 = vector.shape_cast %get3A_2 : vector<1x1280x128xf32> to vector<1280x128xf32>
    %get3A_4 = arith.constant 1 : index
    %get3A_5 = arith.constant 0 : index
    %get3A_6 = arith.constant 0 : index
    %get3A_7 = vector.load %arg1[%get3A_4, %get3A_5, %get3A_6] : memref<2x1280x128xf32, #tpu.memory_space<vmem>>, vector<1x1280x128xf32>
    %get3A_8 = vector.shape_cast %get3A_7 : vector<1x1280x128xf32> to vector<1280x128xf32>
    %add3A = arith.addf %get3A_3, %get3A_8 : vector<1280x128xf32>
    %get3A_9 = arith.constant 0 : index
    %get3A_10 = arith.constant 0 : index
    %get3A_11 = arith.constant 0 : index
    %get3A_12 = vector.load %arg2[%get3A_9, %get3A_10, %get3A_11] : memref<2x1280x16xf32, #tpu.memory_space<vmem>>, vector<1x1280x1xf32>
    %get3A_13 = vector.shape_cast %get3A_12 : vector<1x1280x1xf32> to vector<1280x1xf32>
    %get3A_14 = arith.constant 1 : index
    %get3A_15 = arith.constant 0 : index
    %get3A_16 = arith.constant 0 : index
    %get3A_17 = vector.load %arg2[%get3A_14, %get3A_15, %get3A_16] : memref<2x1280x16xf32, #tpu.memory_space<vmem>>, vector<1x1280x1xf32>
    %get3A_18 = vector.shape_cast %get3A_17 : vector<1x1280x1xf32> to vector<1280x1xf32>
    %add3A_19 = arith.addf %get3A_13, %get3A_18 : vector<1280x1xf32>
    %max3A = arith.constant 1.000000e+00 : f32
    %max3A_20 = vector.broadcast %max3A : f32 to vector<1280x1xf32>
    %max3A_21 = arith.maximumf %add3A_19, %max3A_20 : vector<1280x1xf32>
    %div3A = arith.constant 1.000000e+00 : f32
    %div3A_22 = vector.broadcast %div3A : f32 to vector<1280x1xf32>
    %div3A_23 = arith.divf %div3A_22, %max3A_21 : vector<1280x1xf32>
    %mul3A = vector.broadcast %div3A_23 : vector<1280x1xf32> to vector<1280x128xf32>
    %mul3A_24 = arith.mulf %add3A, %mul3A : vector<1280x128xf32>
    %get3A_25 = arith.constant 0 : index
    %get3A_26 = arith.constant 0 : index
    %get3A_27 = vector.load %arg4[%get3A_25, %get3A_26] : memref<128x256xf32, #tpu.memory_space<vmem>>, vector<128x256xf32>
    %dot_general3A = arith.constant dense<0.000000e+00> : vector<1280x256xf32>
    %dot_general3A_28 = tpu.matmul %mul3A_24, %get3A_27, %dot_general3A {dimension_numbers = #tpu.dot_dimension_numbers<[1], [0], [0], [1], [0, 0, 1, 1], [], []>, transpose_lhs_hint = false} : vector<1280x128xf32>, vector<128x256xf32>, vector<1280x256xf32> -> vector<1280x256xf32>
    %get3A_29 = arith.constant 0 : index
    %get3A_30 = arith.constant 0 : index
    %get3A_31 = vector.load %arg3[%get3A_29, %get3A_30] : memref<1280x128xf32, #tpu.memory_space<vmem>>, vector<1280x128xf32>
    %get3A_32 = arith.constant 0 : index
    %get3A_33 = arith.constant 0 : index
    %get3A_34 = vector.load %arg5[%get3A_32, %get3A_33] : memref<128x256xf32, #tpu.memory_space<vmem>>, vector<128x256xf32>
    %dot_general3A_35 = arith.constant dense<0.000000e+00> : vector<1280x256xf32>
    %dot_general3A_36 = tpu.matmul %get3A_31, %get3A_34, %dot_general3A_35 {dimension_numbers = #tpu.dot_dimension_numbers<[1], [0], [0], [1], [0, 0, 1, 1], [], []>, transpose_lhs_hint = false} : vector<1280x128xf32>, vector<128x256xf32>, vector<1280x256xf32> -> vector<1280x256xf32>
    %add3A_37 = arith.addf %dot_general3A_28, %dot_general3A_36 : vector<1280x256xf32>
    %get3A_38 = arith.constant 0 : index
    %get3A_39 = arith.constant 0 : index
    %get3A_40 = vector.load %arg6[%get3A_38, %get3A_39] : memref<1x256xf32, #tpu.memory_space<vmem>>, vector<1x256xf32>
    %add3A_41 = vector.broadcast %get3A_40 : vector<1x256xf32> to vector<1280x256xf32>
    %add3A_42 = arith.addf %add3A_37, %add3A_41 : vector<1280x256xf32>
    %max3A_43 = arith.constant 0.000000e+00 : f32
    %max3A_44 = vector.broadcast %max3A_43 : f32 to vector<1280x256xf32>
    %max3A_45 = arith.maximumf %add3A_42, %max3A_44 : vector<1280x256xf32>
    %get3A_46 = arith.constant 0 : index
    %get3A_47 = arith.constant 0 : index
    %get3A_48 = vector.load %arg7[%get3A_46, %get3A_47] : memref<256x128xf32, #tpu.memory_space<vmem>>, vector<256x128xf32>
    %dot_general3A_49 = arith.constant dense<0.000000e+00> : vector<1280x128xf32>
    %dot_general3A_50 = tpu.matmul %max3A_45, %get3A_48, %dot_general3A_49 {dimension_numbers = #tpu.dot_dimension_numbers<[1], [0], [0], [1], [0, 0, 1, 1], [], []>, transpose_lhs_hint = false} : vector<1280x256xf32>, vector<256x128xf32>, vector<1280x128xf32> -> vector<1280x128xf32>
    %swap3A = arith.constant 0 : index
    %swap3A_51 = arith.constant 0 : index
    %swap3A_52 = vector.load %arg10[%swap3A, %swap3A_51] : memref<1280x128xf32, #tpu.memory_space<vmem>>, vector<1280x128xf32>
    tpu.vector_store %arg10[%swap3A, %swap3A_51], %dot_general3A_50 {strides = array<i32>} : memref<1280x128xf32, #tpu.memory_space<vmem>>, vector<1280x128xf32>,
    %get3A_53 = arith.constant 0 : index
    %get3A_54 = arith.constant 0 : index
    %get3A_55 = vector.load %arg8[%get3A_53, %get3A_54] : memref<256x128xf32, #tpu.memory_space<vmem>>, vector<256x128xf32>
    %dot_general3A_56 = arith.constant dense<0.000000e+00> : vector<1280x128xf32>
    %dot_general3A_57 = tpu.matmul %max3A_45, %get3A_55, %dot_general3A_56 {dimension_numbers = #tpu.dot_dimension_numbers<[1], [0], [0], [1], [0, 0, 1, 1], [], []>, transpose_lhs_hint = false} : vector<1280x256xf32>, vector<256x128xf32>, vector<1280x128xf32> -> vector<1280x128xf32>
    %get3A_58 = arith.constant 0 : index
    %get3A_59 = arith.constant 0 : index
    %get3A_60 = vector.load %arg9[%get3A_58, %get3A_59] : memref<1x128xf32, #tpu.memory_space<vmem>>, vector<1x128xf32>
    %add3A_61 = vector.broadcast %get3A_60 : vector<1x128xf32> to vector<1280x128xf32>
    %add3A_62 = arith.addf %dot_general3A_57, %add3A_61 : vector<1280x128xf32>
    %swap3A_63 = arith.constant 0 : index
    %swap3A_64 = arith.constant 0 : index
    %swap3A_65 = vector.load %arg11[%swap3A_63, %swap3A_64] : memref<1280x128xf32, #tpu.memory_space<vmem>>, vector<1280x128xf32>
    tpu.vector_store %arg11[%swap3A_63, %swap3A_64], %add3A_62 {strides = array<i32>} : memref<1280x128xf32, #tpu.memory_space<vmem>>, vector<1280x128xf32>,
    return
  }
  func.func @transform_0(%arg0: i32) -> (i32, i32, i32) {
    %c0_i32 = arith.constant 0 : i32
    %c0_i32_0 = arith.constant 0 : i32
    %c0_i32_1 = arith.constant 0 : i32
    return %c0_i32, %arg0, %c0_i32_0 : i32, i32, i32
  }
  func.func @transform_1(%arg0: i32) -> (i32, i32, i32) {
    %c0_i32 = arith.constant 0 : i32
    %c0_i32_0 = arith.constant 0 : i32
    %c0_i32_1 = arith.constant 0 : i32
    return %c0_i32, %arg0, %c0_i32_0 : i32, i32, i32
  }
  func.func @transform_2(%arg0: i32) -> (i32, i32) {
    %c0_i32 = arith.constant 0 : i32
    %c0_i32_0 = arith.constant 0 : i32
    return %arg0, %c0_i32 : i32, i32
  }
  func.func @transform_3(%arg0: i32) -> (i32, i32) {
    %c0_i32 = arith.constant 0 : i32
    %c0_i32_0 = arith.constant 0 : i32
    %c0_i32_1 = arith.constant 0 : i32
    return %c0_i32, %c0_i32_0 : i32, i32
  }
  func.func @transform_4(%arg0: i32) -> (i32, i32) {
    %c0_i32 = arith.constant 0 : i32
    %c0_i32_0 = arith.constant 0 : i32
    %c0_i32_1 = arith.constant 0 : i32
    return %c0_i32, %c0_i32_0 : i32, i32
  }
  func.func @transform_5(%arg0: i32) -> (i32, i32) {
    %c0_i32 = arith.constant 0 : i32
    %c0_i32_0 = arith.constant 0 : i32
    %c0_i32_1 = arith.constant 0 : i32
    return %c0_i32, %c0_i32_0 : i32, i32
  }
  func.func @transform_6(%arg0: i32) -> (i32, i32) {
    %c0_i32 = arith.constant 0 : i32
    %c0_i32_0 = arith.constant 0 : i32
    %c0_i32_1 = arith.constant 0 : i32
    return %c0_i32, %c0_i32_0 : i32, i32
  }
  func.func @transform_7(%arg0: i32) -> (i32, i32) {
    %c0_i32 = arith.constant 0 : i32
    %c0_i32_0 = arith.constant 0 : i32
    %c0_i32_1 = arith.constant 0 : i32
    return %c0_i32, %c0_i32_0 : i32, i32
  }
  func.func @transform_8(%arg0: i32) -> (i32, i32) {
    %c0_i32 = arith.constant 0 : i32
    %c0_i32_0 = arith.constant 0 : i32
    %c0_i32_1 = arith.constant 0 : i32
    return %c0_i32, %c0_i32_0 : i32, i32
  }
  func.func @transform_9(%arg0: i32) -> (i32, i32) {
    %c0_i32 = arith.constant 0 : i32
    %c0_i32_0 = arith.constant 0 : i32
    return %arg0, %c0_i32 : i32, i32
  }
  func.func @transform_10(%arg0: i32) -> (i32, i32) {
    %c0_i32 = arith.constant 0 : i32
    %c0_i32_0 = arith.constant 0 : i32
    return %arg0, %c0_i32 : i32, i32
  }
}

module attributes {stable_mosaic.version = 14 : i64} {
  func.func @_h1_kernel(%arg0: i32, %arg1: memref<2x1280x128xf32, #tpu.memory_space<vmem>>, %arg2: memref<2x1280x16xf32, #tpu.memory_space<vmem>>, %arg3: memref<1280x128xf32, #tpu.memory_space<vmem>>, %arg4: memref<1280x128xf32, #tpu.memory_space<vmem>>) attributes {dimension_semantics = [#tpu.dimension_semantics<arbitrary>], iteration_bounds = array<i64: 8>, scalar_prefetch = 0 : i64, scratch_operands = 0 : i64, tpu.core_type = #tpu.core_type<tc>, window_params = [{transform_indices = @transform_0, window_bounds = array<i64: 2, 1280, 128>}, {transform_indices = @transform_1, window_bounds = array<i64: 2, 1280, 16>}, {transform_indices = @transform_2, window_bounds = array<i64: 1280, 128>}, {transform_indices = @transform_3, window_bounds = array<i64: 1280, 128>}]} {
    %get3A = arith.constant 0 : index
    %get3A_0 = arith.constant 0 : index
    %get3A_1 = arith.constant 0 : index
    %get3A_2 = vector.load %arg1[%get3A, %get3A_0, %get3A_1] : memref<2x1280x128xf32, #tpu.memory_space<vmem>>, vector<1x1280x128xf32>
    %get3A_3 = vector.shape_cast %get3A_2 : vector<1x1280x128xf32> to vector<1280x128xf32>
    %get3A_4 = arith.constant 1 : index
    %get3A_5 = arith.constant 0 : index
    %get3A_6 = arith.constant 0 : index
    %get3A_7 = vector.load %arg1[%get3A_4, %get3A_5, %get3A_6] : memref<2x1280x128xf32, #tpu.memory_space<vmem>>, vector<1x1280x128xf32>
    %get3A_8 = vector.shape_cast %get3A_7 : vector<1x1280x128xf32> to vector<1280x128xf32>
    %add3A = arith.addf %get3A_3, %get3A_8 : vector<1280x128xf32>
    %get3A_9 = arith.constant 0 : index
    %get3A_10 = arith.constant 0 : index
    %get3A_11 = arith.constant 0 : index
    %get3A_12 = vector.load %arg2[%get3A_9, %get3A_10, %get3A_11] : memref<2x1280x16xf32, #tpu.memory_space<vmem>>, vector<1x1280x1xf32>
    %get3A_13 = vector.shape_cast %get3A_12 : vector<1x1280x1xf32> to vector<1280x1xf32>
    %get3A_14 = arith.constant 1 : index
    %get3A_15 = arith.constant 0 : index
    %get3A_16 = arith.constant 0 : index
    %get3A_17 = vector.load %arg2[%get3A_14, %get3A_15, %get3A_16] : memref<2x1280x16xf32, #tpu.memory_space<vmem>>, vector<1x1280x1xf32>
    %get3A_18 = vector.shape_cast %get3A_17 : vector<1x1280x1xf32> to vector<1280x1xf32>
    %add3A_19 = arith.addf %get3A_13, %get3A_18 : vector<1280x1xf32>
    %max3A = arith.constant 1.000000e+00 : f32
    %max3A_20 = vector.broadcast %max3A : f32 to vector<1280x1xf32>
    %max3A_21 = arith.maximumf %add3A_19, %max3A_20 : vector<1280x1xf32>
    %div3A = arith.constant 1.000000e+00 : f32
    %div3A_22 = vector.broadcast %div3A : f32 to vector<1280x1xf32>
    %div3A_23 = arith.divf %div3A_22, %max3A_21 : vector<1280x1xf32>
    %mul3A = vector.broadcast %div3A_23 : vector<1280x1xf32> to vector<1280x128xf32>
    %mul3A_24 = arith.mulf %add3A, %mul3A : vector<1280x128xf32>
    %get3A_25 = arith.constant 0 : index
    %get3A_26 = arith.constant 0 : index
    %get3A_27 = vector.load %arg3[%get3A_25, %get3A_26] : memref<1280x128xf32, #tpu.memory_space<vmem>>, vector<1280x128xf32>
    %add3A_28 = arith.addf %mul3A_24, %get3A_27 : vector<1280x128xf32>
    %swap3A = arith.constant 0 : index
    %swap3A_29 = arith.constant 0 : index
    %swap3A_30 = vector.load %arg4[%swap3A, %swap3A_29] : memref<1280x128xf32, #tpu.memory_space<vmem>>, vector<1280x128xf32>
    tpu.vector_store %arg4[%swap3A, %swap3A_29], %add3A_28 {strides = array<i32>} : memref<1280x128xf32, #tpu.memory_space<vmem>>, vector<1280x128xf32>,
    return
  }
  func.func @transform_0(%arg0: i32) -> (i32, i32, i32) {
    %c0_i32 = arith.constant 0 : i32
    %c0_i32_0 = arith.constant 0 : i32
    %c0_i32_1 = arith.constant 0 : i32
    return %c0_i32, %arg0, %c0_i32_0 : i32, i32, i32
  }
  func.func @transform_1(%arg0: i32) -> (i32, i32, i32) {
    %c0_i32 = arith.constant 0 : i32
    %c0_i32_0 = arith.constant 0 : i32
    %c0_i32_1 = arith.constant 0 : i32
    return %c0_i32, %arg0, %c0_i32_0 : i32, i32, i32
  }
  func.func @transform_2(%arg0: i32) -> (i32, i32) {
    %c0_i32 = arith.constant 0 : i32
    %c0_i32_0 = arith.constant 0 : i32
    return %arg0, %c0_i32 : i32, i32
  }
  func.func @transform_3(%arg0: i32) -> (i32, i32) {
    %c0_i32 = arith.constant 0 : i32
    %c0_i32_0 = arith.constant 0 : i32
    return %arg0, %c0_i32 : i32, i32
  }
}

module attributes {stable_mosaic.version = 14 : i64} {
  func.func @_score_kernel(%arg0: memref<24576x128xf32, #tpu.memory_space<vmem>>, %arg1: memref<1x128xf32, #tpu.memory_space<vmem>>, %arg2: memref<8192x1xf32, #tpu.memory_space<vmem>>, %arg3: memref<8192x1xf32, #tpu.memory_space<vmem>>) attributes {dimension_semantics = [], scalar_prefetch = 0 : i64, scratch_operands = 0 : i64, tpu.core_type = #tpu.core_type<tc>} {
    %get3A = arith.constant 0 : index
    %get3A_0 = arith.constant 0 : index
    %get3A_1 = vector.load %arg0[%get3A, %get3A_0] : memref<24576x128xf32, #tpu.memory_space<vmem>>, vector<8192x128xf32>
    %get3A_2 = arith.constant 8192 : index
    %get3A_3 = arith.constant 0 : index
    %get3A_4 = vector.load %arg0[%get3A_2, %get3A_3] : memref<24576x128xf32, #tpu.memory_space<vmem>>, vector<8192x128xf32>
    %get3A_5 = arith.constant 16384 : index
    %get3A_6 = arith.constant 0 : index
    %get3A_7 = vector.load %arg0[%get3A_5, %get3A_6] : memref<24576x128xf32, #tpu.memory_space<vmem>>, vector<8192x128xf32>
    %get3A_8 = arith.constant 0 : index
    %get3A_9 = arith.constant 0 : index
    %get3A_10 = vector.load %arg1[%get3A_8, %get3A_9] : memref<1x128xf32, #tpu.memory_space<vmem>>, vector<1x128xf32>
    %mul3A = arith.mulf %get3A_1, %get3A_4 : vector<8192x128xf32>
    %mul3A_11 = vector.broadcast %get3A_10 : vector<1x128xf32> to vector<8192x128xf32>
    %mul3A_12 = arith.mulf %mul3A, %mul3A_11 : vector<8192x128xf32>
    %reduce_sum3A = arith.constant dense<0.000000e+00> : vector<8192xf32>
    %reduce_sum3A_13 = vector.multi_reduction <add>, %mul3A_12, %reduce_sum3A [1] : vector<8192x128xf32> to vector<8192xf32>
    %broadcast_in_dim3A = vector.shape_cast %reduce_sum3A_13 : vector<8192xf32> to vector<8192x1xf32>
    %swap3A = arith.constant 0 : index
    %swap3A_14 = arith.constant 0 : index
    %swap3A_15 = vector.load %arg2[%swap3A, %swap3A_14] : memref<8192x1xf32, #tpu.memory_space<vmem>>, vector<8192x1xf32>
    tpu.vector_store %arg2[%swap3A, %swap3A_14], %broadcast_in_dim3A {strides = array<i32>} : memref<8192x1xf32, #tpu.memory_space<vmem>>, vector<8192x1xf32>,
    %mul3A_16 = arith.mulf %get3A_1, %get3A_7 : vector<8192x128xf32>
    %mul3A_17 = vector.broadcast %get3A_10 : vector<1x128xf32> to vector<8192x128xf32>
    %mul3A_18 = arith.mulf %mul3A_16, %mul3A_17 : vector<8192x128xf32>
    %reduce_sum3A_19 = arith.constant dense<0.000000e+00> : vector<8192xf32>
    %reduce_sum3A_20 = vector.multi_reduction <add>, %mul3A_18, %reduce_sum3A_19 [1] : vector<8192x128xf32> to vector<8192xf32>
    %broadcast_in_dim3A_21 = vector.shape_cast %reduce_sum3A_20 : vector<8192xf32> to vector<8192x1xf32>
    %swap3A_22 = arith.constant 0 : index
    %swap3A_23 = arith.constant 0 : index
    %swap3A_24 = vector.load %arg3[%swap3A_22, %swap3A_23] : memref<8192x1xf32, #tpu.memory_space<vmem>>, vector<8192x1xf32>
    tpu.vector_store %arg3[%swap3A_22, %swap3A_23], %broadcast_in_dim3A_21 {strides = array<i32>} : memref<8192x1xf32, #tpu.memory_space<vmem>>, vector<8192x1xf32>,
    return
  }
}

</mosaic_0001>

<sc_bundles>
// kernel: kernel.12.cloned.1.call-start
scs
__scs_entry_jumppad:
0x0: {  	(pc) =	sbr.rel $0x88, $3  }
0x1: {  	(tag) =	ssettag $0x0;
	lr =	simm.s32 $0x1  }
0x2: {  	[smem:$0x3F95] =	sst lr;
	_ =	strace $0xD0000000  }
0x3: {  	_ = 	snop  }
0x4: {  	_ = 	snop  }
0x5: {  	_ = 	snop  }
0x6: {  	_ = 	snop  }
0x7: {  	_ = 	snop  }
__scs_overlays_trampoline_lowered:
0x8: {  	[smem:$0x3FA4] =	sst s0  }
0x9: {  	[smem:$0x3FA5] =	sst s1  }
0xa: {  	[smem:$0x3FA6] =	sst s2  }
0xb: {  	[smem:$0x3FA7] =	sst s3  }
0xc: {  	[smem:$0x3FA8] =	sst s4  }
0xd: {  	[smem:$0x3FA9] =	sst s5  }
0xe: {  	[smem:$0x3FAA] =	sst s6  }
0xf: {  	[smem:$0x3FAB] =	sst s7  }
0x10: {  	[smem:$0x3FAC] =	sst s8  }
0x11: {  	[smem:$0x3FAD] =	sst s9;
	s0 =	simm.s32 @!p0 $0x0  }
0x12: {  	s1 =	sld [smem:$0x3F93];
	s0 =	simm.s32 @p0 $0x1  }
0x13: {  	[smem:$0x3FAE] =	sst s0;
	s0 =	simm.s32 @!p1 $0x0  }
0x14: {  	s2 =	sld [smem:$0x3F92];
	s0 =	simm.s32 @p1 $0x1  }
0x15: {  	[smem:$0x3FAF] =	sst s0;
	s0 =	simm.s32 @!p2 $0x0  }
0x16: {  	s3 =	sld [smem:$0x3FDB];
	s0 =	simm.s32 @p2 $0x1  }
0x17: {  	s4 =	simm.s32 $0x1BF5;
	[smem:$0x3FB1] =	sst s0  }
0x18: {  	s0 =	sld [smem:$0x3F94];
	_ =	swait.ge [sflag:s4], $0x0  }
0x19: {  	s7 =	sld [smem:$0x3F95]  }
0x1a: {  	s8 =	sadd.s32 $0xFFFFE003, lr  }
0x1b: {  	s9 =	sadd.s32 $0xFFFFFEF7, lr;
	s5 =	simm.s32 $0xFFFFFFFF;
	p2 =	slt.u32 s8, $0xFFFFF086  }
0x1c: {  	p1 =	slt.u32 s9, $0xF7A;
	s5 =	simm.s32 @!p2 $0x0  }
0x1d: {  	s5 =	simm.s32 @p1 $0x1;
	p0 =	seq.s32 s7, s2  }
0x1e: {  	s7 =	smul.u32 @!p0 $0xF7A, s2;
	p2 =	seq.s32 @!p0 s5, $0x0  }
0x1f: {  	s9 =	smul.u32 $0xF7A, s1;
	s8 =	simm.s32 @!p0 $0x1BF5;
	p2 =	por !p2, p0  }
0x20: {  	[sflag:s8] =	ssyncset.s32 @!p0 $0xFFFFF086;
	s6 =	sadd.s32 @!p0 s3, s7;
	s7 =	simm.s32 @!p0 $0x108  }
0x21: {  	s3 =	sadd.s32 s3, s9;
	s6 =	sadd.s32 @!p0 $0x88, s6;
	s7 =	simm.s32 @p2 $0x1082  }
0x22: {  	[simem:s7], [sflag:s8] =	dma.local @!p0 [hbm:s6], $0xF7A  }
0x23: {  	s9 =	sor.u32 $0xD0000000, s2;
	s6 =	simm.s32 $0x108;
	_ =	swait.ge @!p0 [sflag:s8], $0x0  }
0x24: {  	s3 =	sadd.s32 $0x88, s3;
	s6 =	simm.s32 @!p1 $0x1082;
	[sflag:s4] =	ssyncset.s32 $0xFFFFF086  }
0x25: {  	[simem:s6], [sflag:s4] =	dma.local [hbm:s3], $0xF7A  }
0x26: {  	[smem:$0x3F95] =	sst s1;
	(tag) =	ssettag s2;
	_ =	strace s9  }
0x27: {  	s1 =	sld [smem:$0x3FA5]  }
0x28: {  	s2 =	sld [smem:$0x3FA6]  }
0x29: {  	s4 =	sld [smem:$0x3FA8]  }
0x2a: {  	p0 =	seq.s32 s5, $0x0;
	s5 =	sld [smem:$0x3FA9]  }
0x2b: {  	s6 =	sld [smem:$0x3FAA]  }
0x2c: {  	s7 =	sld [smem:$0x3FAB]  }
0x2d: {  	s3 =	simm.s32 $0x108;
	s8 =	sld [smem:$0x3FAC]  }
0x2e: {  	s3 =	simm.s32 @!p0 $0x1082;
	s9 =	sld [smem:$0x3FAD]  }
0x2f: {  	lr =	sadd.s32 s0, s3;
	s0 =	sld [smem:$0x3FA4]  }
0x30: {  	s3 =	sld [smem:$0x3FA7]  }
0x31: {  	[smem:$0x3FB0] =	sst s10  }
0x32: {  	s10 =	sld [smem:$0x3FAE];
	_ =	sdelay $0x3  }
0x33: {  	p0 =	seq.s32 s10, $0x1;
	s10 =	sld [smem:$0x3FB0];
	_ =	sdelay $0x3  }
0x34: {  	[smem:$0x3FB0] =	sst s10  }
0x35: {  	s10 =	sld [smem:$0x3FAF];
	_ =	sdelay $0x3  }
0x36: {  	p1 =	seq.s32 s10, $0x1;
	s10 =	sld [smem:$0x3FB0];
	_ =	sdelay $0x3  }
0x37: {  	[smem:$0x3FB0] =	sst s10  }
0x38: {  	s10 =	sld [smem:$0x3FB1]  }
0x39: {  	_ = 	snop;
	(pc) =	sbr.ind lr, $3  }
0x3a: {  	_ = 	snop  }
0x3b: {  	_ = 	snop  }
0x3c: {  	p2 =	seq.s32 s10, $0x1;
	s10 =	sld [smem:$0x3FB0]  }
0x3d: {  	_ =	shalt  }
0x3e: {  	_ =	shalt  }
0x3f: {  	_ =	shalt  }
0x40: {  	_ =	shalt  }
0x41: {  	_ =	shalt  }
0x42: {  	_ =	shalt  }
0x43: {  	_ =	shalt  }
0x44: {  	_ =	shalt  }
0x45: {  	_ =	shalt  }
0x46: {  	_ =	shalt  }
0x47: {  	_ =	shalt  }
0x48: {  	_ =	shalt  }
0x49: {  	_ =	shalt  }
0x4a: {  	_ =	shalt  }
0x4b: {  	_ =	shalt  }
0x4c: {  	_ =	shalt  }
0x4d: {  	_ =	shalt  }
0x4e: {  	_ =	shalt  }
0x4f: {  	_ =	shalt  }
0x50: {  	_ =	shalt  }
0x51: {  	_ =	shalt  }
0x52: {  	_ =	shalt  }
0x53: {  	_ =	shalt  }
0x54: {  	_ =	shalt  }
0x55: {  	_ =	shalt  }
0x56: {  	_ =	shalt  }
0x57: {  	_ =	shalt  }
0x58: {  	_ =	shalt  }
0x59: {  	_ =	shalt  }
0x5a: {  	_ =	shalt  }
0x5b: {  	_ =	shalt  }
0x5c: {  	_ =	shalt  }
0x5d: {  	_ =	shalt  }
0x5e: {  	_ =	shalt  }
0x5f: {  	_ =	shalt  }
0x60: {  	_ =	shalt  }
0x61: {  	_ =	shalt  }
0x62: {  	_ =	shalt  }
0x63: {  	_ =	shalt  }
0x64: {  	_ =	shalt  }
0x65: {  	_ =	shalt  }
0x66: {  	_ =	shalt  }
0x67: {  	_ =	shalt  }
0x68: {  	_ =	shalt  }
0x69: {  	_ =	shalt  }
0x6a: {  	_ =	shalt  }
0x6b: {  	_ =	shalt  }
0x6c: {  	_ =	shalt  }
0x6d: {  	_ =	shalt  }
0x6e: {  	_ =	shalt  }
0x6f: {  	_ =	shalt  }
0x70: {  	_ =	shalt  }
0x71: {  	_ =	shalt  }
0x72: {  	_ =	shalt  }
0x73: {  	_ =	shalt  }
0x74: {  	_ =	shalt  }
0x75: {  	_ =	shalt  }
0x76: {  	_ =	shalt  }
0x77: {  	_ =	shalt  }
0x78: {  	_ =	shalt  }
0x79: {  	_ =	shalt  }
0x7a: {  	_ =	shalt  }
0x7b: {  	_ =	shalt  }
0x7c: {  	_ =	shalt  }
0x7d: {  	_ =	shalt  }
0x7e: {  	_ =	shalt  }
0x7f: {  	_ =	shalt  }
0x80: {  	_ =	shalt  }
0x81: {  	_ =	shalt  }
0x82: {  	_ =	shalt  }
0x83: {  	_ =	shalt  }
0x84: {  	_ =	shalt  }
0x85: {  	_ =	shalt  }
0x86: {  	_ =	shalt  }
0x87: {  	_ =	shalt  }
.Lfunc_end0:
.L_simem_size_0:
called_computation.1_lowered:
.L_overlay_start_0:
0x88: {  	s2 =	sld [smem:$0x3FD9]  }
0x89: {  	s3 =	sld [smem:$0x3FFE];
	_ =	sdelay $0x1  }
0x8a: {  	s1 =	srdreg.scid  }
0x8b: {  	s0 =	sand.u32 $0x1, s1  }
0x8c: {  	s17 =	sshll.u32 s0, $0xA;
	s2 =	sadd.s32 s3, s2  }
0x8d: {  	s2 =	sadd.s32 s2, s17  }
0x8e: {  	[smem:$0x3FBC] =	sst s2  }
0x8f: {  	_ = 	snop  }
0x90: {  	(tm) =	ssettm $0x1  }
0x91: {  	s18 =	sld [smem:$0x3FFB];
	_ =	sdelay $0x3  }
0x92: {  	_ =	strace s18  }
0x93: {  	s2 =	sld [smem:$0x3FFC];
	_ =	sdelay $0x3  }
0x94: {  	_ =	strace s2  }
0x95: {  	s2 =	sld [smem:$0x3FFD];
	_ =	sdelay $0x3  }
0x96: {  	_ =	strace s2  }
0x97: {  	_ =	strace $0x8FFFFFFF  }
0x98: {  	s19 =	sld [smem:$0x3FDB];
	_ =	sdelay $0x1  }
0x99: {  	s20 =	simm.s32 $_scs_section_size  }
0x9a: {  	s4 =	simm.s32 $_size__tile_overlayer_lowered;
	s5 =	simm.s32 $_tile_overlayer_lowered  }
0x9b: {  	s6 =	simm.s32 $0x1BFF;
	s21 =	sshll.u32 s5, $0x1;
	s3 =	sadd.s32 s20, s19  }
0x9c: {  	s22 =	simm.s32 $0x0;
	s4 =	sshll.u32 s4, $0x1;
	s5 =	sadd.s32 s21, s3  }
0x9d: {  	[timem:s22], [sflag:s6] =	dma.local [hbm:s5], s4  }
0x9e: {  	_ =	swait.ge [sflag:s6], s4  }
0x9f: {  	s4 =	ssub.s32 $0x0, s4;
	[sflag:s6] =	ssyncset.done $0x0  }
0xa0: {  	[sflag:s6] =	ssyncadd.s32 s4;
	_ =	sdelay $0x1  }
0xa1: {  	s23 =	simm.s32 $0x1B8B  }
0xa2: {  	_ =	swait.ge [sflag:s23], $0x1  }
0xa3: {  	[sflag:s23] =	ssyncset.done $0x0  }
0xa4: {  	[sflag:s23] =	ssyncadd.s32 $0xFFFFFFFF  }
0xa5: {  	s4 =	sld [smem:$0x0]  }
0xa6: {  	s5 =	sand.u32 $0xFFFFFFFE, s1  }
0xa7: {  	p0 =	sne.s32 s1, s5  }
0xa8: {  	s5 =	sshll.u32 @p0 s5, $0xE  }
0xa9: {  	s5 =	sadd.s32 @p0 $0x11B8D, s5;
	s6 =	sshll.u32 @p0 s4, $0x11  }
0xaa: {  	s5 =	sor.u32 @p0 s6, s5  }
0xab: {  	[sflag:s5] =	ssyncadd.remote.s32 @p0 $0x1;
	_ =	sdelay $0x1  }
0xac: {  	s5 =	simm.s32 @p0 $0x1B8D  }
0xad: {  	_ =	swait.eq @p0 [sflag:s5], $0x1  }
0xae: {  	[sflag:s5] =	ssyncadd.s32 @p0 $0xFFFFFFFF  }
0xaf: {  	s6 =	sshll.u32 @!p0 s1, $0xE  }
0xb0: {  	s6 =	sor.u32 @!p0 $0x4000, s6;
	s5 =	simm.s32 @!p0 $0x1B8D  }
0xb1: {  	s4 =	sshll.u32 @!p0 s4, $0x11;
	s6 =	sadd.s32 @!p0 $0x11B8D, s6;
	_ =	swait.eq @!p0 [sflag:s5], $0x1  }
0xb2: {  	s4 =	sor.u32 @!p0 s4, s6;
	[sflag:s5] =	ssyncadd.s32 @!p0 $0xFFFFFFFF  }
0xb3: {  	s25 =	simm.s32 $0x1B8E;
	s24 =	sld [smem:$0x3FFE];
	[sflag:s4] =	ssyncadd.remote.s32 @!p0 $0x1  }
0xb4: {  	s26 =	simm.s32 $execute0_lowered;
	[smem:$0x3FD2] =	sst s25  }
0xb5: {  	s5 =	sshll.u32 s26, $0x1;
	_ =	strace $0x80000049;
	[dreg:$0x1] =	wrdreg $0xFFFFFFFF  }
0xb6: {  	s28 =	simm.s32 $_size_execute0_lowered;
	s3 =	sadd.s32 s3, s5;
	[dreg:$0x0] =	wrdreg $0x0  }
0xb7: {  	s5 =	sshll.u32 s28, $0x1;
	[dreg:$0x2] =	wrdreg s3  }
0xb8: {  	[dreg:$0x3] =	wrdreg s5  }
0xb9: {  	[dreg:$0x4] =	wrdreg $0xC0  }
0xba: {  	_ =	task [dreg:s22], $0x5FFFF  }
0xbb: {  	[dreg:$0x1] =	wrdreg $0xFFFFFFFF  }
0xbc: {  	[dreg:$0x0] =	wrdreg $0x60  }
0xbd: {  	[dreg:$0x2] =	wrdreg s24  }
0xbe: {  	[dreg:$0x3] =	wrdreg $0x82000  }
0xbf: {  	[dreg:$0x4] =	wrdreg $0xA  }
0xc0: {  	_ =	task.clear_ibuf [dreg:s22], $0x5FFFF;
	_ =	strace $0x90000049  }
0xc1: {  	s29 =	simm.s32 $0xA;
	_ =	strace $0x8000004B  }
0xc2: {  	_ =	swait.ge [sflag:s29], $0x1  }
0xc3: {  	[sflag:s29] =	ssyncadd.s32 $0xFFFFFFFF  }
0xc4: {  	_ =	strace $0x9000004B  }
0xc5: {  	_ =	sfence  }
0xc6: {  	s30 =	sld [smem:$0x0];
	_ =	sdelay $0x2  }
0xc7: {  	s31 =	sshll.u32 s1, $0xD;
	s1 =	sshrl.u32 s1, $0x2  }
0xc8: {  	s4 =	sand.u32 $0x4000, s31;
	s1 =	sadd.s32 s1, s30  }
0xc9: {  	s0 =	sor.u32 s4, s0;
	s1 =	sshll.u32 s1, $0x11  }
0xca: {  	s0 =	sor.u32 s1, s0  }
0xcb: {  	s0 =	sadd.s32 $0x8F2B, s0  }
0xcc: {  	[sflag:s0] =	ssyncadd.remote.s32 $0x1  }
0xcd: {  	_ =	sfence.sel $0xFFFF  }
0xce: {  	[dreg:$0x0] =	wrdreg $0xFFFFFFFF;
	(pc) =	sbr.abs _section_cstart, $3  }
0xcf: {  	[dreg:$0x1] =	wrdreg $0xFFFFFFFF  }
0xd0: {  	_ =	task.clear_ibuf [dreg:s22], $0x2FFFF;
	_ =	strace $0x9FFFFFFF  }
0xd1: {  	(tm) =	ssettm $0x7FFFFFFF  }
tec
execute0_lowered:
.L_overlay_start_1:
0x0: {  	(tag) =	ssettag $0x1  }
0x1: {  	s0 =	rddreg [dreg:$0x0]  }
0x2: {  	s2 =	rddreg [dreg:$0x1];
	s1 =	srdreg.scid  }
0x3: {  	s15 =	stileid.u32;
	s3 =	simm.s32 $0x0;
	s28 =	simm.s32 $0x5  }
0x4: {  	s29 =	simm.s32 $0x80;
	s30 =	simm.s32 $0x100;
	s31 =	simm.s32 $0x4200  }
0x5: {  	s1 =	sand.u32 $0x1, s1;
	s5 =	smul.u32 $0x280, s15;
	[smem:$0x7FF] =	sst s3  }
0x6: {  	s4 =	sadd.s32 $0x20E00, s0;
	s11 =	sadd.s32 $0xCE00, s0;
	s6 =	smul.u32 $0x50000, s15  }
0x7: {  	s12 =	sadd.s32 $0x2E00, s0;
	s20 =	sshll.u32 s15, $0x1;
	s19 =	smul.u32 $0x5000, s15  }
0x8: {  	s10 =	smul.u32 $0x2800, s1;
	_ =	strace $0x8000004A;
	s8 =	ssub.s32 $0x2, s1  }
0x9: {  	s1 =	sor.u32 s1, s20;
	s21 =	sshrl.u32 s6, $0x2;
	s22 =	sshrl.u32 s8, $0x1  }
0xa: {  	s1 =	smul.u32 $0x2800, s1;
	s5 =	sadd.s32 s5, s10;
	s13 =	ssub.s32 s8, s22  }
0xb: {  	s10 =	sadd.s32 s10, s19;
	s7 =	sshll.u32 s5, $0x4;
	s5 =	sadd.s32 s21, s2  }
0xc: {  	s14 =	sshrl.u32 s1, $0x3;
	s17 =	sor.u32 $0x80, s1;
	s1 =	sor.u32 $0x100, s1  }
0xd: {  	s15 =	smax.u32 s13, $0x1;
	s21 =	sor.u32 $0x200, s10;
	s0 =	sadd.s32 s7, s0  }
0xe: {  	s6 =	sadd.s32 $0x4000, s5;
	s7 =	sadd.s32 $0x8000, s5;
	s8 =	sadd.s32 $0xC000, s5  }
0xf: {  	s9 =	sadd.s32 $0x10000, s5;
	s16 =	sadd.s32 s11, s14;
	[dreg:$0x9] =	wrdreg s15  }
0x10: {  	s20 =	sshrl.u32 s1, $0x3;
	[dreg:$0x3] =	wrdreg s16;
	s23 =	sadd.s32 $0x48E00, s0  }
0x11: {  	s22 =	sshrl.u32 s21, $0x3;
	s24 =	sadd.s32 $0x49600, s0;
	[dreg:$0x4] =	wrdreg s23  }
0x12: {  	s1 =	simm.s32 $0x1;
	s25 =	sadd.s32 $0x49E00, s0;
	[dreg:$0x5] =	wrdreg s24  }
0x13: {  	s26 =	sadd.s32 $0x4A600, s0;
	s0 =	sadd.s32 $0x4AE00, s0;
	[dreg:$0x6] =	wrdreg s25  }
0x14: {  	s16 =	sshrl.u32 s17, $0x3;
	s17 =	sadd.s32 s12, s14;
	[dreg:$0x7] =	wrdreg s26  }
0x15: {  	s20 =	sadd.s32 s11, s20;
	s21 =	sadd.s32 s22, s11;
	[dreg:$0x8] =	wrdreg s0  }
0x16: {  	s18 =	sadd.s32 s11, s16;
	s19 =	sadd.s32 s12, s16;
	s23 =	sor.u32 $0x180, s10  }
0x17: {  	s25 =	sor.u32 $0x100, s10;
	s0 =	simm.s32 $0x180;
	s10 =	simm.s32 $0x2  }
0x18: {  	s24 =	sshrl.u32 s23, $0x3;
	s26 =	sshrl.u32 s25, $0x3;
	s25 =	simm.s32 $0x200  }
0x19: {  	s22 =	sadd.s32 s24, s11;
	s23 =	sadd.s32 s24, s12;
	s24 =	sadd.s32 s26, s12  }
0x1a: {  	v0 =	vimm.f32 $0.0e+00;
	s26 =	simm.s32 $0x3;
	s11 =	simm.s32 $0x4;
	s12 =	simm.s32 $0x0  }
.LBB2_1:
0x1b: {  	s13 =	simm.s32 $0x0;
	s14 =	simm.s32 $0x200  }
.LBB2_2:
0x1c: {  	p0 =	sne.s32 s14, $0xFE00;
	[tilespmem:s13+$0x270] =	vst v0  }
0x1d: {  	[tilespmem:s13+$0x200] =	vst v0  }
0x1e: {  	[tilespmem:s13+$0x210] =	vst v0  }
.Ltmp0:
0x1f: {  	[tilespmem:s13+$0x220] =	vst v0;
	(pc) =	sbr.rel @p0 .LBB2_2-.Ltmp0, $4  }
0x20: {  	[tilespmem:s13+$0x230] =	vst v0  }
0x21: {  	[tilespmem:s13+$0x240] =	vst v0  }
0x22: {  	[tilespmem:s13+$0x250] =	vst v0  }
0x23: {  	[tilespmem:s13+$0x260] =	vst v0;
	s13 =	sshra.s32 s14, $0x2;
	s14 =	sadd.s32 $0x200, s14  }
0x24: {  	[tilespmem:s13+$0x270] =	vst v0  }
0x25: {  	[tilespmem:s13+$0x200] =	vst v0  }
0x26: {  	[tilespmem:s13+$0x210] =	vst v0  }
0x27: {  	[tilespmem:s13+$0x220] =	vst v0  }
0x28: {  	[tilespmem:s13+$0x230] =	vst v0  }
0x29: {  	[tilespmem:s13+$0x240] =	vst v0  }
0x2a: {  	[tilespmem:s13+$0x250] =	vst v0  }
0x2b: {  	[tilespmem:s13+$0x260] =	vst v0  }
0x2c: {  	[spmem:s5] =	stream.linear.scatter [tilespmem:s25], [sflag:$0x3], $0x4000, $0x38;
	[tilespmem:$0x1C200] =	vst v63  }
0x2d: {  	_ = 	snop  }
0x2e: {  	[spmem:s6] =	stream.linear.scatter [tilespmem:s25], [sflag:$0x3], $0x4000, $0x38;
	[tilespmem:$0x1C200] =	vst v63  }
0x2f: {  	_ = 	snop  }
0x30: {  	[spmem:s7] =	stream.linear.scatter [tilespmem:s25], [sflag:$0x3], $0x4000, $0x38;
	[tilespmem:$0x1C200] =	vst v63  }
0x31: {  	_ = 	snop  }
0x32: {  	[spmem:s8] =	stream.linear.scatter [tilespmem:s25], [sflag:$0x3], $0x4000, $0x38;
	[tilespmem:$0x1C200] =	vst v63  }
0x33: {  	_ = 	snop  }
0x34: {  	[spmem:s9] =	stream.linear.scatter [tilespmem:s25], [sflag:$0x3], $0x4000, $0x38;
	[tilespmem:$0x1C200] =	vst v63  }
0x35: {  	_ =	swait.ge [sflag:s26], $0x4000  }
0x36: {  	[sflag:s26] =	ssyncset.done $0x0  }
0x37: {  	[sflag:s26] =	ssyncadd.s32 $0xFFFFC000  }
0x38: {  	_ =	swait.ge [sflag:s26], $0x4000  }
0x39: {  	[sflag:s26] =	ssyncset.done $0x0  }
0x3a: {  	[sflag:s26] =	ssyncadd.s32 $0xFFFFC000  }
0x3b: {  	_ =	swait.ge [sflag:s26], $0x4000  }
0x3c: {  	[sflag:s26] =	ssyncset.done $0x0  }
0x3d: {  	[sflag:s26] =	ssyncadd.s32 $0xFFFFC000  }
0x3e: {  	_ =	swait.ge [sflag:s26], $0x4000  }
0x3f: {  	[sflag:s26] =	ssyncset.done $0x0  }
0x40: {  	[sflag:s26] =	ssyncadd.s32 $0xFFFFC000  }
0x41: {  	_ =	swait.ge [sflag:s26], $0x4000  }
0x42: {  	[sflag:s26] =	ssyncset.done $0x0  }
0x43: {  	[sflag:s26] =	ssyncadd.s32 $0xFFFFC000  }
0x44: {  	[bflag:$0x0] =	sbarrier.arrive $0xFFFF  }
0x45: {  	s13 =	simm.s32 $0x0;
	s14 =	rddreg [dreg:$0x3]  }
0x46: {  	[tilespmem:s13], [sflag:$0x5] =	stream.linear.gather [hbm4b:s14+s13], $0x80, $0x38;
	[tilespmem:$0x1C200] =	vst v63  }
0x47: {  	_ =	swait.ge [sflag:s28], $0x80  }
0x48: {  	[sflag:s28] =	ssyncset.done $0x0  }
0x49: {  	[sflag:s28] =	ssyncadd.s32 $0xFFFFFF80  }
0x4a: {  	[tilespmem:s25], [sflag:$0x1] =	stream.indirect.gather [hbm4b:s4+s29], $0x80, s13, s29, $0xb8;
	[tilespmem:$0x1C200] =	vst v63  }
0x4b: {  	_ = 	snop  }
0x4c: {  	[tilespmem:s30], [sflag:$0x5] =	stream.linear.gather [hbm4b:s17+s13], $0x80, $0x38;
	[tilespmem:$0x1C200] =	vst v63  }
0x4d: {  	_ =	swait.ge [sflag:s28], $0x80  }
0x4e: {  	[sflag:s28] =	ssyncset.done $0x0  }
0x4f: {  	[sflag:s28] =	ssyncadd.s32 $0xFFFFFF80  }
0x50: {  	[tilespmem:s29], [sflag:$0x5] =	stream.linear.gather [hbm4b:s18+s13], $0x80, $0x38;
	[tilespmem:$0x1C200] =	vst v63  }
0x51: {  	_ =	swait.ge [sflag:s28], $0x80  }
0x52: {  	[sflag:s28] =	ssyncset.done $0x0  }
0x53: {  	[sflag:s28] =	ssyncadd.s32 $0xFFFFFF80  }
0x54: {  	[tilespmem:s31], [sflag:$0x2] =	stream.indirect.gather [hbm4b:s4+s29], $0x80, s29, s29, $0xb8;
	[tilespmem:$0x1C200] =	vst v63  }
0x55: {  	_ = 	snop  }
0x56: {  	[tilespmem:s0], [sflag:$0x5] =	stream.linear.gather [hbm4b:s19+s13], $0x80, $0x38;
	[tilespmem:$0x1C200] =	vst v63  }
0x57: {  	_ =	swait.ge [sflag:s28], $0x80  }
0x58: {  	[sflag:s28] =	ssyncset.done $0x0  }
0x59: {  	[sflag:s28] =	ssyncadd.s32 $0xFFFFFF80  }
0x5a: {  	_ =	swait.ge [sflag:s1], $0x4000  }
0x5b: {  	[sflag:s1] =	ssyncset.done $0x0  }
0x5c: {  	[sflag:s1] =	ssyncadd.s32 $0xFFFFC000  }
0x5d: {  	[spmem:s2] =	stream.indirect.scatter.add.f32 [tilespmem:s25], [sflag:$0x3], $0x80, s30, s29, $0xb8;
	[tilespmem:$0x1C200] =	vst v63  }
0x5e: {  	_ =	swait.ge [sflag:s10], $0x4000  }
0x5f: {  	[sflag:s10] =	ssyncset.done $0x0  }
0x60: {  	[sflag:s10] =	ssyncadd.s32 $0xFFFFC000  }
0x61: {  	[spmem:s2] =	stream.indirect.scatter.add.f32 [tilespmem:s31], [sflag:$0x4], $0x80, s0, s29, $0xb8;
	[tilespmem:$0x1C200] =	vst v63  }
0x62: {  	_ =	swait.ge [sflag:s26], $0x4000  }
0x63: {  	[sflag:s26] =	ssyncset.done $0x0  }
0x64: {  	[sflag:s26] =	ssyncadd.s32 $0xFFFFC000  }
0x65: {  	[tilespmem:s13], [sflag:$0x5] =	stream.linear.gather [hbm4b:s20+s13], $0x80, $0x38;
	[tilespmem:$0x1C200] =	vst v63  }
0x66: {  	_ =	swait.ge [sflag:s28], $0x80  }
0x67: {  	[sflag:s28] =	ssyncset.done $0x0  }
0x68: {  	[sflag:s28] =	ssyncadd.s32 $0xFFFFFF80  }
0x69: {  	[tilespmem:s25], [sflag:$0x1] =	stream.indirect.gather [hbm4b:s4+s29], $0x80, s13, s29, $0xb8;
	[tilespmem:$0x1C200] =	vst v63  }
.LBB2_4:
0x6a: {  	s14 =	sadd.s32 s13, s24  }
0x6b: {  	[tilespmem:s30], [sflag:$0x5] =	stream.linear.gather [hbm4b:s14+s3], $0x80, $0x38;
	[tilespmem:$0x1C200] =	vst v63  }
0x6c: {  	_ =	swait.ge [sflag:s28], $0x80  }
0x6d: {  	[sflag:s28] =	ssyncset.done $0x0  }
0x6e: {  	s15 =	sadd.s32 s13, s22;
	[sflag:s28] =	ssyncadd.s32 $0xFFFFFF80  }
0x6f: {  	[tilespmem:s29], [sflag:$0x5] =	stream.linear.gather [hbm4b:s15+s3], $0x80, $0x38;
	[tilespmem:$0x1C200] =	vst v63  }
0x70: {  	_ =	swait.ge [sflag:s28], $0x80  }
0x71: {  	[sflag:s28] =	ssyncset.done $0x0  }
0x72: {  	[sflag:s28] =	ssyncadd.s32 $0xFFFFFF80  }
0x73: {  	_ =	swait.ge [sflag:s11], $0x4000  }
0x74: {  	[sflag:s11] =	ssyncset.done $0x0  }
0x75: {  	[sflag:s11] =	ssyncadd.s32 $0xFFFFC000  }
0x76: {  	[tilespmem:s31], [sflag:$0x2] =	stream.indirect.gather [hbm4b:s4+s29], $0x80, s29, s29, $0xb8;
	[tilespmem:$0x1C200] =	vst v63  }
0x77: {  	s16 =	sadd.s32 s13, s23  }
0x78: {  	[tilespmem:s0], [sflag:$0x5] =	stream.linear.gather [hbm4b:s16+s3], $0x80, $0x38;
	[tilespmem:$0x1C200] =	vst v63  }
0x79: {  	_ =	swait.ge [sflag:s28], $0x80  }
0x7a: {  	[sflag:s28] =	ssyncset.done $0x0  }
0x7b: {  	[sflag:s28] =	ssyncadd.s32 $0xFFFFFF80  }
0x7c: {  	_ =	swait.ge [sflag:s1], $0x4000  }
0x7d: {  	[sflag:s1] =	ssyncset.done $0x0  }
0x7e: {  	[sflag:s1] =	ssyncadd.s32 $0xFFFFC000  }
0x7f: {  	[spmem:s2] =	stream.indirect.scatter.add.f32 [tilespmem:s25], [sflag:$0x3], $0x80, s30, s29, $0xb8;
	[tilespmem:$0x1C200] =	vst v63  }
0x80: {  	_ =	swait.ge [sflag:s10], $0x4000  }
0x81: {  	[sflag:s10] =	ssyncset.done $0x0  }
0x82: {  	[sflag:s10] =	ssyncadd.s32 $0xFFFFC000  }
0x83: {  	[spmem:s2] =	stream.indirect.scatter.add.f32 [tilespmem:s31], [sflag:$0x4], $0x80, s0, s29, $0xb8;
	[tilespmem:$0x1C200] =	vst v63  }
0x84: {  	_ =	swait.ge [sflag:s26], $0x4000  }
0x85: {  	p0 =	seq.s32 s13, $0x4C0;
	[sflag:s26] =	ssyncset.done $0x0  }
0x86: {  	s14 =	sadd.s32 @!p0 s13, s21;
	s15 =	simm.s32 @!p0 $0x0;
	[sflag:s26] =	ssyncadd.s32 $0xFFFFC000  }
0x87: {  	[tilespmem:s15], [sflag:$0x5] =	stream.linear.gather @!p0 [hbm4b:s14+s15], $0x80, $0x38;
	[tilespmem:$0x1C200] =	vst v63  }
0x88: {  	s14 =	simm.s32 @!p0 $0x5  }
0x89: {  	s13 =	sadd.s32 @!p0 $0x20, s13;
	_ =	swait.ge @!p0 [sflag:s14], $0x80  }
0x8a: {  	p1 =	sne.s32 @!p0 s13, $0x4E0;
	[sflag:s14] =	ssyncset.done @!p0 $0x0  }
0x8b: {  	s16 =	simm.s32 @!p0 $0x200;
	[sflag:s14] =	ssyncadd.s32 @!p0 $0xFFFFFF80;
	s14 =	simm.s32 @!p0 $0x80  }
0x8c: {  	[tilespmem:s16], [sflag:$0x1] =	stream.indirect.gather @!p0 [hbm4b:s4+s14], $0x80, s15, s14, $0xb8;
	[tilespmem:$0x1C200] =	vst v63  }
0x8d: {  	p0 =	por p0, !p1  }
.Ltmp1:
0x8e: {  	_ = 	snop;
	(pc) =	sbr.rel @!p0 .LBB2_4-.Ltmp1, $1  }
0x8f: {  	_ =	sdelay $0x3  }
0x90: {  	_ =	swait.ge [sflag:s11], $0x4000  }
0x91: {  	[sflag:s11] =	ssyncset.done $0x0  }
0x92: {  	[sflag:s11] =	ssyncadd.s32 $0xFFFFC000  }
0x93: {  	[bflag:$0x0] =	sbarrier.arrive $0xFFFF  }
0x94: {  	[tilespmem:s25], [sflag:$0x5] =	stream.linear.gather [spmem:s5], $0x4000, $0x38;
	[tilespmem:$0x1C200] =	vst v63  }
0x95: {  	_ =	swait.ge [sflag:s28], $0x4000  }
0x96: {  	[sflag:s28] =	ssyncset.done $0x0  }
0x97: {  	s13 =	rddreg [dreg:$0x4];
	[sflag:s28] =	ssyncadd.s32 $0xFFFFC000  }
0x98: {  	[hbm4b:s13+s3] =	stream.linear.scatter [tilespmem:s25], [sflag:$0x1], $0x4000, $0x38;
	[tilespmem:$0x1C200] =	vst v63  }
0x99: {  	_ = 	snop  }
0x9a: {  	[tilespmem:s31], [sflag:$0x5] =	stream.linear.gather [spmem:s6], $0x4000, $0x38;
	[tilespmem:$0x1C200] =	vst v63  }
0x9b: {  	_ =	swait.ge [sflag:s28], $0x4000  }
0x9c: {  	[sflag:s28] =	ssyncset.done $0x0  }
0x9d: {  	s15 =	rddreg [dreg:$0x5];
	[sflag:s28] =	ssyncadd.s32 $0xFFFFC000  }
0x9e: {  	[hbm4b:s15+s3] =	stream.linear.scatter [tilespmem:s31], [sflag:$0x2], $0x4000, $0x38;
	[tilespmem:$0x1C200] =	vst v63  }
0x9f: {  	_ =	swait.ge [sflag:s1], $0x4000  }
0xa0: {  	[sflag:s1] =	ssyncset.done $0x0  }
0xa1: {  	[sflag:s1] =	ssyncadd.s32 $0xFFFFC000  }
0xa2: {  	[tilespmem:s25], [sflag:$0x5] =	stream.linear.gather [spmem:s7], $0x4000, $0x38;
	[tilespmem:$0x1C200] =	vst v63  }
0xa3: {  	_ =	swait.ge [sflag:s28], $0x4000  }
0xa4: {  	[sflag:s28] =	ssyncset.done $0x0  }
0xa5: {  	s16 =	rddreg [dreg:$0x6];
	[sflag:s28] =	ssyncadd.s32 $0xFFFFC000  }
0xa6: {  	[hbm4b:s16+s3] =	stream.linear.scatter [tilespmem:s25], [sflag:$0x1], $0x4000, $0x38;
	[tilespmem:$0x1C200] =	vst v63  }
0xa7: {  	_ =	swait.ge [sflag:s10], $0x4000  }
0xa8: {  	[sflag:s10] =	ssyncset.done $0x0  }
0xa9: {  	[sflag:s10] =	ssyncadd.s32 $0xFFFFC000  }
0xaa: {  	[tilespmem:s31], [sflag:$0x5] =	stream.linear.gather [spmem:s8], $0x4000, $0x38;
	[tilespmem:$0x1C200] =	vst v63  }
0xab: {  	_ =	swait.ge [sflag:s28], $0x4000  }
0xac: {  	[sflag:s28] =	ssyncset.done $0x0  }
0xad: {  	s14 =	rddreg [dreg:$0x7];
	[sflag:s28] =	ssyncadd.s32 $0xFFFFC000  }
0xae: {  	[hbm4b:s14+s3] =	stream.linear.scatter [tilespmem:s31], [sflag:$0x2], $0x4000, $0x38;
	[tilespmem:$0x1C200] =	vst v63  }
0xaf: {  	_ =	swait.ge [sflag:s1], $0x4000  }
0xb0: {  	[sflag:s1] =	ssyncset.done $0x0  }
0xb1: {  	[sflag:s1] =	ssyncadd.s32 $0xFFFFC000  }
0xb2: {  	[tilespmem:s25], [sflag:$0x5] =	stream.linear.gather [spmem:s9], $0x4000, $0x38;
	[tilespmem:$0x1C200] =	vst v63  }
0xb3: {  	_ =	swait.ge [sflag:s28], $0x4000  }
0xb4: {  	[sflag:s28] =	ssyncset.done $0x0  }
0xb5: {  	s15 =	rddreg [dreg:$0x8];
	[sflag:s28] =	ssyncadd.s32 $0xFFFFC000  }
0xb6: {  	[hbm4b:s15+s3] =	stream.linear.scatter [tilespmem:s25], [sflag:$0x1], $0x4000, $0x38;
	[tilespmem:$0x1C200] =	vst v63  }
0xb7: {  	_ =	swait.ge [sflag:s10], $0x4000  }
0xb8: {  	[sflag:s10] =	ssyncset.done $0x0  }
0xb9: {  	[sflag:s10] =	ssyncadd.s32 $0xFFFFC000  }
0xba: {  	_ =	swait.ge [sflag:s1], $0x4000  }
0xbb: {  	s12 =	sadd.s32 $0x1, s12;
	s16 =	rddreg [dreg:$0x9]  }
0xbc: {  	p0 =	sne.s32 s12, s16  }
.Ltmp2:
0xbd: {  	_ = 	snop;
	(pc) =	sbr.rel @p0 .LBB2_1-.Ltmp2, $3  }
0xbe: {  	_ =	sdelay $0x1  }
0xbf: {  	[sflag:s1] =	ssyncset.done $0x0  }
0xc0: {  	[sflag:s1] =	ssyncadd.s32 $0xFFFFC000  }
0xc1: {  	_ =	sfence.sel $0x180000  }
0xc2: {  	[bflag:$0x0] =	sbarrier.arrive $0xFFFF  }
0xc3: {  	_ =	strace $0x9000004A  }
0xc4: {  	s0 =	stileid.u32;
	[bflag:$0x2] =	sbarrier.arrive $0xFFFF  }
0xc5: {  	p0 =	sne.s32 s0, $0x0;
	s0 =	rddreg [dreg:$0x2]  }
0xc6: {  	s0 =	sadd.s32 @!p0 $0x100000, s0  }
0xc7: {  	[sflag:s0] =	ssyncadd.tile.s32 @!p0 $0x1;
	_ =	shalt  }
.Lfunc_end2:
_tile_overlayer_lowered:
.L_overlay_start_2:
0xc8: {  	(tag) =	ssettag $0x2  }
0xc9: {  	s0 =	rddreg [dreg:$0x0];
	s2 =	stileid.u32  }
0xca: {  	s1 =	rddreg [dreg:$0x1];
	p0 =	sne.s32 s2, $0x0  }
0xcb: {  	s3 =	rddreg [dreg:$0x2];
	[bflag:$0x3] =	sbarrier.arrive $0xFFFF;
	s2 =	simm.s32 @!p0 $0x1C05  }
0xcc: {  	[timem:s3], [sflag:s2] =	dma.local @!p0 [hbm:s0], s1  }
0xcd: {  	s0 =	simm.s32 @!p0 $0x5  }
0xce: {  	_ =	swait.ge @!p0 [sflag:s0], s1  }
0xcf: {  	s1 =	ssub.s32 @!p0 $0x0, s1;
	[sflag:s0] =	ssyncset.done @!p0 $0x0  }
0xd0: {  	[sflag:s0] =	ssyncadd.s32 @!p0 s1  }
0xd1: {  	[bflag:$0x3] =	sbarrier.arrive $0xFFFF  }
0xd2: {  	_ =	shalt  }

// kernel: kernel.15.cloned.1.call-start
scs
__scs_entry_jumppad:
0x0: {  	(pc) =	sbr.rel $0x88, $3  }
0x1: {  	(tag) =	ssettag $0x0;
	lr =	simm.s32 $0x1  }
0x2: {  	[smem:$0x3F95] =	sst lr;
	_ =	strace $0xD0000000  }
0x3: {  	_ = 	snop  }
0x4: {  	_ = 	snop  }
0x5: {  	_ = 	snop  }
0x6: {  	_ = 	snop  }
0x7: {  	_ = 	snop  }
__scs_overlays_trampoline_lowered:
0x8: {  	[smem:$0x3FA4] =	sst s0  }
0x9: {  	[smem:$0x3FA5] =	sst s1  }
0xa: {  	[smem:$0x3FA6] =	sst s2  }
0xb: {  	[smem:$0x3FA7] =	sst s3  }
0xc: {  	[smem:$0x3FA8] =	sst s4  }
0xd: {  	[smem:$0x3FA9] =	sst s5  }
0xe: {  	[smem:$0x3FAA] =	sst s6  }
0xf: {  	[smem:$0x3FAB] =	sst s7  }
0x10: {  	[smem:$0x3FAC] =	sst s8  }
0x11: {  	[smem:$0x3FAD] =	sst s9;
	s0 =	simm.s32 @!p0 $0x0  }
0x12: {  	s1 =	sld [smem:$0x3F93];
	s0 =	simm.s32 @p0 $0x1  }
0x13: {  	[smem:$0x3FAE] =	sst s0;
	s0 =	simm.s32 @!p1 $0x0  }
0x14: {  	s2 =	sld [smem:$0x3F92];
	s0 =	simm.s32 @p1 $0x1  }
0x15: {  	[smem:$0x3FAF] =	sst s0;
	s0 =	simm.s32 @!p2 $0x0  }
0x16: {  	s3 =	sld [smem:$0x3FDB];
	s0 =	simm.s32 @p2 $0x1  }
0x17: {  	s4 =	simm.s32 $0x1BF5;
	[smem:$0x3FB1] =	sst s0  }
0x18: {  	s0 =	sld [smem:$0x3F94];
	_ =	swait.ge [sflag:s4], $0x0  }
0x19: {  	s7 =	sld [smem:$0x3F95]  }
0x1a: {  	s8 =	sadd.s32 $0xFFFFE003, lr  }
0x1b: {  	s9 =	sadd.s32 $0xFFFFFEF7, lr;
	s5 =	simm.s32 $0xFFFFFFFF;
	p2 =	slt.u32 s8, $0xFFFFF086  }
0x1c: {  	p1 =	slt.u32 s9, $0xF7A;
	s5 =	simm.s32 @!p2 $0x0  }
0x1d: {  	s5 =	simm.s32 @p1 $0x1;
	p0 =	seq.s32 s7, s2  }
0x1e: {  	s7 =	smul.u32 @!p0 $0xF7A, s2;
	p2 =	seq.s32 @!p0 s5, $0x0  }
0x1f: {  	s9 =	smul.u32 $0xF7A, s1;
	s8 =	simm.s32 @!p0 $0x1BF5;
	p2 =	por !p2, p0  }
0x20: {  	[sflag:s8] =	ssyncset.s32 @!p0 $0xFFFFF086;
	s6 =	sadd.s32 @!p0 s3, s7;
	s7 =	simm.s32 @!p0 $0x108  }
0x21: {  	s3 =	sadd.s32 s3, s9;
	s6 =	sadd.s32 @!p0 $0x88, s6;
	s7 =	simm.s32 @p2 $0x1082  }
0x22: {  	[simem:s7], [sflag:s8] =	dma.local @!p0 [hbm:s6], $0xF7A  }
0x23: {  	s9 =	sor.u32 $0xD0000000, s2;
	s6 =	simm.s32 $0x108;
	_ =	swait.ge @!p0 [sflag:s8], $0x0  }
0x24: {  	s3 =	sadd.s32 $0x88, s3;
	s6 =	simm.s32 @!p1 $0x1082;
	[sflag:s4] =	ssyncset.s32 $0xFFFFF086  }
0x25: {  	[simem:s6], [sflag:s4] =	dma.local [hbm:s3], $0xF7A  }
0x26: {  	[smem:$0x3F95] =	sst s1;
	(tag) =	ssettag s2;
	_ =	strace s9  }
0x27: {  	s1 =	sld [smem:$0x3FA5]  }
0x28: {  	s2 =	sld [smem:$0x3FA6]  }
0x29: {  	s4 =	sld [smem:$0x3FA8]  }
0x2a: {  	p0 =	seq.s32 s5, $0x0;
	s5 =	sld [smem:$0x3FA9]  }
0x2b: {  	s6 =	sld [smem:$0x3FAA]  }
0x2c: {  	s7 =	sld [smem:$0x3FAB]  }
0x2d: {  	s3 =	simm.s32 $0x108;
	s8 =	sld [smem:$0x3FAC]  }
0x2e: {  	s3 =	simm.s32 @!p0 $0x1082;
	s9 =	sld [smem:$0x3FAD]  }
0x2f: {  	lr =	sadd.s32 s0, s3;
	s0 =	sld [smem:$0x3FA4]  }
0x30: {  	s3 =	sld [smem:$0x3FA7]  }
0x31: {  	[smem:$0x3FB0] =	sst s10  }
0x32: {  	s10 =	sld [smem:$0x3FAE];
	_ =	sdelay $0x3  }
0x33: {  	p0 =	seq.s32 s10, $0x1;
	s10 =	sld [smem:$0x3FB0];
	_ =	sdelay $0x3  }
0x34: {  	[smem:$0x3FB0] =	sst s10  }
0x35: {  	s10 =	sld [smem:$0x3FAF];
	_ =	sdelay $0x3  }
0x36: {  	p1 =	seq.s32 s10, $0x1;
	s10 =	sld [smem:$0x3FB0];
	_ =	sdelay $0x3  }
0x37: {  	[smem:$0x3FB0] =	sst s10  }
0x38: {  	s10 =	sld [smem:$0x3FB1]  }
0x39: {  	_ = 	snop;
	(pc) =	sbr.ind lr, $3  }
0x3a: {  	_ = 	snop  }
0x3b: {  	_ = 	snop  }
0x3c: {  	p2 =	seq.s32 s10, $0x1;
	s10 =	sld [smem:$0x3FB0]  }
0x3d: {  	_ =	shalt  }
0x3e: {  	_ =	shalt  }
0x3f: {  	_ =	shalt  }
0x40: {  	_ =	shalt  }
0x41: {  	_ =	shalt  }
0x42: {  	_ =	shalt  }
0x43: {  	_ =	shalt  }
0x44: {  	_ =	shalt  }
0x45: {  	_ =	shalt  }
0x46: {  	_ =	shalt  }
0x47: {  	_ =	shalt  }
0x48: {  	_ =	shalt  }
0x49: {  	_ =	shalt  }
0x4a: {  	_ =	shalt  }
0x4b: {  	_ =	shalt  }
0x4c: {  	_ =	shalt  }
0x4d: {  	_ =	shalt  }
0x4e: {  	_ =	shalt  }
0x4f: {  	_ =	shalt  }
0x50: {  	_ =	shalt  }
0x51: {  	_ =	shalt  }
0x52: {  	_ =	shalt  }
0x53: {  	_ =	shalt  }
0x54: {  	_ =	shalt  }
0x55: {  	_ =	shalt  }
0x56: {  	_ =	shalt  }
0x57: {  	_ =	shalt  }
0x58: {  	_ =	shalt  }
0x59: {  	_ =	shalt  }
0x5a: {  	_ =	shalt  }
0x5b: {  	_ =	shalt  }
0x5c: {  	_ =	shalt  }
0x5d: {  	_ =	shalt  }
0x5e: {  	_ =	shalt  }
0x5f: {  	_ =	shalt  }
0x60: {  	_ =	shalt  }
0x61: {  	_ =	shalt  }
0x62: {  	_ =	shalt  }
0x63: {  	_ =	shalt  }
0x64: {  	_ =	shalt  }
0x65: {  	_ =	shalt  }
0x66: {  	_ =	shalt  }
0x67: {  	_ =	shalt  }
0x68: {  	_ =	shalt  }
0x69: {  	_ =	shalt  }
0x6a: {  	_ =	shalt  }
0x6b: {  	_ =	shalt  }
0x6c: {  	_ =	shalt  }
0x6d: {  	_ =	shalt  }
0x6e: {  	_ =	shalt  }
0x6f: {  	_ =	shalt  }
0x70: {  	_ =	shalt  }
0x71: {  	_ =	shalt  }
0x72: {  	_ =	shalt  }
0x73: {  	_ =	shalt  }
0x74: {  	_ =	shalt  }
0x75: {  	_ =	shalt  }
0x76: {  	_ =	shalt  }
0x77: {  	_ =	shalt  }
0x78: {  	_ =	shalt  }
0x79: {  	_ =	shalt  }
0x7a: {  	_ =	shalt  }
0x7b: {  	_ =	shalt  }
0x7c: {  	_ =	shalt  }
0x7d: {  	_ =	shalt  }
0x7e: {  	_ =	shalt  }
0x7f: {  	_ =	shalt  }
0x80: {  	_ =	shalt  }
0x81: {  	_ =	shalt  }
0x82: {  	_ =	shalt  }
0x83: {  	_ =	shalt  }
0x84: {  	_ =	shalt  }
0x85: {  	_ =	shalt  }
0x86: {  	_ =	shalt  }
0x87: {  	_ =	shalt  }
.Lfunc_end0:
.L_simem_size_0:
called_computation.2_lowered:
.L_overlay_start_0:
0x88: {  	s2 =	sld [smem:$0x3FD9]  }
0x89: {  	s3 =	sld [smem:$0x3FFE];
	_ =	sdelay $0x1  }
0x8a: {  	s1 =	srdreg.scid  }
0x8b: {  	s0 =	sand.u32 $0x1, s1  }
0x8c: {  	s16 =	sshll.u32 s0, $0xA;
	s2 =	sadd.s32 s3, s2  }
0x8d: {  	s2 =	sadd.s32 s2, s16  }
0x8e: {  	[smem:$0x3FBC] =	sst s2  }
0x8f: {  	_ = 	snop  }
0x90: {  	(tm) =	ssettm $0x1  }
0x91: {  	s17 =	sld [smem:$0x3FFB];
	_ =	sdelay $0x3  }
0x92: {  	_ =	strace s17  }
0x93: {  	s2 =	sld [smem:$0x3FFC];
	_ =	sdelay $0x3  }
0x94: {  	_ =	strace s2  }
0x95: {  	s2 =	sld [smem:$0x3FFD];
	_ =	sdelay $0x3  }
0x96: {  	_ =	strace s2  }
0x97: {  	_ =	strace $0x8FFFFFFF  }
0x98: {  	s18 =	sld [smem:$0x3FDB];
	_ =	sdelay $0x1  }
0x99: {  	s19 =	simm.s32 $_scs_section_size  }
0x9a: {  	s4 =	simm.s32 $_size__tile_overlayer_lowered;
	s5 =	simm.s32 $_tile_overlayer_lowered  }
0x9b: {  	s22 =	simm.s32 $0x1BFF;
	s21 =	sshll.u32 s5, $0x1;
	s2 =	sadd.s32 s19, s18  }
0x9c: {  	s6 =	simm.s32 $0x0;
	s20 =	sshll.u32 s4, $0x1;
	s4 =	sadd.s32 s21, s2  }
0x9d: {  	[timem:s6], [sflag:s22] =	dma.local [hbm:s4], s20  }
0x9e: {  	_ =	swait.ge [sflag:s22], s20  }
0x9f: {  	s3 =	ssub.s32 $0x0, s20;
	[sflag:s22] =	ssyncset.done $0x0  }
0xa0: {  	[sflag:s22] =	ssyncadd.s32 s3;
	_ =	sdelay $0x1  }
0xa1: {  	s23 =	simm.s32 $0x1B8B  }
0xa2: {  	_ =	swait.ge [sflag:s23], $0x1  }
0xa3: {  	[sflag:s23] =	ssyncset.done $0x0  }
0xa4: {  	s25 =	simm.s32 $0x1B8E;
	s24 =	sld [smem:$0x3FFE];
	[sflag:s23] =	ssyncadd.s32 $0xFFFFFFFF  }
0xa5: {  	s26 =	simm.s32 $execute0_lowered;
	[smem:$0x3FD2] =	sst s25  }
0xa6: {  	s4 =	sshll.u32 s26, $0x1;
	_ =	strace $0x8000004C;
	[dreg:$0x1] =	wrdreg $0xFFFFFFFF  }
0xa7: {  	s28 =	simm.s32 $_size_execute0_lowered;
	s2 =	sadd.s32 s2, s4;
	[dreg:$0x0] =	wrdreg $0x0  }
0xa8: {  	s4 =	sshll.u32 s28, $0x1;
	[dreg:$0x2] =	wrdreg s2  }
0xa9: {  	[dreg:$0x3] =	wrdreg s4  }
0xaa: {  	[dreg:$0x4] =	wrdreg $0xC0  }
0xab: {  	_ =	task [dreg:s6], $0x5FFFF  }
0xac: {  	[dreg:$0x1] =	wrdreg $0xFFFFFFFF  }
0xad: {  	[dreg:$0x0] =	wrdreg $0x60  }
0xae: {  	[dreg:$0x2] =	wrdreg s24  }
0xaf: {  	[dreg:$0x3] =	wrdreg $0x82000  }
0xb0: {  	[dreg:$0x4] =	wrdreg $0x9  }
0xb1: {  	_ =	task.clear_ibuf [dreg:s6], $0x5FFFF;
	_ =	strace $0x9000004C  }
0xb2: {  	s29 =	simm.s32 $0x9;
	_ =	strace $0x8000004E  }
0xb3: {  	_ =	swait.ge [sflag:s29], $0x1  }
0xb4: {  	[sflag:s29] =	ssyncadd.s32 $0xFFFFFFFF  }
0xb5: {  	_ =	strace $0x9000004E  }
0xb6: {  	_ =	sfence  }
0xb7: {  	s30 =	sld [smem:$0x0];
	_ =	sdelay $0x2  }
0xb8: {  	s31 =	sshll.u32 s1, $0xD;
	s1 =	sshrl.u32 s1, $0x2  }
0xb9: {  	s3 =	sand.u32 $0x4000, s31;
	s1 =	sadd.s32 s1, s30  }
0xba: {  	s0 =	sor.u32 s3, s0;
	s1 =	sshll.u32 s1, $0x11  }
0xbb: {  	s0 =	sor.u32 s1, s0  }
0xbc: {  	s0 =	sadd.s32 $0x8F2B, s0  }
0xbd: {  	[sflag:s0] =	ssyncadd.remote.s32 $0x1  }
0xbe: {  	_ =	sfence.sel $0xFFFF  }
0xbf: {  	[dreg:$0x0] =	wrdreg $0xFFFFFFFF;
	(pc) =	sbr.abs _section_cstart, $3  }
0xc0: {  	[dreg:$0x1] =	wrdreg $0xFFFFFFFF  }
0xc1: {  	_ =	task.clear_ibuf [dreg:s6], $0x2FFFF;
	_ =	strace $0x9FFFFFFF  }
0xc2: {  	(tm) =	ssettm $0x7FFFFFFF  }
0xc3: {  	_ =	shalt  }
tec
execute0_lowered:
.L_overlay_start_1:
0x0: {  	(tag) =	ssettag $0x1  }
0x1: {  	s0 =	rddreg [dreg:$0x0]  }
0x2: {  	s2 =	rddreg [dreg:$0x1];
	s1 =	srdreg.scid  }
0x3: {  	s15 =	stileid.u32;
	s3 =	simm.s32 $0x0;
	s28 =	simm.s32 $0x5  }
0x4: {  	s29 =	simm.s32 $0x80;
	s30 =	simm.s32 $0x100;
	s31 =	simm.s32 $0x4200  }
0x5: {  	s1 =	sand.u32 $0x1, s1;
	s5 =	smul.u32 $0x280, s15;
	[smem:$0x7FF] =	sst s3  }
0x6: {  	s4 =	sadd.s32 $0x16E00, s0;
	s11 =	sadd.s32 $0xCE00, s0;
	s6 =	smul.u32 $0x50000, s15  }
0x7: {  	s12 =	sadd.s32 $0x2E00, s0;
	s20 =	sshll.u32 s15, $0x1;
	s19 =	smul.u32 $0x5000, s15  }
0x8: {  	s10 =	smul.u32 $0x2800, s1;
	_ =	strace $0x8000004D;
	s8 =	ssub.s32 $0x2, s1  }
0x9: {  	s1 =	sor.u32 s1, s20;
	s21 =	sshrl.u32 s6, $0x2;
	s22 =	sshrl.u32 s8, $0x1  }
0xa: {  	s1 =	smul.u32 $0x2800, s1;
	s5 =	sadd.s32 s5, s10;
	s13 =	ssub.s32 s8, s22  }
0xb: {  	s10 =	sadd.s32 s10, s19;
	s7 =	sshll.u32 s5, $0x4;
	s5 =	sadd.s32 s21, s2  }
0xc: {  	s14 =	sshrl.u32 s1, $0x3;
	s17 =	sor.u32 $0x80, s1;
	s1 =	sor.u32 $0x100, s1  }
0xd: {  	s15 =	smax.u32 s13, $0x1;
	s21 =	sor.u32 $0x200, s10;
	s0 =	sadd.s32 s7, s0  }
0xe: {  	s6 =	sadd.s32 $0x4000, s5;
	s7 =	sadd.s32 $0x8000, s5;
	s8 =	sadd.s32 $0xC000, s5  }
0xf: {  	s9 =	sadd.s32 $0x10000, s5;
	s16 =	sadd.s32 s11, s14;
	[dreg:$0x9] =	wrdreg s15  }
0x10: {  	s20 =	sshrl.u32 s1, $0x3;
	[dreg:$0x3] =	wrdreg s16;
	s23 =	sadd.s32 $0x3EE00, s0  }
0x11: {  	s22 =	sshrl.u32 s21, $0x3;
	s24 =	sadd.s32 $0x3F600, s0;
	[dreg:$0x4] =	wrdreg s23  }
0x12: {  	s1 =	simm.s32 $0x1;
	s25 =	sadd.s32 $0x3FE00, s0;
	[dreg:$0x5] =	wrdreg s24  }
0x13: {  	s26 =	sadd.s32 $0x40600, s0;
	s0 =	sadd.s32 $0x40E00, s0;
	[dreg:$0x6] =	wrdreg s25  }
0x14: {  	s16 =	sshrl.u32 s17, $0x3;
	s17 =	sadd.s32 s12, s14;
	[dreg:$0x7] =	wrdreg s26  }
0x15: {  	s20 =	sadd.s32 s11, s20;
	s21 =	sadd.s32 s22, s11;
	[dreg:$0x8] =	wrdreg s0  }
0x16: {  	s18 =	sadd.s32 s11, s16;
	s19 =	sadd.s32 s12, s16;
	s23 =	sor.u32 $0x180, s10  }
0x17: {  	s25 =	sor.u32 $0x100, s10;
	s0 =	simm.s32 $0x180;
	s10 =	simm.s32 $0x2  }
0x18: {  	s24 =	sshrl.u32 s23, $0x3;
	s26 =	sshrl.u32 s25, $0x3;
	s25 =	simm.s32 $0x200  }
0x19: {  	s22 =	sadd.s32 s24, s11;
	s23 =	sadd.s32 s24, s12;
	s24 =	sadd.s32 s26, s12  }
0x1a: {  	v0 =	vimm.f32 $0.0e+00;
	s26 =	simm.s32 $0x3;
	s11 =	simm.s32 $0x4;
	s12 =	simm.s32 $0x0  }
.LBB2_1:
0x1b: {  	s13 =	simm.s32 $0x0;
	s14 =	simm.s32 $0x200  }
.LBB2_2:
0x1c: {  	p0 =	sne.s32 s14, $0xFE00;
	[tilespmem:s13+$0x270] =	vst v0  }
0x1d: {  	[tilespmem:s13+$0x200] =	vst v0  }
0x1e: {  	[tilespmem:s13+$0x210] =	vst v0  }
.Ltmp0:
0x1f: {  	[tilespmem:s13+$0x220] =	vst v0;
	(pc) =	sbr.rel @p0 .LBB2_2-.Ltmp0, $4  }
0x20: {  	[tilespmem:s13+$0x230] =	vst v0  }
0x21: {  	[tilespmem:s13+$0x240] =	vst v0  }
0x22: {  	[tilespmem:s13+$0x250] =	vst v0  }
0x23: {  	[tilespmem:s13+$0x260] =	vst v0;
	s13 =	sshra.s32 s14, $0x2;
	s14 =	sadd.s32 $0x200, s14  }
0x24: {  	[tilespmem:s13+$0x270] =	vst v0  }
0x25: {  	[tilespmem:s13+$0x200] =	vst v0  }
0x26: {  	[tilespmem:s13+$0x210] =	vst v0  }
0x27: {  	[tilespmem:s13+$0x220] =	vst v0  }
0x28: {  	[tilespmem:s13+$0x230] =	vst v0  }
0x29: {  	[tilespmem:s13+$0x240] =	vst v0  }
0x2a: {  	[tilespmem:s13+$0x250] =	vst v0  }
0x2b: {  	[tilespmem:s13+$0x260] =	vst v0  }
0x2c: {  	[spmem:s5] =	stream.linear.scatter [tilespmem:s25], [sflag:$0x3], $0x4000, $0x38;
	[tilespmem:$0x1C200] =	vst v63  }
0x2d: {  	_ = 	snop  }
0x2e: {  	[spmem:s6] =	stream.linear.scatter [tilespmem:s25], [sflag:$0x3], $0x4000, $0x38;
	[tilespmem:$0x1C200] =	vst v63  }
0x2f: {  	_ = 	snop  }
0x30: {  	[spmem:s7] =	stream.linear.scatter [tilespmem:s25], [sflag:$0x3], $0x4000, $0x38;
	[tilespmem:$0x1C200] =	vst v63  }
0x31: {  	_ = 	snop  }
0x32: {  	[spmem:s8] =	stream.linear.scatter [tilespmem:s25], [sflag:$0x3], $0x4000, $0x38;
	[tilespmem:$0x1C200] =	vst v63  }
0x33: {  	_ = 	snop  }
0x34: {  	[spmem:s9] =	stream.linear.scatter [tilespmem:s25], [sflag:$0x3], $0x4000, $0x38;
	[tilespmem:$0x1C200] =	vst v63  }
0x35: {  	_ =	swait.ge [sflag:s26], $0x4000  }
0x36: {  	[sflag:s26] =	ssyncset.done $0x0  }
0x37: {  	[sflag:s26] =	ssyncadd.s32 $0xFFFFC000  }
0x38: {  	_ =	swait.ge [sflag:s26], $0x4000  }
0x39: {  	[sflag:s26] =	ssyncset.done $0x0  }
0x3a: {  	[sflag:s26] =	ssyncadd.s32 $0xFFFFC000  }
0x3b: {  	_ =	swait.ge [sflag:s26], $0x4000  }
0x3c: {  	[sflag:s26] =	ssyncset.done $0x0  }
0x3d: {  	[sflag:s26] =	ssyncadd.s32 $0xFFFFC000  }
0x3e: {  	_ =	swait.ge [sflag:s26], $0x4000  }
0x3f: {  	[sflag:s26] =	ssyncset.done $0x0  }
0x40: {  	[sflag:s26] =	ssyncadd.s32 $0xFFFFC000  }
0x41: {  	_ =	swait.ge [sflag:s26], $0x4000  }
0x42: {  	[sflag:s26] =	ssyncset.done $0x0  }
0x43: {  	[sflag:s26] =	ssyncadd.s32 $0xFFFFC000  }
0x44: {  	[bflag:$0x0] =	sbarrier.arrive $0xFFFF  }
0x45: {  	s13 =	simm.s32 $0x0;
	s14 =	rddreg [dreg:$0x3]  }
0x46: {  	[tilespmem:s13], [sflag:$0x5] =	stream.linear.gather [hbm4b:s14+s13], $0x80, $0x38;
	[tilespmem:$0x1C200] =	vst v63  }
0x47: {  	_ =	swait.ge [sflag:s28], $0x80  }
0x48: {  	[sflag:s28] =	ssyncset.done $0x0  }
0x49: {  	[sflag:s28] =	ssyncadd.s32 $0xFFFFFF80  }
0x4a: {  	[tilespmem:s25], [sflag:$0x1] =	stream.indirect.gather [hbm4b:s4+s29], $0x80, s13, s29, $0xb8;
	[tilespmem:$0x1C200] =	vst v63  }
0x4b: {  	_ = 	snop  }
0x4c: {  	[tilespmem:s30], [sflag:$0x5] =	stream.linear.gather [hbm4b:s17+s13], $0x80, $0x38;
	[tilespmem:$0x1C200] =	vst v63  }
0x4d: {  	_ =	swait.ge [sflag:s28], $0x80  }
0x4e: {  	[sflag:s28] =	ssyncset.done $0x0  }
0x4f: {  	[sflag:s28] =	ssyncadd.s32 $0xFFFFFF80  }
0x50: {  	[tilespmem:s29], [sflag:$0x5] =	stream.linear.gather [hbm4b:s18+s13], $0x80, $0x38;
	[tilespmem:$0x1C200] =	vst v63  }
0x51: {  	_ =	swait.ge [sflag:s28], $0x80  }
0x52: {  	[sflag:s28] =	ssyncset.done $0x0  }
0x53: {  	[sflag:s28] =	ssyncadd.s32 $0xFFFFFF80  }
0x54: {  	[tilespmem:s31], [sflag:$0x2] =	stream.indirect.gather [hbm4b:s4+s29], $0x80, s29, s29, $0xb8;
	[tilespmem:$0x1C200] =	vst v63  }
0x55: {  	_ = 	snop  }
0x56: {  	[tilespmem:s0], [sflag:$0x5] =	stream.linear.gather [hbm4b:s19+s13], $0x80, $0x38;
	[tilespmem:$0x1C200] =	vst v63  }
0x57: {  	_ =	swait.ge [sflag:s28], $0x80  }
0x58: {  	[sflag:s28] =	ssyncset.done $0x0  }
0x59: {  	[sflag:s28] =	ssyncadd.s32 $0xFFFFFF80  }
0x5a: {  	_ =	swait.ge [sflag:s1], $0x4000  }
0x5b: {  	[sflag:s1] =	ssyncset.done $0x0  }
0x5c: {  	[sflag:s1] =	ssyncadd.s32 $0xFFFFC000  }
0x5d: {  	[spmem:s2] =	stream.indirect.scatter.add.f32 [tilespmem:s25], [sflag:$0x3], $0x80, s30, s29, $0xb8;
	[tilespmem:$0x1C200] =	vst v63  }
0x5e: {  	_ =	swait.ge [sflag:s10], $0x4000  }
0x5f: {  	[sflag:s10] =	ssyncset.done $0x0  }
0x60: {  	[sflag:s10] =	ssyncadd.s32 $0xFFFFC000  }
0x61: {  	[spmem:s2] =	stream.indirect.scatter.add.f32 [tilespmem:s31], [sflag:$0x4], $0x80, s0, s29, $0xb8;
	[tilespmem:$0x1C200] =	vst v63  }
0x62: {  	_ =	swait.ge [sflag:s26], $0x4000  }
0x63: {  	[sflag:s26] =	ssyncset.done $0x0  }
0x64: {  	[sflag:s26] =	ssyncadd.s32 $0xFFFFC000  }
0x65: {  	[tilespmem:s13], [sflag:$0x5] =	stream.linear.gather [hbm4b:s20+s13], $0x80, $0x38;
	[tilespmem:$0x1C200] =	vst v63  }
0x66: {  	_ =	swait.ge [sflag:s28], $0x80  }
0x67: {  	[sflag:s28] =	ssyncset.done $0x0  }
0x68: {  	[sflag:s28] =	ssyncadd.s32 $0xFFFFFF80  }
0x69: {  	[tilespmem:s25], [sflag:$0x1] =	stream.indirect.gather [hbm4b:s4+s29], $0x80, s13, s29, $0xb8;
	[tilespmem:$0x1C200] =	vst v63  }
.LBB2_4:
0x6a: {  	s14 =	sadd.s32 s13, s24  }
0x6b: {  	[tilespmem:s30], [sflag:$0x5] =	stream.linear.gather [hbm4b:s14+s3], $0x80, $0x38;
	[tilespmem:$0x1C200] =	vst v63  }
0x6c: {  	_ =	swait.ge [sflag:s28], $0x80  }
0x6d: {  	[sflag:s28] =	ssyncset.done $0x0  }
0x6e: {  	s15 =	sadd.s32 s13, s22;
	[sflag:s28] =	ssyncadd.s32 $0xFFFFFF80  }
0x6f: {  	[tilespmem:s29], [sflag:$0x5] =	stream.linear.gather [hbm4b:s15+s3], $0x80, $0x38;
	[tilespmem:$0x1C200] =	vst v63  }
0x70: {  	_ =	swait.ge [sflag:s28], $0x80  }
0x71: {  	[sflag:s28] =	ssyncset.done $0x0  }
0x72: {  	[sflag:s28] =	ssyncadd.s32 $0xFFFFFF80  }
0x73: {  	_ =	swait.ge [sflag:s11], $0x4000  }
0x74: {  	[sflag:s11] =	ssyncset.done $0x0  }
0x75: {  	[sflag:s11] =	ssyncadd.s32 $0xFFFFC000  }
0x76: {  	[tilespmem:s31], [sflag:$0x2] =	stream.indirect.gather [hbm4b:s4+s29], $0x80, s29, s29, $0xb8;
	[tilespmem:$0x1C200] =	vst v63  }
0x77: {  	s16 =	sadd.s32 s13, s23  }
0x78: {  	[tilespmem:s0], [sflag:$0x5] =	stream.linear.gather [hbm4b:s16+s3], $0x80, $0x38;
	[tilespmem:$0x1C200] =	vst v63  }
0x79: {  	_ =	swait.ge [sflag:s28], $0x80  }
0x7a: {  	[sflag:s28] =	ssyncset.done $0x0  }
0x7b: {  	[sflag:s28] =	ssyncadd.s32 $0xFFFFFF80  }
0x7c: {  	_ =	swait.ge [sflag:s1], $0x4000  }
0x7d: {  	[sflag:s1] =	ssyncset.done $0x0  }
0x7e: {  	[sflag:s1] =	ssyncadd.s32 $0xFFFFC000  }
0x7f: {  	[spmem:s2] =	stream.indirect.scatter.add.f32 [tilespmem:s25], [sflag:$0x3], $0x80, s30, s29, $0xb8;
	[tilespmem:$0x1C200] =	vst v63  }
0x80: {  	_ =	swait.ge [sflag:s10], $0x4000  }
0x81: {  	[sflag:s10] =	ssyncset.done $0x0  }
0x82: {  	[sflag:s10] =	ssyncadd.s32 $0xFFFFC000  }
0x83: {  	[spmem:s2] =	stream.indirect.scatter.add.f32 [tilespmem:s31], [sflag:$0x4], $0x80, s0, s29, $0xb8;
	[tilespmem:$0x1C200] =	vst v63  }
0x84: {  	_ =	swait.ge [sflag:s26], $0x4000  }
0x85: {  	p0 =	seq.s32 s13, $0x4C0;
	[sflag:s26] =	ssyncset.done $0x0  }
0x86: {  	s14 =	sadd.s32 @!p0 s13, s21;
	s15 =	simm.s32 @!p0 $0x0;
	[sflag:s26] =	ssyncadd.s32 $0xFFFFC000  }
0x87: {  	[tilespmem:s15], [sflag:$0x5] =	stream.linear.gather @!p0 [hbm4b:s14+s15], $0x80, $0x38;
	[tilespmem:$0x1C200] =	vst v63  }
0x88: {  	s14 =	simm.s32 @!p0 $0x5  }
0x89: {  	s13 =	sadd.s32 @!p0 $0x20, s13;
	_ =	swait.ge @!p0 [sflag:s14], $0x80  }
0x8a: {  	p1 =	sne.s32 @!p0 s13, $0x4E0;
	[sflag:s14] =	ssyncset.done @!p0 $0x0  }
0x8b: {  	s16 =	simm.s32 @!p0 $0x200;
	[sflag:s14] =	ssyncadd.s32 @!p0 $0xFFFFFF80;
	s14 =	simm.s32 @!p0 $0x80  }
0x8c: {  	[tilespmem:s16], [sflag:$0x1] =	stream.indirect.gather @!p0 [hbm4b:s4+s14], $0x80, s15, s14, $0xb8;
	[tilespmem:$0x1C200] =	vst v63  }
0x8d: {  	p0 =	por p0, !p1  }
.Ltmp1:
0x8e: {  	_ = 	snop;
	(pc) =	sbr.rel @!p0 .LBB2_4-.Ltmp1, $1  }
0x8f: {  	_ =	sdelay $0x3  }
0x90: {  	_ =	swait.ge [sflag:s11], $0x4000  }
0x91: {  	[sflag:s11] =	ssyncset.done $0x0  }
0x92: {  	[sflag:s11] =	ssyncadd.s32 $0xFFFFC000  }
0x93: {  	[bflag:$0x0] =	sbarrier.arrive $0xFFFF  }
0x94: {  	[tilespmem:s25], [sflag:$0x5] =	stream.linear.gather [spmem:s5], $0x4000, $0x38;
	[tilespmem:$0x1C200] =	vst v63  }
0x95: {  	_ =	swait.ge [sflag:s28], $0x4000  }
0x96: {  	[sflag:s28] =	ssyncset.done $0x0  }
0x97: {  	s13 =	rddreg [dreg:$0x4];
	[sflag:s28] =	ssyncadd.s32 $0xFFFFC000  }
0x98: {  	[hbm4b:s13+s3] =	stream.linear.scatter [tilespmem:s25], [sflag:$0x1], $0x4000, $0x38;
	[tilespmem:$0x1C200] =	vst v63  }
0x99: {  	_ = 	snop  }
0x9a: {  	[tilespmem:s31], [sflag:$0x5] =	stream.linear.gather [spmem:s6], $0x4000, $0x38;
	[tilespmem:$0x1C200] =	vst v63  }
0x9b: {  	_ =	swait.ge [sflag:s28], $0x4000  }
0x9c: {  	[sflag:s28] =	ssyncset.done $0x0  }
0x9d: {  	s15 =	rddreg [dreg:$0x5];
	[sflag:s28] =	ssyncadd.s32 $0xFFFFC000  }
0x9e: {  	[hbm4b:s15+s3] =	stream.linear.scatter [tilespmem:s31], [sflag:$0x2], $0x4000, $0x38;
	[tilespmem:$0x1C200] =	vst v63  }
0x9f: {  	_ =	swait.ge [sflag:s1], $0x4000  }
0xa0: {  	[sflag:s1] =	ssyncset.done $0x0  }
0xa1: {  	[sflag:s1] =	ssyncadd.s32 $0xFFFFC000  }
0xa2: {  	[tilespmem:s25], [sflag:$0x5] =	stream.linear.gather [spmem:s7], $0x4000, $0x38;
	[tilespmem:$0x1C200] =	vst v63  }
0xa3: {  	_ =	swait.ge [sflag:s28], $0x4000  }
0xa4: {  	[sflag:s28] =	ssyncset.done $0x0  }
0xa5: {  	s16 =	rddreg [dreg:$0x6];
	[sflag:s28] =	ssyncadd.s32 $0xFFFFC000  }
0xa6: {  	[hbm4b:s16+s3] =	stream.linear.scatter [tilespmem:s25], [sflag:$0x1], $0x4000, $0x38;
	[tilespmem:$0x1C200] =	vst v63  }
0xa7: {  	_ =	swait.ge [sflag:s10], $0x4000  }
0xa8: {  	[sflag:s10] =	ssyncset.done $0x0  }
0xa9: {  	[sflag:s10] =	ssyncadd.s32 $0xFFFFC000  }
0xaa: {  	[tilespmem:s31], [sflag:$0x5] =	stream.linear.gather [spmem:s8], $0x4000, $0x38;
	[tilespmem:$0x1C200] =	vst v63  }
0xab: {  	_ =	swait.ge [sflag:s28], $0x4000  }
0xac: {  	[sflag:s28] =	ssyncset.done $0x0  }
0xad: {  	s14 =	rddreg [dreg:$0x7];
	[sflag:s28] =	ssyncadd.s32 $0xFFFFC000  }
0xae: {  	[hbm4b:s14+s3] =	stream.linear.scatter [tilespmem:s31], [sflag:$0x2], $0x4000, $0x38;
	[tilespmem:$0x1C200] =	vst v63  }
0xaf: {  	_ =	swait.ge [sflag:s1], $0x4000  }
0xb0: {  	[sflag:s1] =	ssyncset.done $0x0  }
0xb1: {  	[sflag:s1] =	ssyncadd.s32 $0xFFFFC000  }
0xb2: {  	[tilespmem:s25], [sflag:$0x5] =	stream.linear.gather [spmem:s9], $0x4000, $0x38;
	[tilespmem:$0x1C200] =	vst v63  }
0xb3: {  	_ =	swait.ge [sflag:s28], $0x4000  }
0xb4: {  	[sflag:s28] =	ssyncset.done $0x0  }
0xb5: {  	s15 =	rddreg [dreg:$0x8];
	[sflag:s28] =	ssyncadd.s32 $0xFFFFC000  }
0xb6: {  	[hbm4b:s15+s3] =	stream.linear.scatter [tilespmem:s25], [sflag:$0x1], $0x4000, $0x38;
	[tilespmem:$0x1C200] =	vst v63  }
0xb7: {  	_ =	swait.ge [sflag:s10], $0x4000  }
0xb8: {  	[sflag:s10] =	ssyncset.done $0x0  }
0xb9: {  	[sflag:s10] =	ssyncadd.s32 $0xFFFFC000  }
0xba: {  	_ =	swait.ge [sflag:s1], $0x4000  }
0xbb: {  	s12 =	sadd.s32 $0x1, s12;
	s16 =	rddreg [dreg:$0x9]  }
0xbc: {  	p0 =	sne.s32 s12, s16  }
.Ltmp2:
0xbd: {  	_ = 	snop;
	(pc) =	sbr.rel @p0 .LBB2_1-.Ltmp2, $3  }
0xbe: {  	_ =	sdelay $0x1  }
0xbf: {  	[sflag:s1] =	ssyncset.done $0x0  }
0xc0: {  	[sflag:s1] =	ssyncadd.s32 $0xFFFFC000  }
0xc1: {  	_ =	sfence.sel $0x180000  }
0xc2: {  	[bflag:$0x0] =	sbarrier.arrive $0xFFFF  }
0xc3: {  	_ =	strace $0x9000004D  }
0xc4: {  	s0 =	stileid.u32;
	[bflag:$0x2] =	sbarrier.arrive $0xFFFF  }
0xc5: {  	p0 =	sne.s32 s0, $0x0;
	s0 =	rddreg [dreg:$0x2]  }
0xc6: {  	s0 =	sadd.s32 @!p0 $0x100000, s0  }
0xc7: {  	[sflag:s0] =	ssyncadd.tile.s32 @!p0 $0x1;
	_ =	shalt  }
.Lfunc_end2:
_tile_overlayer_lowered:
.L_overlay_start_2:
0xc8: {  	(tag) =	ssettag $0x2  }
0xc9: {  	s0 =	rddreg [dreg:$0x0];
	s2 =	stileid.u32  }
0xca: {  	s1 =	rddreg [dreg:$0x1];
	p0 =	sne.s32 s2, $0x0  }
0xcb: {  	s3 =	rddreg [dreg:$0x2];
	[bflag:$0x3] =	sbarrier.arrive $0xFFFF;
	s2 =	simm.s32 @!p0 $0x1C05  }
0xcc: {  	[timem:s3], [sflag:s2] =	dma.local @!p0 [hbm:s0], s1  }
0xcd: {  	s0 =	simm.s32 @!p0 $0x5  }
0xce: {  	_ =	swait.ge @!p0 [sflag:s0], s1  }
0xcf: {  	s1 =	ssub.s32 @!p0 $0x0, s1;
	[sflag:s0] =	ssyncset.done @!p0 $0x0  }
0xd0: {  	[sflag:s0] =	ssyncadd.s32 @!p0 s1  }
0xd1: {  	[bflag:$0x3] =	sbarrier.arrive $0xFFFF  }
0xd2: {  	_ =	shalt  }

// kernel: kernel.18.cloned.1.call-start
scs
__scs_entry_jumppad:
0x0: {  	(pc) =	sbr.rel $0x88, $3  }
0x1: {  	(tag) =	ssettag $0x0;
	lr =	simm.s32 $0x1  }
0x2: {  	[smem:$0x3F95] =	sst lr;
	_ =	strace $0xD0000000  }
0x3: {  	_ = 	snop  }
0x4: {  	_ = 	snop  }
0x5: {  	_ = 	snop  }
0x6: {  	_ = 	snop  }
0x7: {  	_ = 	snop  }
__scs_overlays_trampoline_lowered:
0x8: {  	[smem:$0x3FA4] =	sst s0  }
0x9: {  	[smem:$0x3FA5] =	sst s1  }
0xa: {  	[smem:$0x3FA6] =	sst s2  }
0xb: {  	[smem:$0x3FA7] =	sst s3  }
0xc: {  	[smem:$0x3FA8] =	sst s4  }
0xd: {  	[smem:$0x3FA9] =	sst s5  }
0xe: {  	[smem:$0x3FAA] =	sst s6  }
0xf: {  	[smem:$0x3FAB] =	sst s7  }
0x10: {  	[smem:$0x3FAC] =	sst s8  }
0x11: {  	[smem:$0x3FAD] =	sst s9;
	s0 =	simm.s32 @!p0 $0x0  }
0x12: {  	s1 =	sld [smem:$0x3F93];
	s0 =	simm.s32 @p0 $0x1  }
0x13: {  	[smem:$0x3FAE] =	sst s0;
	s0 =	simm.s32 @!p1 $0x0  }
0x14: {  	s2 =	sld [smem:$0x3F92];
	s0 =	simm.s32 @p1 $0x1  }
0x15: {  	[smem:$0x3FAF] =	sst s0;
	s0 =	simm.s32 @!p2 $0x0  }
0x16: {  	s3 =	sld [smem:$0x3FDB];
	s0 =	simm.s32 @p2 $0x1  }
0x17: {  	s4 =	simm.s32 $0x1BF5;
	[smem:$0x3FB1] =	sst s0  }
0x18: {  	s0 =	sld [smem:$0x3F94];
	_ =	swait.ge [sflag:s4], $0x0  }
0x19: {  	s7 =	sld [smem:$0x3F95]  }
0x1a: {  	s8 =	sadd.s32 $0xFFFFE003, lr  }
0x1b: {  	s9 =	sadd.s32 $0xFFFFFEF7, lr;
	s5 =	simm.s32 $0xFFFFFFFF;
	p2 =	slt.u32 s8, $0xFFFFF086  }
0x1c: {  	p1 =	slt.u32 s9, $0xF7A;
	s5 =	simm.s32 @!p2 $0x0  }
0x1d: {  	s5 =	simm.s32 @p1 $0x1;
	p0 =	seq.s32 s7, s2  }
0x1e: {  	s7 =	smul.u32 @!p0 $0xF7A, s2;
	p2 =	seq.s32 @!p0 s5, $0x0  }
0x1f: {  	s9 =	smul.u32 $0xF7A, s1;
	s8 =	simm.s32 @!p0 $0x1BF5;
	p2 =	por !p2, p0  }
0x20: {  	[sflag:s8] =	ssyncset.s32 @!p0 $0xFFFFF086;
	s6 =	sadd.s32 @!p0 s3, s7;
	s7 =	simm.s32 @!p0 $0x108  }
0x21: {  	s3 =	sadd.s32 s3, s9;
	s6 =	sadd.s32 @!p0 $0x88, s6;
	s7 =	simm.s32 @p2 $0x1082  }
0x22: {  	[simem:s7], [sflag:s8] =	dma.local @!p0 [hbm:s6], $0xF7A  }
0x23: {  	s9 =	sor.u32 $0xD0000000, s2;
	s6 =	simm.s32 $0x108;
	_ =	swait.ge @!p0 [sflag:s8], $0x0  }
0x24: {  	s3 =	sadd.s32 $0x88, s3;
	s6 =	simm.s32 @!p1 $0x1082;
	[sflag:s4] =	ssyncset.s32 $0xFFFFF086  }
0x25: {  	[simem:s6], [sflag:s4] =	dma.local [hbm:s3], $0xF7A  }
0x26: {  	[smem:$0x3F95] =	sst s1;
	(tag) =	ssettag s2;
	_ =	strace s9  }
0x27: {  	s1 =	sld [smem:$0x3FA5]  }
0x28: {  	s2 =	sld [smem:$0x3FA6]  }
0x29: {  	s4 =	sld [smem:$0x3FA8]  }
0x2a: {  	p0 =	seq.s32 s5, $0x0;
	s5 =	sld [smem:$0x3FA9]  }
0x2b: {  	s6 =	sld [smem:$0x3FAA]  }
0x2c: {  	s7 =	sld [smem:$0x3FAB]  }
0x2d: {  	s3 =	simm.s32 $0x108;
	s8 =	sld [smem:$0x3FAC]  }
0x2e: {  	s3 =	simm.s32 @!p0 $0x1082;
	s9 =	sld [smem:$0x3FAD]  }
0x2f: {  	lr =	sadd.s32 s0, s3;
	s0 =	sld [smem:$0x3FA4]  }
0x30: {  	s3 =	sld [smem:$0x3FA7]  }
0x31: {  	[smem:$0x3FB0] =	sst s10  }
0x32: {  	s10 =	sld [smem:$0x3FAE];
	_ =	sdelay $0x3  }
0x33: {  	p0 =	seq.s32 s10, $0x1;
	s10 =	sld [smem:$0x3FB0];
	_ =	sdelay $0x3  }
0x34: {  	[smem:$0x3FB0] =	sst s10  }
0x35: {  	s10 =	sld [smem:$0x3FAF];
	_ =	sdelay $0x3  }
0x36: {  	p1 =	seq.s32 s10, $0x1;
	s10 =	sld [smem:$0x3FB0];
	_ =	sdelay $0x3  }
0x37: {  	[smem:$0x3FB0] =	sst s10  }
0x38: {  	s10 =	sld [smem:$0x3FB1]  }
0x39: {  	_ = 	snop;
	(pc) =	sbr.ind lr, $3  }
0x3a: {  	_ = 	snop  }
0x3b: {  	_ = 	snop  }
0x3c: {  	p2 =	seq.s32 s10, $0x1;
	s10 =	sld [smem:$0x3FB0]  }
0x3d: {  	_ =	shalt  }
0x3e: {  	_ =	shalt  }
0x3f: {  	_ =	shalt  }
0x40: {  	_ =	shalt  }
0x41: {  	_ =	shalt  }
0x42: {  	_ =	shalt  }
0x43: {  	_ =	shalt  }
0x44: {  	_ =	shalt  }
0x45: {  	_ =	shalt  }
0x46: {  	_ =	shalt  }
0x47: {  	_ =	shalt  }
0x48: {  	_ =	shalt  }
0x49: {  	_ =	shalt  }
0x4a: {  	_ =	shalt  }
0x4b: {  	_ =	shalt  }
0x4c: {  	_ =	shalt  }
0x4d: {  	_ =	shalt  }
0x4e: {  	_ =	shalt  }
0x4f: {  	_ =	shalt  }
0x50: {  	_ =	shalt  }
0x51: {  	_ =	shalt  }
0x52: {  	_ =	shalt  }
0x53: {  	_ =	shalt  }
0x54: {  	_ =	shalt  }
0x55: {  	_ =	shalt  }
0x56: {  	_ =	shalt  }
0x57: {  	_ =	shalt  }
0x58: {  	_ =	shalt  }
0x59: {  	_ =	shalt  }
0x5a: {  	_ =	shalt  }
0x5b: {  	_ =	shalt  }
0x5c: {  	_ =	shalt  }
0x5d: {  	_ =	shalt  }
0x5e: {  	_ =	shalt  }
0x5f: {  	_ =	shalt  }
0x60: {  	_ =	shalt  }
0x61: {  	_ =	shalt  }
0x62: {  	_ =	shalt  }
0x63: {  	_ =	shalt  }
0x64: {  	_ =	shalt  }
0x65: {  	_ =	shalt  }
0x66: {  	_ =	shalt  }
0x67: {  	_ =	shalt  }
0x68: {  	_ =	shalt  }
0x69: {  	_ =	shalt  }
0x6a: {  	_ =	shalt  }
0x6b: {  	_ =	shalt  }
0x6c: {  	_ =	shalt  }
0x6d: {  	_ =	shalt  }
0x6e: {  	_ =	shalt  }
0x6f: {  	_ =	shalt  }
0x70: {  	_ =	shalt  }
0x71: {  	_ =	shalt  }
0x72: {  	_ =	shalt  }
0x73: {  	_ =	shalt  }
0x74: {  	_ =	shalt  }
0x75: {  	_ =	shalt  }
0x76: {  	_ =	shalt  }
0x77: {  	_ =	shalt  }
0x78: {  	_ =	shalt  }
0x79: {  	_ =	shalt  }
0x7a: {  	_ =	shalt  }
0x7b: {  	_ =	shalt  }
0x7c: {  	_ =	shalt  }
0x7d: {  	_ =	shalt  }
0x7e: {  	_ =	shalt  }
0x7f: {  	_ =	shalt  }
0x80: {  	_ =	shalt  }
0x81: {  	_ =	shalt  }
0x82: {  	_ =	shalt  }
0x83: {  	_ =	shalt  }
0x84: {  	_ =	shalt  }
0x85: {  	_ =	shalt  }
0x86: {  	_ =	shalt  }
0x87: {  	_ =	shalt  }
.Lfunc_end0:
.L_simem_size_0:
called_computation.3_lowered:
.L_overlay_start_0:
0x88: {  	s2 =	sld [smem:$0x3FD9]  }
0x89: {  	s3 =	sld [smem:$0x3FFE];
	_ =	sdelay $0x1  }
0x8a: {  	s1 =	srdreg.scid  }
0x8b: {  	s0 =	sand.u32 $0x1, s1  }
0x8c: {  	s16 =	sshll.u32 s0, $0xA;
	s2 =	sadd.s32 s3, s2  }
0x8d: {  	s2 =	sadd.s32 s2, s16  }
0x8e: {  	[smem:$0x3FBC] =	sst s2  }
0x8f: {  	_ = 	snop  }
0x90: {  	(tm) =	ssettm $0x1  }
0x91: {  	s17 =	sld [smem:$0x3FFB];
	_ =	sdelay $0x3  }
0x92: {  	_ =	strace s17  }
0x93: {  	s2 =	sld [smem:$0x3FFC];
	_ =	sdelay $0x3  }
0x94: {  	_ =	strace s2  }
0x95: {  	s2 =	sld [smem:$0x3FFD];
	_ =	sdelay $0x3  }
0x96: {  	_ =	strace s2  }
0x97: {  	_ =	strace $0x8FFFFFFF  }
0x98: {  	s18 =	sld [smem:$0x3FDB];
	_ =	sdelay $0x1  }
0x99: {  	s19 =	simm.s32 $_scs_section_size  }
0x9a: {  	s4 =	simm.s32 $_size__tile_overlayer_lowered;
	s5 =	simm.s32 $_tile_overlayer_lowered  }
0x9b: {  	s22 =	simm.s32 $0x1BFF;
	s21 =	sshll.u32 s5, $0x1;
	s2 =	sadd.s32 s19, s18  }
0x9c: {  	s6 =	simm.s32 $0x0;
	s20 =	sshll.u32 s4, $0x1;
	s4 =	sadd.s32 s21, s2  }
0x9d: {  	[timem:s6], [sflag:s22] =	dma.local [hbm:s4], s20  }
0x9e: {  	_ =	swait.ge [sflag:s22], s20  }
0x9f: {  	s3 =	ssub.s32 $0x0, s20;
	[sflag:s22] =	ssyncset.done $0x0  }
0xa0: {  	[sflag:s22] =	ssyncadd.s32 s3;
	_ =	sdelay $0x1  }
0xa1: {  	s23 =	simm.s32 $0x1B8B  }
0xa2: {  	_ =	swait.ge [sflag:s23], $0x1  }
0xa3: {  	[sflag:s23] =	ssyncset.done $0x0  }
0xa4: {  	s25 =	simm.s32 $0x1B8E;
	s24 =	sld [smem:$0x3FFE];
	[sflag:s23] =	ssyncadd.s32 $0xFFFFFFFF  }
0xa5: {  	s26 =	simm.s32 $execute0_lowered;
	[smem:$0x3FD2] =	sst s25  }
0xa6: {  	s4 =	sshll.u32 s26, $0x1;
	_ =	strace $0x8000004F;
	[dreg:$0x1] =	wrdreg $0xFFFFFFFF  }
0xa7: {  	s28 =	simm.s32 $_size_execute0_lowered;
	s2 =	sadd.s32 s2, s4;
	[dreg:$0x0] =	wrdreg $0x0  }
0xa8: {  	s4 =	sshll.u32 s28, $0x1;
	[dreg:$0x2] =	wrdreg s2  }
0xa9: {  	[dreg:$0x3] =	wrdreg s4  }
0xaa: {  	[dreg:$0x4] =	wrdreg $0xC0  }
0xab: {  	_ =	task [dreg:s6], $0x5FFFF  }
0xac: {  	[dreg:$0x1] =	wrdreg $0xFFFFFFFF  }
0xad: {  	[dreg:$0x0] =	wrdreg $0x60  }
0xae: {  	[dreg:$0x2] =	wrdreg s24  }
0xaf: {  	[dreg:$0x3] =	wrdreg $0x9  }
0xb0: {  	_ =	task.clear_ibuf [dreg:s6], $0x4FFFF;
	_ =	strace $0x9000004F  }
0xb1: {  	s29 =	simm.s32 $0x9;
	_ =	strace $0x80000051  }
0xb2: {  	_ =	swait.ge [sflag:s29], $0x1  }
0xb3: {  	[sflag:s29] =	ssyncadd.s32 $0xFFFFFFFF  }
0xb4: {  	_ =	strace $0x90000051  }
0xb5: {  	_ =	sfence  }
0xb6: {  	s30 =	sld [smem:$0x0];
	_ =	sdelay $0x2  }
0xb7: {  	s31 =	sshll.u32 s1, $0xD;
	s1 =	sshrl.u32 s1, $0x2  }
0xb8: {  	s3 =	sand.u32 $0x4000, s31;
	s1 =	sadd.s32 s1, s30  }
0xb9: {  	s0 =	sor.u32 s3, s0;
	s1 =	sshll.u32 s1, $0x11  }
0xba: {  	s0 =	sor.u32 s1, s0  }
0xbb: {  	s0 =	sadd.s32 $0x8F2B, s0  }
0xbc: {  	[sflag:s0] =	ssyncadd.remote.s32 $0x1  }
0xbd: {  	_ =	sfence.sel $0xFFFF  }
0xbe: {  	[dreg:$0x0] =	wrdreg $0xFFFFFFFF;
	(pc) =	sbr.abs _section_cstart, $3  }
0xbf: {  	[dreg:$0x1] =	wrdreg $0xFFFFFFFF  }
0xc0: {  	_ =	task.clear_ibuf [dreg:s6], $0x2FFFF;
	_ =	strace $0x9FFFFFFF  }
0xc1: {  	(tm) =	ssettm $0x7FFFFFFF  }
tec
execute0_lowered:
.L_overlay_start_1:
0x0: {  	(tag) =	ssettag $0x1  }
0x1: {  	s1 =	srdreg.scid;
	s0 =	stileid.u32  }
0x2: {  	s22 =	sand.u32 $0x1, s1;
	s30 =	sshll.u32 s0, $0x1  }
0x3: {  	s14 =	sor.u32 s22, s30  }
0x4: {  	s3 =	smul.u32 $0x60, s14  }
0x5: {  	s9 =	rddreg [dreg:$0x0];
	s2 =	simm.s32 $0x0  }
0x6: {  	s4 =	simm.s32 $0x5;
	[smem:$0x7FF] =	sst s2;
	s3 =	sadd.s32 s3, s9  }
0x7: {  	s1 =	rddreg [dreg:$0x1];
	_ =	strace $0x80000050;
	s3 =	sadd.s32 $0x8EE00, s3  }
0x8: {  	[tilespmem:s2], [sflag:$0x5] =	stream.linear.gather [hbm4b:s3+s2], $0x300, $0x38;
	[tilespmem:$0x8300] =	vst v63  }
0x9: {  	_ =	swait.ge [sflag:s4], $0x300  }
0xa: {  	s6 =	simm.s32 $0x80;
	s7 =	simm.s32 $0x300;
	[sflag:s4] =	ssyncset.done $0x0  }
0xb: {  	s8 =	simm.s32 $0x1;
	s5 =	sadd.s32 $0x2E00, s9;
	[sflag:s4] =	ssyncadd.s32 $0xFFFFFD00  }
0xc: {  	[tilespmem:s7], [sflag:$0x1] =	stream.indirect.gather [hbm4b:s5+s6], $0x80, s2, s6, $0xb8;
	[tilespmem:$0x8300] =	vst v63  }
0xd: {  	s10 =	smul.u32 $0x3000, s14;
	_ =	swait.ge [sflag:s8], $0x4000  }
0xe: {  	s15 =	sadd.s32 $0x2AE00, s9;
	[sflag:s8] =	ssyncset.done $0x0  }
0xf: {  	s9 =	sadd.s32 s15, s10;
	[sflag:s8] =	ssyncadd.s32 $0xFFFFC000  }
0x10: {  	[hbm4b:s9+s2] =	stream.linear.scatter [tilespmem:s7], [sflag:$0x3], $0x4000, $0x38;
	[tilespmem:$0x8300] =	vst v63  }
0x11: {  	s11 =	simm.s32 $0x2;
	s10 =	simm.s32 $0x4300  }
0x12: {  	[tilespmem:s10], [sflag:$0x2] =	stream.indirect.gather [hbm4b:s5+s6], $0x80, s6, s6, $0xb8;
	[tilespmem:$0x8300] =	vst v63  }
0x13: {  	_ =	swait.ge [sflag:s11], $0x4000  }
0x14: {  	[sflag:s11] =	ssyncset.done $0x0  }
0x15: {  	s12 =	sadd.s32 $0x800, s9;
	[sflag:s11] =	ssyncadd.s32 $0xFFFFC000  }
0x16: {  	[hbm4b:s12+s2] =	stream.linear.scatter [tilespmem:s10], [sflag:$0x4], $0x4000, $0x38;
	[tilespmem:$0x8300] =	vst v63  }
0x17: {  	s13 =	simm.s32 $0x100  }
0x18: {  	[tilespmem:s7], [sflag:$0x1] =	stream.indirect.gather [hbm4b:s5+s6], $0x80, s13, s6, $0xb8;
	[tilespmem:$0x8300] =	vst v63  }
0x19: {  	_ =	swait.ge [sflag:s8], $0x4000  }
0x1a: {  	s16 =	smul.u32 $0x18000, s14;
	[sflag:s8] =	ssyncset.done $0x0  }
0x1b: {  	s14 =	simm.s32 $0x3;
	[sflag:s8] =	ssyncadd.s32 $0xFFFFC000  }
0x1c: {  	s16 =	sshrl.u32 s16, $0x3;
	_ =	swait.ge [sflag:s14], $0x4000  }
0x1d: {  	s23 =	sadd.s32 s15, s16;
	[sflag:s14] =	ssyncset.done $0x0  }
0x1e: {  	s15 =	sadd.s32 $0x1000, s23;
	[sflag:s14] =	ssyncadd.s32 $0xFFFFC000  }
0x1f: {  	[hbm4b:s15+s2] =	stream.linear.scatter [tilespmem:s7], [sflag:$0x3], $0x4000, $0x38;
	[tilespmem:$0x8300] =	vst v63  }
0x20: {  	s16 =	simm.s32 $0x180  }
0x21: {  	[tilespmem:s10], [sflag:$0x2] =	stream.indirect.gather [hbm4b:s5+s6], $0x80, s16, s6, $0xb8;
	[tilespmem:$0x8300] =	vst v63  }
0x22: {  	_ =	swait.ge [sflag:s11], $0x4000  }
0x23: {  	[sflag:s11] =	ssyncset.done $0x0  }
0x24: {  	s17 =	simm.s32 $0x4;
	[sflag:s11] =	ssyncadd.s32 $0xFFFFC000  }
0x25: {  	_ =	swait.ge [sflag:s17], $0x4000  }
0x26: {  	[sflag:s17] =	ssyncset.done $0x0  }
0x27: {  	s18 =	sadd.s32 $0x1800, s23;
	[sflag:s17] =	ssyncadd.s32 $0xFFFFC000  }
0x28: {  	[hbm4b:s18+s2] =	stream.linear.scatter [tilespmem:s10], [sflag:$0x4], $0x4000, $0x38;
	[tilespmem:$0x8300] =	vst v63  }
0x29: {  	s19 =	simm.s32 $0x200  }
0x2a: {  	[tilespmem:s7], [sflag:$0x1] =	stream.indirect.gather [hbm4b:s5+s6], $0x80, s19, s6, $0xb8;
	[tilespmem:$0x8300] =	vst v63  }
0x2b: {  	_ =	swait.ge [sflag:s8], $0x4000  }
0x2c: {  	[sflag:s8] =	ssyncset.done $0x0  }
0x2d: {  	[sflag:s8] =	ssyncadd.s32 $0xFFFFC000  }
0x2e: {  	_ =	swait.ge [sflag:s14], $0x4000  }
0x2f: {  	[sflag:s14] =	ssyncset.done $0x0  }
0x30: {  	s20 =	sadd.s32 $0x2000, s23;
	[sflag:s14] =	ssyncadd.s32 $0xFFFFC000  }
0x31: {  	[hbm4b:s20+s2] =	stream.linear.scatter [tilespmem:s7], [sflag:$0x3], $0x4000, $0x38;
	[tilespmem:$0x8300] =	vst v63  }
0x32: {  	s21 =	simm.s32 $0x280  }
0x33: {  	[tilespmem:s10], [sflag:$0x2] =	stream.indirect.gather [hbm4b:s5+s6], $0x80, s21, s6, $0xb8;
	[tilespmem:$0x8300] =	vst v63  }
0x34: {  	_ =	swait.ge [sflag:s11], $0x4000  }
0x35: {  	s24 =	ssub.s32 $0x2, s22;
	[sflag:s11] =	ssyncset.done $0x0  }
0x36: {  	s31 =	sshrl.u32 s24, $0x1;
	[sflag:s11] =	ssyncadd.s32 $0xFFFFC000  }
0x37: {  	s22 =	sadd.s32 $0x2800, s23;
	s23 =	ssub.s32 s24, s31;
	_ =	swait.ge [sflag:s17], $0x4000  }
0x38: {  	s23 =	smax.u32 s23, $0x1;
	[sflag:s17] =	ssyncset.done $0x0  }
0x39: {  	p0 =	sne.s32 s23, $0x1;
	[sflag:s17] =	ssyncadd.s32 $0xFFFFC000  }
0x3a: {  	[hbm4b:s22+s2] =	stream.linear.scatter [tilespmem:s10], [sflag:$0x4], $0x4000, $0x38;
	[tilespmem:$0x8300] =	vst v63  }
.Ltmp0:
0x3b: {  	_ =	swait.ge [sflag:s14], $0x4000;
	(pc) =	sbr.rel @!p0 .LBB2_2-.Ltmp0, $4  }
0x3c: {  	[sflag:s14] =	ssyncset.done $0x0  }
0x3d: {  	[sflag:s14] =	ssyncadd.s32 $0xFFFFC000  }
0x3e: {  	_ =	swait.ge [sflag:s17], $0x4000  }
0x3f: {  	s23 =	sadd.s32 $0xFFFFFFFF, s23;
	[sflag:s17] =	ssyncset.done $0x0  }
.LBB2_1:
0x40: {  	p0 =	sne.s32 s23, $0x1;
	s23 =	sadd.s32 $0xFFFFFFFF, s23;
	[sflag:s17] =	ssyncadd.s32 $0xFFFFC000  }
0x41: {  	[tilespmem:s2], [sflag:$0x5] =	stream.linear.gather [hbm4b:s3+s2], $0x300, $0x38;
	[tilespmem:$0x8300] =	vst v63  }
0x42: {  	_ =	swait.ge [sflag:s4], $0x300  }
0x43: {  	[sflag:s4] =	ssyncset.done $0x0  }
0x44: {  	[sflag:s4] =	ssyncadd.s32 $0xFFFFFD00  }
0x45: {  	[tilespmem:s7], [sflag:$0x1] =	stream.indirect.gather [hbm4b:s5+s6], $0x80, s2, s6, $0xb8;
	[tilespmem:$0x8300] =	vst v63  }
0x46: {  	_ =	swait.ge [sflag:s8], $0x4000  }
0x47: {  	[sflag:s8] =	ssyncset.done $0x0  }
0x48: {  	[sflag:s8] =	ssyncadd.s32 $0xFFFFC000  }
0x49: {  	[hbm4b:s9+s2] =	stream.linear.scatter [tilespmem:s7], [sflag:$0x3], $0x4000, $0x38;
	[tilespmem:$0x8300] =	vst v63  }
0x4a: {  	_ = 	snop  }
0x4b: {  	[tilespmem:s10], [sflag:$0x2] =	stream.indirect.gather [hbm4b:s5+s6], $0x80, s6, s6, $0xb8;
	[tilespmem:$0x8300] =	vst v63  }
0x4c: {  	_ =	swait.ge [sflag:s11], $0x4000  }
0x4d: {  	[sflag:s11] =	ssyncset.done $0x0  }
0x4e: {  	[sflag:s11] =	ssyncadd.s32 $0xFFFFC000  }
0x4f: {  	[hbm4b:s12+s2] =	stream.linear.scatter [tilespmem:s10], [sflag:$0x4], $0x4000, $0x38;
	[tilespmem:$0x8300] =	vst v63  }
0x50: {  	_ = 	snop  }
0x51: {  	[tilespmem:s7], [sflag:$0x1] =	stream.indirect.gather [hbm4b:s5+s6], $0x80, s13, s6, $0xb8;
	[tilespmem:$0x8300] =	vst v63  }
0x52: {  	_ =	swait.ge [sflag:s8], $0x4000  }
0x53: {  	[sflag:s8] =	ssyncset.done $0x0  }
0x54: {  	[sflag:s8] =	ssyncadd.s32 $0xFFFFC000  }
0x55: {  	_ =	swait.ge [sflag:s14], $0x4000  }
0x56: {  	[sflag:s14] =	ssyncset.done $0x0  }
0x57: {  	[sflag:s14] =	ssyncadd.s32 $0xFFFFC000  }
0x58: {  	[hbm4b:s15+s2] =	stream.linear.scatter [tilespmem:s7], [sflag:$0x3], $0x4000, $0x38;
	[tilespmem:$0x8300] =	vst v63  }
0x59: {  	_ = 	snop  }
0x5a: {  	[tilespmem:s10], [sflag:$0x2] =	stream.indirect.gather [hbm4b:s5+s6], $0x80, s16, s6, $0xb8;
	[tilespmem:$0x8300] =	vst v63  }
0x5b: {  	_ =	swait.ge [sflag:s11], $0x4000  }
0x5c: {  	[sflag:s11] =	ssyncset.done $0x0  }
0x5d: {  	[sflag:s11] =	ssyncadd.s32 $0xFFFFC000  }
0x5e: {  	_ =	swait.ge [sflag:s17], $0x4000  }
0x5f: {  	[sflag:s17] =	ssyncset.done $0x0  }
0x60: {  	[sflag:s17] =	ssyncadd.s32 $0xFFFFC000  }
0x61: {  	[hbm4b:s18+s2] =	stream.linear.scatter [tilespmem:s10], [sflag:$0x4], $0x4000, $0x38;
	[tilespmem:$0x8300] =	vst v63  }
0x62: {  	_ = 	snop  }
0x63: {  	[tilespmem:s7], [sflag:$0x1] =	stream.indirect.gather [hbm4b:s5+s6], $0x80, s19, s6, $0xb8;
	[tilespmem:$0x8300] =	vst v63  }
0x64: {  	_ =	swait.ge [sflag:s8], $0x4000  }
0x65: {  	[sflag:s8] =	ssyncset.done $0x0  }
0x66: {  	[sflag:s8] =	ssyncadd.s32 $0xFFFFC000  }
0x67: {  	_ =	swait.ge [sflag:s14], $0x4000  }
0x68: {  	[sflag:s14] =	ssyncset.done $0x0  }
0x69: {  	[sflag:s14] =	ssyncadd.s32 $0xFFFFC000  }
0x6a: {  	[hbm4b:s20+s2] =	stream.linear.scatter [tilespmem:s7], [sflag:$0x3], $0x4000, $0x38;
	[tilespmem:$0x8300] =	vst v63  }
0x6b: {  	_ = 	snop  }
0x6c: {  	[tilespmem:s10], [sflag:$0x2] =	stream.indirect.gather [hbm4b:s5+s6], $0x80, s21, s6, $0xb8;
	[tilespmem:$0x8300] =	vst v63  }
0x6d: {  	_ =	swait.ge [sflag:s11], $0x4000  }
0x6e: {  	[sflag:s11] =	ssyncset.done $0x0  }
0x6f: {  	[sflag:s11] =	ssyncadd.s32 $0xFFFFC000  }
0x70: {  	_ =	swait.ge [sflag:s17], $0x4000  }
0x71: {  	[sflag:s17] =	ssyncset.done $0x0  }
0x72: {  	[sflag:s17] =	ssyncadd.s32 $0xFFFFC000  }
0x73: {  	[hbm4b:s22+s2] =	stream.linear.scatter [tilespmem:s10], [sflag:$0x4], $0x4000, $0x38;
	[tilespmem:$0x8300] =	vst v63  }
.Ltmp1:
0x74: {  	_ =	swait.ge [sflag:s14], $0x4000;
	(pc) =	sbr.rel @p0 .LBB2_1-.Ltmp1, $4  }
0x75: {  	[sflag:s14] =	ssyncset.done $0x0  }
0x76: {  	[sflag:s14] =	ssyncadd.s32 $0xFFFFC000  }
0x77: {  	_ =	swait.ge [sflag:s17], $0x4000  }
0x78: {  	[sflag:s17] =	ssyncset.done $0x0  }
.LBB2_2:
0x79: {  	[sflag:s17] =	ssyncadd.s32 $0xFFFFC000  }
0x7a: {  	_ =	sfence.sel $0x180000  }
0x7b: {  	[bflag:$0x0] =	sbarrier.arrive $0xFFFF  }
0x7c: {  	p0 =	sne.s32 s0, $0x0;
	_ =	strace $0x90000050  }
0x7d: {  	s0 =	sadd.s32 @!p0 $0x100000, s1;
	[bflag:$0x2] =	sbarrier.arrive $0xFFFF  }
0x7e: {  	[sflag:s0] =	ssyncadd.tile.s32 @!p0 $0x1;
	_ =	shalt  }
.Lfunc_end2:
_tile_overlayer_lowered:
.L_overlay_start_2:
0x7f: {  	(tag) =	ssettag $0x2  }
0x80: {  	s0 =	rddreg [dreg:$0x0];
	s2 =	stileid.u32  }
0x81: {  	s1 =	rddreg [dreg:$0x1];
	p0 =	sne.s32 s2, $0x0  }
0x82: {  	s3 =	rddreg [dreg:$0x2];
	[bflag:$0x3] =	sbarrier.arrive $0xFFFF;
	s2 =	simm.s32 @!p0 $0x1C05  }
0x83: {  	[timem:s3], [sflag:s2] =	dma.local @!p0 [hbm:s0], s1  }
0x84: {  	s0 =	simm.s32 @!p0 $0x5  }
0x85: {  	_ =	swait.ge @!p0 [sflag:s0], s1  }
0x86: {  	s1 =	ssub.s32 @!p0 $0x0, s1;
	[sflag:s0] =	ssyncset.done @!p0 $0x0  }
0x87: {  	[sflag:s0] =	ssyncadd.s32 @!p0 s1  }
0x88: {  	[bflag:$0x3] =	sbarrier.arrive $0xFFFF  }
0x89: {  	_ =	shalt  }

// kernel: kernel.9.cloned.1.call-start
scs
__scs_entry_jumppad:
0x0: {  	(pc) =	sbr.rel $0x88, $3  }
0x1: {  	(tag) =	ssettag $0x0;
	lr =	simm.s32 $0x1  }
0x2: {  	[smem:$0x3F95] =	sst lr;
	_ =	strace $0xD0000000  }
0x3: {  	_ = 	snop  }
0x4: {  	_ = 	snop  }
0x5: {  	_ = 	snop  }
0x6: {  	_ = 	snop  }
0x7: {  	_ = 	snop  }
__scs_overlays_trampoline_lowered:
0x8: {  	[smem:$0x3FA4] =	sst s0  }
0x9: {  	[smem:$0x3FA5] =	sst s1  }
0xa: {  	[smem:$0x3FA6] =	sst s2  }
0xb: {  	[smem:$0x3FA7] =	sst s3  }
0xc: {  	[smem:$0x3FA8] =	sst s4  }
0xd: {  	[smem:$0x3FA9] =	sst s5  }
0xe: {  	[smem:$0x3FAA] =	sst s6  }
0xf: {  	[smem:$0x3FAB] =	sst s7  }
0x10: {  	[smem:$0x3FAC] =	sst s8  }
0x11: {  	[smem:$0x3FAD] =	sst s9;
	s0 =	simm.s32 @!p0 $0x0  }
0x12: {  	s1 =	sld [smem:$0x3F93];
	s0 =	simm.s32 @p0 $0x1  }
0x13: {  	[smem:$0x3FAE] =	sst s0;
	s0 =	simm.s32 @!p1 $0x0  }
0x14: {  	s2 =	sld [smem:$0x3F92];
	s0 =	simm.s32 @p1 $0x1  }
0x15: {  	[smem:$0x3FAF] =	sst s0;
	s0 =	simm.s32 @!p2 $0x0  }
0x16: {  	s3 =	sld [smem:$0x3FDB];
	s0 =	simm.s32 @p2 $0x1  }
0x17: {  	s4 =	simm.s32 $0x1BF5;
	[smem:$0x3FB1] =	sst s0  }
0x18: {  	s0 =	sld [smem:$0x3F94];
	_ =	swait.ge [sflag:s4], $0x0  }
0x19: {  	s7 =	sld [smem:$0x3F95]  }
0x1a: {  	s8 =	sadd.s32 $0xFFFFE003, lr  }
0x1b: {  	s9 =	sadd.s32 $0xFFFFFEF7, lr;
	s5 =	simm.s32 $0xFFFFFFFF;
	p2 =	slt.u32 s8, $0xFFFFF086  }
0x1c: {  	p1 =	slt.u32 s9, $0xF7A;
	s5 =	simm.s32 @!p2 $0x0  }
0x1d: {  	s5 =	simm.s32 @p1 $0x1;
	p0 =	seq.s32 s7, s2  }
0x1e: {  	s7 =	smul.u32 @!p0 $0xF7A, s2;
	p2 =	seq.s32 @!p0 s5, $0x0  }
0x1f: {  	s9 =	smul.u32 $0xF7A, s1;
	s8 =	simm.s32 @!p0 $0x1BF5;
	p2 =	por !p2, p0  }
0x20: {  	[sflag:s8] =	ssyncset.s32 @!p0 $0xFFFFF086;
	s6 =	sadd.s32 @!p0 s3, s7;
	s7 =	simm.s32 @!p0 $0x108  }
0x21: {  	s3 =	sadd.s32 s3, s9;
	s6 =	sadd.s32 @!p0 $0x88, s6;
	s7 =	simm.s32 @p2 $0x1082  }
0x22: {  	[simem:s7], [sflag:s8] =	dma.local @!p0 [hbm:s6], $0xF7A  }
0x23: {  	s9 =	sor.u32 $0xD0000000, s2;
	s6 =	simm.s32 $0x108;
	_ =	swait.ge @!p0 [sflag:s8], $0x0  }
0x24: {  	s3 =	sadd.s32 $0x88, s3;
	s6 =	simm.s32 @!p1 $0x1082;
	[sflag:s4] =	ssyncset.s32 $0xFFFFF086  }
0x25: {  	[simem:s6], [sflag:s4] =	dma.local [hbm:s3], $0xF7A  }
0x26: {  	[smem:$0x3F95] =	sst s1;
	(tag) =	ssettag s2;
	_ =	strace s9  }
0x27: {  	s1 =	sld [smem:$0x3FA5]  }
0x28: {  	s2 =	sld [smem:$0x3FA6]  }
0x29: {  	s4 =	sld [smem:$0x3FA8]  }
0x2a: {  	p0 =	seq.s32 s5, $0x0;
	s5 =	sld [smem:$0x3FA9]  }
0x2b: {  	s6 =	sld [smem:$0x3FAA]  }
0x2c: {  	s7 =	sld [smem:$0x3FAB]  }
0x2d: {  	s3 =	simm.s32 $0x108;
	s8 =	sld [smem:$0x3FAC]  }
0x2e: {  	s3 =	simm.s32 @!p0 $0x1082;
	s9 =	sld [smem:$0x3FAD]  }
0x2f: {  	lr =	sadd.s32 s0, s3;
	s0 =	sld [smem:$0x3FA4]  }
0x30: {  	s3 =	sld [smem:$0x3FA7]  }
0x31: {  	[smem:$0x3FB0] =	sst s10  }
0x32: {  	s10 =	sld [smem:$0x3FAE];
	_ =	sdelay $0x3  }
0x33: {  	p0 =	seq.s32 s10, $0x1;
	s10 =	sld [smem:$0x3FB0];
	_ =	sdelay $0x3  }
0x34: {  	[smem:$0x3FB0] =	sst s10  }
0x35: {  	s10 =	sld [smem:$0x3FAF];
	_ =	sdelay $0x3  }
0x36: {  	p1 =	seq.s32 s10, $0x1;
	s10 =	sld [smem:$0x3FB0];
	_ =	sdelay $0x3  }
0x37: {  	[smem:$0x3FB0] =	sst s10  }
0x38: {  	s10 =	sld [smem:$0x3FB1]  }
0x39: {  	_ = 	snop;
	(pc) =	sbr.ind lr, $3  }
0x3a: {  	_ = 	snop  }
0x3b: {  	_ = 	snop  }
0x3c: {  	p2 =	seq.s32 s10, $0x1;
	s10 =	sld [smem:$0x3FB0]  }
0x3d: {  	_ =	shalt  }
0x3e: {  	_ =	shalt  }
0x3f: {  	_ =	shalt  }
0x40: {  	_ =	shalt  }
0x41: {  	_ =	shalt  }
0x42: {  	_ =	shalt  }
0x43: {  	_ =	shalt  }
0x44: {  	_ =	shalt  }
0x45: {  	_ =	shalt  }
0x46: {  	_ =	shalt  }
0x47: {  	_ =	shalt  }
0x48: {  	_ =	shalt  }
0x49: {  	_ =	shalt  }
0x4a: {  	_ =	shalt  }
0x4b: {  	_ =	shalt  }
0x4c: {  	_ =	shalt  }
0x4d: {  	_ =	shalt  }
0x4e: {  	_ =	shalt  }
0x4f: {  	_ =	shalt  }
0x50: {  	_ =	shalt  }
0x51: {  	_ =	shalt  }
0x52: {  	_ =	shalt  }
0x53: {  	_ =	shalt  }
0x54: {  	_ =	shalt  }
0x55: {  	_ =	shalt  }
0x56: {  	_ =	shalt  }
0x57: {  	_ =	shalt  }
0x58: {  	_ =	shalt  }
0x59: {  	_ =	shalt  }
0x5a: {  	_ =	shalt  }
0x5b: {  	_ =	shalt  }
0x5c: {  	_ =	shalt  }
0x5d: {  	_ =	shalt  }
0x5e: {  	_ =	shalt  }
0x5f: {  	_ =	shalt  }
0x60: {  	_ =	shalt  }
0x61: {  	_ =	shalt  }
0x62: {  	_ =	shalt  }
0x63: {  	_ =	shalt  }
0x64: {  	_ =	shalt  }
0x65: {  	_ =	shalt  }
0x66: {  	_ =	shalt  }
0x67: {  	_ =	shalt  }
0x68: {  	_ =	shalt  }
0x69: {  	_ =	shalt  }
0x6a: {  	_ =	shalt  }
0x6b: {  	_ =	shalt  }
0x6c: {  	_ =	shalt  }
0x6d: {  	_ =	shalt  }
0x6e: {  	_ =	shalt  }
0x6f: {  	_ =	shalt  }
0x70: {  	_ =	shalt  }
0x71: {  	_ =	shalt  }
0x72: {  	_ =	shalt  }
0x73: {  	_ =	shalt  }
0x74: {  	_ =	shalt  }
0x75: {  	_ =	shalt  }
0x76: {  	_ =	shalt  }
0x77: {  	_ =	shalt  }
0x78: {  	_ =	shalt  }
0x79: {  	_ =	shalt  }
0x7a: {  	_ =	shalt  }
0x7b: {  	_ =	shalt  }
0x7c: {  	_ =	shalt  }
0x7d: {  	_ =	shalt  }
0x7e: {  	_ =	shalt  }
0x7f: {  	_ =	shalt  }
0x80: {  	_ =	shalt  }
0x81: {  	_ =	shalt  }
0x82: {  	_ =	shalt  }
0x83: {  	_ =	shalt  }
0x84: {  	_ =	shalt  }
0x85: {  	_ =	shalt  }
0x86: {  	_ =	shalt  }
0x87: {  	_ =	shalt  }
.Lfunc_end0:
.L_simem_size_0:
called_computation_lowered:
.L_overlay_start_0:
0x88: {  	s2 =	sld [smem:$0x3FD9]  }
0x89: {  	s3 =	sld [smem:$0x3FFE];
	_ =	sdelay $0x1  }
0x8a: {  	s1 =	srdreg.scid  }
0x8b: {  	s0 =	sand.u32 $0x1, s1  }
0x8c: {  	s16 =	sshll.u32 s0, $0xA;
	s2 =	sadd.s32 s3, s2  }
0x8d: {  	s2 =	sadd.s32 s2, s16  }
0x8e: {  	[smem:$0x3FBC] =	sst s2  }
0x8f: {  	_ = 	snop  }
0x90: {  	(tm) =	ssettm $0x1  }
0x91: {  	s17 =	sld [smem:$0x3FFB];
	_ =	sdelay $0x3  }
0x92: {  	_ =	strace s17  }
0x93: {  	s2 =	sld [smem:$0x3FFC];
	_ =	sdelay $0x3  }
0x94: {  	_ =	strace s2  }
0x95: {  	s2 =	sld [smem:$0x3FFD];
	_ =	sdelay $0x3  }
0x96: {  	_ =	strace s2  }
0x97: {  	_ =	strace $0x8FFFFFFF  }
0x98: {  	s18 =	sld [smem:$0x3FDB];
	_ =	sdelay $0x1  }
0x99: {  	s19 =	simm.s32 $_scs_section_size  }
0x9a: {  	s4 =	simm.s32 $_size__tile_overlayer_lowered;
	s5 =	simm.s32 $_tile_overlayer_lowered  }
0x9b: {  	s22 =	simm.s32 $0x1BFF;
	s21 =	sshll.u32 s5, $0x1;
	s2 =	sadd.s32 s19, s18  }
0x9c: {  	s6 =	simm.s32 $0x0;
	s20 =	sshll.u32 s4, $0x1;
	s4 =	sadd.s32 s21, s2  }
0x9d: {  	[timem:s6], [sflag:s22] =	dma.local [hbm:s4], s20  }
0x9e: {  	_ =	swait.ge [sflag:s22], s20  }
0x9f: {  	s3 =	ssub.s32 $0x0, s20;
	[sflag:s22] =	ssyncset.done $0x0  }
0xa0: {  	[sflag:s22] =	ssyncadd.s32 s3;
	_ =	sdelay $0x1  }
0xa1: {  	s23 =	simm.s32 $0x1B8B  }
0xa2: {  	_ =	swait.ge [sflag:s23], $0x1  }
0xa3: {  	[sflag:s23] =	ssyncset.done $0x0  }
0xa4: {  	s25 =	simm.s32 $0x1B8E;
	s24 =	sld [smem:$0x3FFE];
	[sflag:s23] =	ssyncadd.s32 $0xFFFFFFFF  }
0xa5: {  	s26 =	simm.s32 $execute0_lowered;
	[smem:$0x3FD2] =	sst s25  }
0xa6: {  	s4 =	sshll.u32 s26, $0x1;
	_ =	strace $0x80000046;
	[dreg:$0x1] =	wrdreg $0xFFFFFFFF  }
0xa7: {  	s28 =	simm.s32 $_size_execute0_lowered;
	s2 =	sadd.s32 s2, s4;
	[dreg:$0x0] =	wrdreg $0x0  }
0xa8: {  	s4 =	sshll.u32 s28, $0x1;
	[dreg:$0x2] =	wrdreg s2  }
0xa9: {  	[dreg:$0x3] =	wrdreg s4  }
0xaa: {  	[dreg:$0x4] =	wrdreg $0xC0  }
0xab: {  	_ =	task [dreg:s6], $0x5FFFF  }
0xac: {  	[dreg:$0x1] =	wrdreg $0xFFFFFFFF  }
0xad: {  	[dreg:$0x0] =	wrdreg $0x60  }
0xae: {  	[dreg:$0x2] =	wrdreg s24  }
0xaf: {  	[dreg:$0x3] =	wrdreg $0x58000  }
0xb0: {  	[dreg:$0x4] =	wrdreg $0x9  }
0xb1: {  	_ =	task.clear_ibuf [dreg:s6], $0x5FFFF;
	_ =	strace $0x90000046  }
0xb2: {  	s29 =	simm.s32 $0x9;
	_ =	strace $0x80000048  }
0xb3: {  	_ =	swait.ge [sflag:s29], $0x1  }
0xb4: {  	[sflag:s29] =	ssyncadd.s32 $0xFFFFFFFF  }
0xb5: {  	_ =	strace $0x90000048  }
0xb6: {  	_ =	sfence  }
0xb7: {  	s30 =	sld [smem:$0x0];
	_ =	sdelay $0x2  }
0xb8: {  	s31 =	sshll.u32 s1, $0xD;
	s1 =	sshrl.u32 s1, $0x2  }
0xb9: {  	s3 =	sand.u32 $0x4000, s31;
	s1 =	sadd.s32 s1, s30  }
0xba: {  	s0 =	sor.u32 s3, s0;
	s1 =	sshll.u32 s1, $0x11  }
0xbb: {  	s0 =	sor.u32 s1, s0  }
0xbc: {  	s0 =	sadd.s32 $0x8F2B, s0  }
0xbd: {  	[sflag:s0] =	ssyncadd.remote.s32 $0x1  }
0xbe: {  	_ =	sfence.sel $0xFFFF  }
0xbf: {  	[dreg:$0x0] =	wrdreg $0xFFFFFFFF;
	(pc) =	sbr.abs _section_cstart, $3  }
0xc0: {  	[dreg:$0x1] =	wrdreg $0xFFFFFFFF  }
0xc1: {  	_ =	task.clear_ibuf [dreg:s6], $0x2FFFF;
	_ =	strace $0x9FFFFFFF  }
0xc2: {  	(tm) =	ssettm $0x7FFFFFFF  }
0xc3: {  	_ =	shalt  }
tec
execute0_lowered:
.L_overlay_start_1:
0x0: {  	(tag) =	ssettag $0x1  }
0x1: {  	s4 =	rddreg [dreg:$0x0]  }
0x2: {  	s2 =	rddreg [dreg:$0x1]  }
0x3: {  	s0 =	rddreg [dreg:$0x2];
	s3 =	simm.s32 $0x0;
	s5 =	srdreg.scid  }
0x4: {  	s1 =	stileid.u32;
	s10 =	simm.s32 $0x80;
	s11 =	simm.s32 $0x2800  }
0x5: {  	s12 =	simm.s32 $0x1;
	s13 =	simm.s32 $0x0;
	s7 =	smul.u32 $0x500, s1  }
0x6: {  	s5 =	sand.u32 $0x1, s5;
	s6 =	sshll.u32 s1, $0x1;
	s29 =	smul.u32 $0xA000, s1  }
0x7: {  	[smem:$0x7FF] =	sst s3;
	s6 =	sor.u32 s5, s6;
	s8 =	smul.u32 $0x5000, s5  }
0x8: {  	_ =	strace $0x80000047;
	s5 =	ssub.s32 $0x2, s5;
	s6 =	smul.u32 $0x500, s6  }
0x9: {  	s30 =	sshrl.u32 s5, $0x1;
	s31 =	sshrl.u32 s29, $0x2;
	s7 =	sadd.s32 s7, s8  }
0xa: {  	s9 =	ssub.s32 s5, s30;
	s5 =	sadd.s32 s31, s2;
	s6 =	sadd.s32 s6, s4  }
0xb: {  	s8 =	simm.s32 $0x2;
	s7 =	sadd.s32 s7, s4;
	s4 =	sadd.s32 $0x2E00, s6  }
0xc: {  	v0 =	vimm.f32 $1.000000000e+00;
	v1 =	vimm.f32 $0.0e+00;
	s6 =	sadd.s32 $0x16E00, s7;
	s7 =	smax.u32 s9, $0x1;
	s9 =	simm.s32 $0x3000  }
.LBB2_1:
0xd: {  	[tilespmem:s3], [sflag:$0x2] =	stream.linear.gather [hbm4b:s4+s3], $0x2800, $0x38;
	[tilespmem:$0x8000] =	vst v63  }
0xe: {  	_ =	swait.ge [sflag:s8], $0x2800  }
0xf: {  	[sflag:s8] =	ssyncset.done $0x0  }
0x10: {  	s14 =	simm.s32 $0x0;
	[sflag:s8] =	ssyncadd.s32 $0xFFFFD800  }
.LBB2_2:
0x11: {  	p0 =	sne.s32 s14, $0x1FC0  }
.Ltmp0:
0x12: {  	_ = 	snop;
	(pc) =	sbr.rel @p0 .LBB2_2-.Ltmp0, $3  }
0x13: {  	_ =	sdelay $0x1  }
0x14: {  	s15 =	sshra.s32 s14, $0x2  }
0x15: {  	s14 =	sadd.s32 $0x40, s14;
	[tilespmem:s15+$0x2800] =	vst v0  }
0x16: {  	s14 =	simm.s32 $0x40;
	s15 =	simm.s32 $0x0  }
.LBB2_4:
0x17: {  	p0 =	sne.s32 s14, $0x9FC0;
	[tilespmem:s15+$0x3000] =	vst v1;
	s15 =	smov.u32 s14;
	s14 =	sadd.s32 $0x40, s14  }
.Ltmp1:
0x18: {  	(pc) =	sbr.rel @p0 .LBB2_4-.Ltmp1, $2  }
0x19: {  	_ =	sdelay $0x2  }
0x1a: {  	s15 =	sshra.s32 s15, $0x2  }
0x1b: {  	[tilespmem:s15+$0x3000] =	vst v1  }
0x1c: {  	[spmem:s5] =	stream.linear.scatter [tilespmem:s9], [sflag:$0x2], $0x2800, $0x38;
	[tilespmem:$0x8000] =	vst v63  }
0x1d: {  	_ =	swait.ge [sflag:s8], $0x2800  }
0x1e: {  	[sflag:s8] =	ssyncset.done $0x0  }
0x1f: {  	[sflag:s8] =	ssyncadd.s32 $0xFFFFD800  }
0x20: {  	s14 =	simm.s32 $0x0;
	[bflag:$0x0] =	sbarrier.arrive $0xFFFF  }
0x21: {  	[spmem:s2] =	stream.indirect.scatter.add.f32 [tilespmem:s11], [sflag:$0x1], $0x10, s14, s10, $0xb8;
	[tilespmem:$0x8000] =	vst v63  }
0x22: {  	s24 =	simm.s32 $0x80  }
0x23: {  	[spmem:s2] =	stream.indirect.scatter.add.f32 [tilespmem:s11], [sflag:$0x1], $0x10, s24, s10, $0xb8;
	[tilespmem:$0x8000] =	vst v63  }
0x24: {  	s25 =	simm.s32 $0x100  }
0x25: {  	[spmem:s2] =	stream.indirect.scatter.add.f32 [tilespmem:s11], [sflag:$0x1], $0x10, s25, s10, $0xb8;
	[tilespmem:$0x8000] =	vst v63  }
0x26: {  	s26 =	simm.s32 $0x180  }
0x27: {  	[spmem:s2] =	stream.indirect.scatter.add.f32 [tilespmem:s11], [sflag:$0x1], $0x10, s26, s10, $0xb8;
	[tilespmem:$0x8000] =	vst v63  }
0x28: {  	s28 =	simm.s32 $0x200  }
0x29: {  	[spmem:s2] =	stream.indirect.scatter.add.f32 [tilespmem:s11], [sflag:$0x1], $0x10, s28, s10, $0xb8;
	[tilespmem:$0x8000] =	vst v63  }
0x2a: {  	s29 =	simm.s32 $0x280  }
0x2b: {  	[spmem:s2] =	stream.indirect.scatter.add.f32 [tilespmem:s11], [sflag:$0x1], $0x10, s29, s10, $0xb8;
	[tilespmem:$0x8000] =	vst v63  }
0x2c: {  	s30 =	simm.s32 $0x300  }
0x2d: {  	[spmem:s2] =	stream.indirect.scatter.add.f32 [tilespmem:s11], [sflag:$0x1], $0x10, s30, s10, $0xb8;
	[tilespmem:$0x8000] =	vst v63  }
0x2e: {  	s31 =	simm.s32 $0x380  }
0x2f: {  	[spmem:s2] =	stream.indirect.scatter.add.f32 [tilespmem:s11], [sflag:$0x1], $0x10, s31, s10, $0xb8;
	[tilespmem:$0x8000] =	vst v63  }
0x30: {  	_ =	swait.ge [sflag:s12], $0x800  }
0x31: {  	[sflag:s12] =	ssyncset.done $0x0  }
0x32: {  	[sflag:s12] =	ssyncadd.s32 $0xFFFFF800  }
0x33: {  	_ =	swait.ge [sflag:s12], $0x800  }
0x34: {  	[sflag:s12] =	ssyncset.done $0x0  }
0x35: {  	[sflag:s12] =	ssyncadd.s32 $0xFFFFF800  }
0x36: {  	_ =	swait.ge [sflag:s12], $0x800  }
0x37: {  	[sflag:s12] =	ssyncset.done $0x0  }
0x38: {  	[sflag:s12] =	ssyncadd.s32 $0xFFFFF800  }
0x39: {  	_ =	swait.ge [sflag:s12], $0x800  }
0x3a: {  	[sflag:s12] =	ssyncset.done $0x0  }
0x3b: {  	[sflag:s12] =	ssyncadd.s32 $0xFFFFF800  }
0x3c: {  	_ =	swait.ge [sflag:s12], $0x800  }
0x3d: {  	[sflag:s12] =	ssyncset.done $0x0  }
0x3e: {  	[sflag:s12] =	ssyncadd.s32 $0xFFFFF800  }
0x3f: {  	_ =	swait.ge [sflag:s12], $0x800  }
0x40: {  	[sflag:s12] =	ssyncset.done $0x0  }
0x41: {  	[sflag:s12] =	ssyncadd.s32 $0xFFFFF800  }
0x42: {  	_ =	swait.ge [sflag:s12], $0x800  }
0x43: {  	[sflag:s12] =	ssyncset.done $0x0  }
0x44: {  	[sflag:s12] =	ssyncadd.s32 $0xFFFFF800  }
0x45: {  	_ =	swait.ge [sflag:s12], $0x800  }
0x46: {  	s16 =	simm.s32 $0x2000;
	s14 =	simm.s32 $0x1000;
	[sflag:s12] =	ssyncset.done $0x0  }
.LBB2_6:
0x47: {  	s17 =	sshra.s32 s14, $0x2  }
0x48: {  	[sflag:s12] =	ssyncadd.s32 $0xFFFFF800;
	s14 =	smov.u32 s16;
	s15 =	sadd.s32 $0x1000, s16  }
0x49: {  	[spmem:s2] =	stream.indirect.scatter.add.f32 [tilespmem:s11], [sflag:$0x1], $0x10, s17, s10, $0xb8;
	[tilespmem:$0x8000] =	vst v63  }
0x4a: {  	p0 =	sne.s32 s16, $0x9000;
	s16 =	sadd.s32 $0x80, s17  }
0x4b: {  	[spmem:s2] =	stream.indirect.scatter.add.f32 [tilespmem:s11], [sflag:$0x1], $0x10, s16, s10, $0xb8;
	[tilespmem:$0x8000] =	vst v63  }
0x4c: {  	s16 =	sadd.s32 $0x100, s17  }
0x4d: {  	[spmem:s2] =	stream.indirect.scatter.add.f32 [tilespmem:s11], [sflag:$0x1], $0x10, s16, s10, $0xb8;
	[tilespmem:$0x8000] =	vst v63  }
0x4e: {  	s16 =	sadd.s32 $0x180, s17  }
0x4f: {  	[spmem:s2] =	stream.indirect.scatter.add.f32 [tilespmem:s11], [sflag:$0x1], $0x10, s16, s10, $0xb8;
	[tilespmem:$0x8000] =	vst v63  }
0x50: {  	s16 =	sadd.s32 $0x200, s17  }
0x51: {  	[spmem:s2] =	stream.indirect.scatter.add.f32 [tilespmem:s11], [sflag:$0x1], $0x10, s16, s10, $0xb8;
	[tilespmem:$0x8000] =	vst v63  }
0x52: {  	s16 =	sadd.s32 $0x280, s17  }
0x53: {  	[spmem:s2] =	stream.indirect.scatter.add.f32 [tilespmem:s11], [sflag:$0x1], $0x10, s16, s10, $0xb8;
	[tilespmem:$0x8000] =	vst v63  }
0x54: {  	s16 =	sadd.s32 $0x300, s17  }
0x55: {  	[spmem:s2] =	stream.indirect.scatter.add.f32 [tilespmem:s11], [sflag:$0x1], $0x10, s16, s10, $0xb8;
	[tilespmem:$0x8000] =	vst v63  }
0x56: {  	s16 =	sadd.s32 $0x380, s17  }
0x57: {  	[spmem:s2] =	stream.indirect.scatter.add.f32 [tilespmem:s11], [sflag:$0x1], $0x10, s16, s10, $0xb8;
	[tilespmem:$0x8000] =	vst v63  }
0x58: {  	_ =	swait.ge [sflag:s12], $0x800  }
0x59: {  	[sflag:s12] =	ssyncset.done $0x0  }
0x5a: {  	[sflag:s12] =	ssyncadd.s32 $0xFFFFF800  }
0x5b: {  	_ =	swait.ge [sflag:s12], $0x800  }
0x5c: {  	[sflag:s12] =	ssyncset.done $0x0  }
0x5d: {  	[sflag:s12] =	ssyncadd.s32 $0xFFFFF800  }
0x5e: {  	_ =	swait.ge [sflag:s12], $0x800  }
0x5f: {  	[sflag:s12] =	ssyncset.done $0x0  }
0x60: {  	[sflag:s12] =	ssyncadd.s32 $0xFFFFF800  }
0x61: {  	_ =	swait.ge [sflag:s12], $0x800  }
0x62: {  	[sflag:s12] =	ssyncset.done $0x0  }
0x63: {  	[sflag:s12] =	ssyncadd.s32 $0xFFFFF800  }
0x64: {  	_ =	swait.ge [sflag:s12], $0x800  }
0x65: {  	[sflag:s12] =	ssyncset.done $0x0  }
0x66: {  	[sflag:s12] =	ssyncadd.s32 $0xFFFFF800  }
0x67: {  	_ =	swait.ge [sflag:s12], $0x800  }
0x68: {  	[sflag:s12] =	ssyncset.done $0x0  }
0x69: {  	[sflag:s12] =	ssyncadd.s32 $0xFFFFF800  }
.Ltmp2:
0x6a: {  	_ =	swait.ge [sflag:s12], $0x800;
	(pc) =	sbr.rel @p0 .LBB2_6-.Ltmp2, $4  }
0x6b: {  	[sflag:s12] =	ssyncset.done $0x0  }
0x6c: {  	[sflag:s12] =	ssyncadd.s32 $0xFFFFF800  }
0x6d: {  	_ =	swait.ge [sflag:s12], $0x800  }
0x6e: {  	s16 =	smov.u32 s15;
	[sflag:s12] =	ssyncset.done $0x0  }
0x6f: {  	s14 =	sshra.s32 s14, $0x2;
	[sflag:s12] =	ssyncadd.s32 $0xFFFFF800  }
0x70: {  	[spmem:s2] =	stream.indirect.scatter.add.f32 [tilespmem:s11], [sflag:$0x1], $0x10, s14, s10, $0xb8;
	[tilespmem:$0x8000] =	vst v63  }
0x71: {  	s15 =	sadd.s32 $0x80, s14  }
0x72: {  	[spmem:s2] =	stream.indirect.scatter.add.f32 [tilespmem:s11], [sflag:$0x1], $0x10, s15, s10, $0xb8;
	[tilespmem:$0x8000] =	vst v63  }
0x73: {  	s26 =	sadd.s32 $0x100, s14  }
0x74: {  	[spmem:s2] =	stream.indirect.scatter.add.f32 [tilespmem:s11], [sflag:$0x1], $0x10, s26, s10, $0xb8;
	[tilespmem:$0x8000] =	vst v63  }
0x75: {  	s28 =	sadd.s32 $0x180, s14  }
0x76: {  	[spmem:s2] =	stream.indirect.scatter.add.f32 [tilespmem:s11], [sflag:$0x1], $0x10, s28, s10, $0xb8;
	[tilespmem:$0x8000] =	vst v63  }
0x77: {  	s29 =	sadd.s32 $0x200, s14  }
0x78: {  	[spmem:s2] =	stream.indirect.scatter.add.f32 [tilespmem:s11], [sflag:$0x1], $0x10, s29, s10, $0xb8;
	[tilespmem:$0x8000] =	vst v63  }
0x79: {  	s30 =	sadd.s32 $0x280, s14  }
0x7a: {  	[spmem:s2] =	stream.indirect.scatter.add.f32 [tilespmem:s11], [sflag:$0x1], $0x10, s30, s10, $0xb8;
	[tilespmem:$0x8000] =	vst v63  }
0x7b: {  	s31 =	sadd.s32 $0x300, s14  }
0x7c: {  	[spmem:s2] =	stream.indirect.scatter.add.f32 [tilespmem:s11], [sflag:$0x1], $0x10, s31, s10, $0xb8;
	[tilespmem:$0x8000] =	vst v63  }
0x7d: {  	s14 =	sadd.s32 $0x380, s14  }
0x7e: {  	[spmem:s2] =	stream.indirect.scatter.add.f32 [tilespmem:s11], [sflag:$0x1], $0x10, s14, s10, $0xb8;
	[tilespmem:$0x8000] =	vst v63  }
0x7f: {  	_ =	swait.ge [sflag:s12], $0x800  }
0x80: {  	[sflag:s12] =	ssyncset.done $0x0  }
0x81: {  	[sflag:s12] =	ssyncadd.s32 $0xFFFFF800  }
0x82: {  	_ =	swait.ge [sflag:s12], $0x800  }
0x83: {  	[sflag:s12] =	ssyncset.done $0x0  }
0x84: {  	[sflag:s12] =	ssyncadd.s32 $0xFFFFF800  }
0x85: {  	_ =	swait.ge [sflag:s12], $0x800  }
0x86: {  	[sflag:s12] =	ssyncset.done $0x0  }
0x87: {  	[sflag:s12] =	ssyncadd.s32 $0xFFFFF800  }
0x88: {  	_ =	swait.ge [sflag:s12], $0x800  }
0x89: {  	[sflag:s12] =	ssyncset.done $0x0  }
0x8a: {  	[sflag:s12] =	ssyncadd.s32 $0xFFFFF800  }
0x8b: {  	_ =	swait.ge [sflag:s12], $0x800  }
0x8c: {  	[sflag:s12] =	ssyncset.done $0x0  }
0x8d: {  	[sflag:s12] =	ssyncadd.s32 $0xFFFFF800  }
0x8e: {  	_ =	swait.ge [sflag:s12], $0x800  }
0x8f: {  	[sflag:s12] =	ssyncset.done $0x0  }
0x90: {  	[sflag:s12] =	ssyncadd.s32 $0xFFFFF800  }
0x91: {  	_ =	swait.ge [sflag:s12], $0x800  }
0x92: {  	[sflag:s12] =	ssyncset.done $0x0  }
0x93: {  	[sflag:s12] =	ssyncadd.s32 $0xFFFFF800  }
0x94: {  	_ =	swait.ge [sflag:s12], $0x800  }
0x95: {  	[sflag:s12] =	ssyncset.done $0x0  }
0x96: {  	[sflag:s12] =	ssyncadd.s32 $0xFFFFF800  }
0x97: {  	[bflag:$0x0] =	sbarrier.arrive $0xFFFF  }
0x98: {  	[tilespmem:s9], [sflag:$0x2] =	stream.linear.gather [spmem:s5], $0x2800, $0x38;
	[tilespmem:$0x8000] =	vst v63  }
0x99: {  	s13 =	sadd.s32 $0x1, s13;
	_ =	swait.ge [sflag:s8], $0x2800  }
0x9a: {  	p0 =	sne.s32 s13, s7;
	[sflag:s8] =	ssyncset.done $0x0  }
.Ltmp3:
0x9b: {  	[sflag:s8] =	ssyncadd.s32 $0xFFFFD800;
	(pc) =	sbr.rel @p0 .LBB2_1-.Ltmp3, $4  }
0x9c: {  	[hbm4b:s6+s3] =	stream.linear.scatter [tilespmem:s9], [sflag:$0x2], $0x2800, $0x38;
	[tilespmem:$0x8000] =	vst v63  }
0x9d: {  	_ =	swait.ge [sflag:s8], $0x2800  }
0x9e: {  	[sflag:s8] =	ssyncset.done $0x0  }
0x9f: {  	[sflag:s8] =	ssyncadd.s32 $0xFFFFD800  }
0xa0: {  	_ =	sfence.sel $0x180000  }
0xa1: {  	[bflag:$0x0] =	sbarrier.arrive $0xFFFF  }
0xa2: {  	p0 =	sne.s32 s1, $0x0;
	_ =	strace $0x90000047  }
0xa3: {  	s0 =	sadd.s32 @!p0 $0x100000, s0;
	[bflag:$0x2] =	sbarrier.arrive $0xFFFF  }
0xa4: {  	[sflag:s0] =	ssyncadd.tile.s32 @!p0 $0x1;
	_ =	shalt  }
.Lfunc_end2:
_tile_overlayer_lowered:
.L_overlay_start_2:
0xa5: {  	(tag) =	ssettag $0x2  }
0xa6: {  	s0 =	rddreg [dreg:$0x0];
	s2 =	stileid.u32  }
0xa7: {  	s1 =	rddreg [dreg:$0x1];
	p0 =	sne.s32 s2, $0x0  }
0xa8: {  	s3 =	rddreg [dreg:$0x2];
	[bflag:$0x3] =	sbarrier.arrive $0xFFFF;
	s2 =	simm.s32 @!p0 $0x1C02  }
0xa9: {  	[timem:s3], [sflag:s2] =	dma.local @!p0 [hbm:s0], s1  }
0xaa: {  	s0 =	simm.s32 @!p0 $0x2  }
0xab: {  	_ =	swait.ge @!p0 [sflag:s0], s1  }
0xac: {  	s1 =	ssub.s32 @!p0 $0x0, s1;
	[sflag:s0] =	ssyncset.done @!p0 $0x0  }
0xad: {  	[sflag:s0] =	ssyncadd.s32 @!p0 s1  }
0xae: {  	[bflag:$0x3] =	sbarrier.arrive $0xFFFF  }
0xaf: {  	_ =	shalt  }

</sc_bundles>
